<compile_context>
chip_gen: v7x
topology: tpu7x:2x2x1
jax: 0.10.2.dev20260603
libtpu: 0.0.44.dev20260713+nightly
codegen_flags: <defaults>
</compile_context>

<pallas_src>
import functools

import jax
import jax.numpy as jnp
from jax import lax
from jax.experimental import pallas as pl
from jax.experimental.pallas import tpu as pltpu
from jax.experimental.pallas import tpu_sc as plsc

_VOCAB = 100000
_S = 200
_D = 64
_B = 4096

_NC = 2
_NS = 16
_NW = _NC * _NS

_BW = _B // _NW
_NBUF = 4

_mesh = plsc.VectorSubcoreMesh(core_axis_name="c", subcore_axis_name="s")


@functools.partial(
    pl.kernel,
    mesh=_mesh,
    out_type=jax.ShapeDtypeStruct((_S, _D // 8, _NW, 8, _BW), jnp.float32),
    scratch_types=[
        pltpu.VMEM((_S, _D), jnp.float32),
        pltpu.VMEM((_S, _BW), jnp.int32),
    ]
    + [pltpu.VMEM((_BW, _D), jnp.float32) for _ in range(_NBUF)]
    + [pltpu.VMEM((8, 8, _BW), jnp.float32) for _ in range(_NBUF)]
    + [pltpu.VMEM((_D * (_BW + 1),), jnp.float32)]
    + [pltpu.SemaphoreType.DMA for _ in range(2 * _NBUF)],
    compiler_params=pltpu.CompilerParams(use_tc_tiling_on_sc=False,
                                         needs_layout_passes=False),
)
def _embed_pe(xt_hbm, emb_hbm, pos_hbm, out_hbm, pos_v, idx_v,
              gb0, gb1, gb2, gb3, sb0, sb1, sb2, sb3, wb,
              g0, g1, g2, g3, s0, s1, s2, s3):
    gbufs = [gb0, gb1, gb2, gb3]
    sbufs = [sb0, sb1, sb2, sb3]
    gsems = [g0, g1, g2, g3]
    ssems = [s0, s1, s2, s3]

    cid = lax.axis_index("c")
    sid = lax.axis_index("s")
    wid = sid * _NC + cid

    pltpu.sync_copy(pos_hbm, pos_v)
    pltpu.sync_copy(xt_hbm.at[:, wid], idx_v)

    def issue_gather(s, p):
        pltpu.async_copy(emb_hbm.at[idx_v.at[s]], gbufs[p], gsems[p])

    def wait_gather(p):
        pltpu.make_async_copy(emb_hbm.at[pl.ds(0, _BW)], gbufs[p],
                              gsems[p]).wait()

    def issue_scatter(s, p):
        pltpu.async_copy(sbufs[p], out_hbm.at[s, :, wid], ssems[p])

    def wait_scatter(p):
        pltpu.make_async_copy(sbufs[p], out_hbm.at[0, :, 0], ssems[p]).wait()

    basej = [(16 * j + lax.iota(jnp.int32, 16)) * (_BW + 1)
             for j in range(_D // 16)]

    def transpose_add(s, p):
        gb = gbufs[p]
        sb = sbufs[p]
        pv = [pos_v[s, pl.ds(16 * j, 16)] for j in range(_D // 16)]

        @plsc.parallel_loop(0, _BW, 1, unroll=4)
        def _r_body(r):
            rv = jnp.full((16,), r, jnp.int32)
            for j in range(_D // 16):
                v = gb[r, pl.ds(16 * j, 16)]
                plsc.store_scatter(wb, [basej[j] + rv], v + pv[j])

        @plsc.parallel_loop(0, _D, 1, unroll=4)
        def _d_body(d):
            for k in range(_BW // 16):
                sb[d >> 3, d & 7, pl.ds(16 * k, 16)] = (
                    wb[pl.ds(d * (_BW + 1) + 16 * k, 16)])

    def body(s, p):
        @pl.when(s + (_NBUF - 1) < _S)
        def _():
            issue_gather(s + (_NBUF - 1), (p + _NBUF - 1) % _NBUF)

        wait_gather(p)

        @pl.when(s >= _NBUF)
        def _():
            wait_scatter(p)

        transpose_add(s, p)
        issue_scatter(s, p)

    for p in range(_NBUF - 1):
        issue_gather(p, p)

    def outer(i, carry):
        for p in range(_NBUF):
            body(i * _NBUF + p, p)
        return carry

    lax.fori_loop(0, _S // _NBUF, outer, 0)
    for p in range(_NBUF):
        wait_scatter(p)


def kernel(x, emb_table, pos_table):
    xt = jnp.transpose(x.astype(jnp.int32)).reshape(_S, _NW, _BW)
    out5 = _embed_pe(xt, emb_table, pos_table)
    return jnp.transpose(out5, (2, 4, 0, 1, 3)).reshape(_B, _S, _D)

# --- scband reference (transcript-rebuilt; emitter-appended) ---
"""Pipeline reference for scband-embedding-with-pe-35837207118428 (READ-ONLY COPY).

The authoritative reference and input builder live on the scoring server;
editing this copy changes nothing except your own understanding.
"""

import jax, jax.numpy as jnp
import numpy as np

VOCAB = 100000
SEQ_LEN = 200
EMBED_DIM = 64
BATCH = 4096


def setup_inputs(seed: int = 0) -> dict:
    key = jax.random.key(seed)
    k_x, k_emb, k_pos = jax.random.split(key, 3)
    x = jax.random.randint(k_x, (BATCH, SEQ_LEN), 0, VOCAB, dtype=jnp.int64 if jax.config.jax_enable_x64 else jnp.int32)
    emb_table = jax.random.normal(k_emb, (VOCAB, EMBED_DIM), dtype=jnp.float32)
    pos_table = jax.random.normal(k_pos, (SEQ_LEN, EMBED_DIM), dtype=jnp.float32)
    return {"x": x, "emb_table": emb_table, "pos_table": pos_table}


def reference(x, emb_table, pos_table):
    # position encoding: sequence_range = arange(seq_len)[None, :] -> pe [1, S, D]
    seq_range = jnp.arange(SEQ_LEN)
    pe = jnp.take(pos_table, seq_range, axis=0)[None, :, :]
    # token embedding gather: [B, S, D]
    embedding = jnp.take(emb_table, x, axis=0)
    return embedding + pe

if __name__ == "__main__":
    import jax
    _d = setup_inputs()
    print(jax.jit(kernel)(*tuple(_d.values())))

</pallas_src>

<mosaic_0001>
#map = affine_map<(d0, d1) -> (0, 0, 0)>
#map1 = affine_map<(d0, d1) -> (0, 0)>
#map2 = affine_map<(d0, d1) -> (0, 0, 0, 0, 0)>
module attributes {stable_mosaic.version = 14 : i64} {
  func.func @_embed_pe(%arg0: i32, %arg1: i32, %arg2: memref<200x32x128xi32, #tpu.memory_space<hbm>>, %arg3: memref<100000x64xf32, #tpu.memory_space<hbm>>, %arg4: memref<200x64xf32, #tpu.memory_space<hbm>>, %arg5: memref<200x8x32x8x128xf32, #tpu.memory_space<hbm>>, %arg6: memref<200x64xf32, #tpu.memory_space<vmem>>, %arg7: memref<200x128xi32, #tpu.memory_space<vmem>>, %arg8: memref<128x64xf32, #tpu.memory_space<vmem>>, %arg9: memref<128x64xf32, #tpu.memory_space<vmem>>, %arg10: memref<128x64xf32, #tpu.memory_space<vmem>>, %arg11: memref<128x64xf32, #tpu.memory_space<vmem>>, %arg12: memref<8x8x128xf32, #tpu.memory_space<vmem>>, %arg13: memref<8x8x128xf32, #tpu.memory_space<vmem>>, %arg14: memref<8x8x128xf32, #tpu.memory_space<vmem>>, %arg15: memref<8x8x128xf32, #tpu.memory_space<vmem>>, %arg16: memref<8256xf32, #tpu.memory_space<vmem>>, %arg17: memref<!tpu.dma_semaphore, #tpu.memory_space<semaphore_mem>>, %arg18: memref<!tpu.dma_semaphore, #tpu.memory_space<semaphore_mem>>, %arg19: memref<!tpu.dma_semaphore, #tpu.memory_space<semaphore_mem>>, %arg20: memref<!tpu.dma_semaphore, #tpu.memory_space<semaphore_mem>>, %arg21: memref<!tpu.dma_semaphore, #tpu.memory_space<semaphore_mem>>, %arg22: memref<!tpu.dma_semaphore, #tpu.memory_space<semaphore_mem>>, %arg23: memref<!tpu.dma_semaphore, #tpu.memory_space<semaphore_mem>>, %arg24: memref<!tpu.dma_semaphore, #tpu.memory_space<semaphore_mem>>) attributes {dimension_semantics = [#tpu.dimension_semantics<core_parallel>, #tpu.dimension_semantics<subcore_parallel>], iteration_bounds = array<i64: 2, 16>, scalar_prefetch = 0 : i64, scratch_operands = 19 : i64, tpu.core_type = #tpu.core_type<sc_vector_subcore>, window_params = [{transform_indices = #map}, {transform_indices = #map1}, {transform_indices = #map1}, {transform_indices = #map2}]} {
    %mul3A = arith.constant 2 : i32
    %mul3A_0 = arith.muli %arg1, %mul3A : i32
    %add3A = arith.addi %mul3A_0, %arg0 : i32
    "tpu.region"() ({
      %run_scoped3A = tpu.sem_alloc : memref<!tpu.dma_semaphore, #tpu.memory_space<semaphore_mem>>
      tpu.enqueue_dma source(%arg4 : memref<200x64xf32, #tpu.memory_space<hbm>>) target(%arg6 : memref<200x64xf32, #tpu.memory_space<vmem>>) target_semaphore(%run_scoped3A : memref<!tpu.dma_semaphore, #tpu.memory_space<semaphore_mem>>)
      tpu.wait_dma2 semaphore(%run_scoped3A : memref<!tpu.dma_semaphore, #tpu.memory_space<semaphore_mem>>) src(%arg4 : memref<200x64xf32, #tpu.memory_space<hbm>>) dst(%arg6 : memref<200x64xf32, #tpu.memory_space<vmem>>)
      tpu.yield
    }) : () -> ()
    "tpu.region"() ({
      %run_scoped3A = tpu.sem_alloc : memref<!tpu.dma_semaphore, #tpu.memory_space<semaphore_mem>>
      %dma_start3A_100 = arith.constant 0 : i32
      %dma_start3A_101 = arith.constant 0 : i32
      %dma_start3A_102 = tpu.memref_slice %arg2[%dma_start3A_100, %add3A, %dma_start3A_101] : memref<200x32x128xi32, #tpu.memory_space<hbm>> -> memref<200x1x128xi32, #tpu.memory_space<hbm>>
      %dma_start3A_103 = tpu.memref_squeeze %dma_start3A_102 : memref<200x1x128xi32, #tpu.memory_space<hbm>> -> memref<200x128xi32, #tpu.memory_space<hbm>>
      %dma_start3A_104 = arith.constant 0 : i32
      %dma_start3A_105 = arith.constant 0 : i32
      %dma_start3A_106 = tpu.memref_slice %arg2[%dma_start3A_104, %add3A, %dma_start3A_105] : memref<200x32x128xi32, #tpu.memory_space<hbm>> -> memref<200x1x128xi32, #tpu.memory_space<hbm>>
      %dma_start3A_107 = tpu.memref_squeeze %dma_start3A_106 : memref<200x1x128xi32, #tpu.memory_space<hbm>> -> memref<200x128xi32, #tpu.memory_space<hbm>>
      tpu.enqueue_dma source(%dma_start3A_107 : memref<200x128xi32, #tpu.memory_space<hbm>>) target(%arg7 : memref<200x128xi32, #tpu.memory_space<vmem>>) target_semaphore(%run_scoped3A : memref<!tpu.dma_semaphore, #tpu.memory_space<semaphore_mem>>)
      %dma_wait3A_108 = arith.constant 0 : i32
      %dma_wait3A_109 = arith.constant 0 : i32
      %dma_wait3A_110 = tpu.memref_slice %arg2[%dma_wait3A_108, %add3A, %dma_wait3A_109] : memref<200x32x128xi32, #tpu.memory_space<hbm>> -> memref<200x1x128xi32, #tpu.memory_space<hbm>>
      %dma_wait3A_111 = tpu.memref_squeeze %dma_wait3A_110 : memref<200x1x128xi32, #tpu.memory_space<hbm>> -> memref<200x128xi32, #tpu.memory_space<hbm>>
      %dma_wait3A_112 = arith.constant 0 : i32
      %dma_wait3A_113 = arith.constant 0 : i32
      %dma_wait3A_114 = tpu.memref_slice %arg2[%dma_wait3A_112, %add3A, %dma_wait3A_113] : memref<200x32x128xi32, #tpu.memory_space<hbm>> -> memref<200x1x128xi32, #tpu.memory_space<hbm>>
      %dma_wait3A_115 = tpu.memref_squeeze %dma_wait3A_114 : memref<200x1x128xi32, #tpu.memory_space<hbm>> -> memref<200x128xi32, #tpu.memory_space<hbm>>
      tpu.wait_dma2 semaphore(%run_scoped3A : memref<!tpu.dma_semaphore, #tpu.memory_space<semaphore_mem>>) src(%dma_wait3A_115 : memref<200x128xi32, #tpu.memory_space<hbm>>) dst(%arg7 : memref<200x128xi32, #tpu.memory_space<vmem>>)
      tpu.yield
    }) : () -> ()
    %iota3A = tpu.iota {dimensions = array<i32: 0>} : vector<16xi32>
    %add3A_1 = arith.constant 0 : i32
    %add3A_2 = vector.broadcast %add3A_1 : i32 to vector<16xi32>
    %add3A_3 = arith.addi %add3A_2, %iota3A : vector<16xi32>
    %mul3A_4 = arith.constant 129 : i32
    %mul3A_5 = vector.broadcast %mul3A_4 : i32 to vector<16xi32>
    %mul3A_6 = arith.muli %add3A_3, %mul3A_5 : vector<16xi32>
    %iota3A_7 = tpu.iota {dimensions = array<i32: 0>} : vector<16xi32>
    %add3A_8 = arith.constant 16 : i32
    %add3A_9 = vector.broadcast %add3A_8 : i32 to vector<16xi32>
    %add3A_10 = arith.addi %add3A_9, %iota3A_7 : vector<16xi32>
    %mul3A_11 = arith.constant 129 : i32
    %mul3A_12 = vector.broadcast %mul3A_11 : i32 to vector<16xi32>
    %mul3A_13 = arith.muli %add3A_10, %mul3A_12 : vector<16xi32>
    %iota3A_14 = tpu.iota {dimensions = array<i32: 0>} : vector<16xi32>
    %add3A_15 = arith.constant 32 : i32
    %add3A_16 = vector.broadcast %add3A_15 : i32 to vector<16xi32>
    %add3A_17 = arith.addi %add3A_16, %iota3A_14 : vector<16xi32>
    %mul3A_18 = arith.constant 129 : i32
    %mul3A_19 = vector.broadcast %mul3A_18 : i32 to vector<16xi32>
    %mul3A_20 = arith.muli %add3A_17, %mul3A_19 : vector<16xi32>
    %iota3A_21 = tpu.iota {dimensions = array<i32: 0>} : vector<16xi32>
    %add3A_22 = arith.constant 48 : i32
    %add3A_23 = vector.broadcast %add3A_22 : i32 to vector<16xi32>
    %add3A_24 = arith.addi %add3A_23, %iota3A_21 : vector<16xi32>
    %mul3A_25 = arith.constant 129 : i32
    %mul3A_26 = vector.broadcast %mul3A_25 : i32 to vector<16xi32>
    %mul3A_27 = arith.muli %add3A_24, %mul3A_26 : vector<16xi32>
    %dma_start3A = arith.constant 0 : i32
    %dma_start3A_28 = arith.constant 0 : i32
    %dma_start3A_29 = tpu.memref_slice %arg7[%dma_start3A, %dma_start3A_28] : memref<200x128xi32, #tpu.memory_space<vmem>> -> memref<1x128xi32, #tpu.memory_space<vmem>>
    %dma_start3A_30 = tpu.memref_squeeze %dma_start3A_29 : memref<1x128xi32, #tpu.memory_space<vmem>> -> memref<128xi32, #tpu.memory_space<vmem>>
    %dma_start3A_31 = arith.constant 0 : i32
    %dma_start3A_32 = arith.constant 0 : i32
    %dma_start3A_33 = tpu.memref_slice %arg3[%dma_start3A_31, %dma_start3A_32] : memref<100000x64xf32, #tpu.memory_space<hbm>> -> memref<100000x64xf32, #tpu.memory_space<hbm>>
    tpu.enqueue_indirect_dma source(%dma_start3A_33 : memref<100000x64xf32, #tpu.memory_space<hbm>>) target(%arg8 : memref<128x64xf32, #tpu.memory_space<vmem>>) offsets(%dma_start3A_30 : memref<128xi32, #tpu.memory_space<vmem>>) semaphore(%arg17 : memref<!tpu.dma_semaphore, #tpu.memory_space<semaphore_mem>>)
    %dma_start3A_34 = arith.constant 1 : i32
    %dma_start3A_35 = arith.constant 0 : i32
    %dma_start3A_36 = tpu.memref_slice %arg7[%dma_start3A_34, %dma_start3A_35] : memref<200x128xi32, #tpu.memory_space<vmem>> -> memref<1x128xi32, #tpu.memory_space<vmem>>
    %dma_start3A_37 = tpu.memref_squeeze %dma_start3A_36 : memref<1x128xi32, #tpu.memory_space<vmem>> -> memref<128xi32, #tpu.memory_space<vmem>>
    %dma_start3A_38 = arith.constant 0 : i32
    %dma_start3A_39 = arith.constant 0 : i32
    %dma_start3A_40 = tpu.memref_slice %arg3[%dma_start3A_38, %dma_start3A_39] : memref<100000x64xf32, #tpu.memory_space<hbm>> -> memref<100000x64xf32, #tpu.memory_space<hbm>>
    tpu.enqueue_indirect_dma source(%dma_start3A_40 : memref<100000x64xf32, #tpu.memory_space<hbm>>) target(%arg9 : memref<128x64xf32, #tpu.memory_space<vmem>>) offsets(%dma_start3A_37 : memref<128xi32, #tpu.memory_space<vmem>>) semaphore(%arg18 : memref<!tpu.dma_semaphore, #tpu.memory_space<semaphore_mem>>)
    %dma_start3A_41 = arith.constant 2 : i32
    %dma_start3A_42 = arith.constant 0 : i32
    %dma_start3A_43 = tpu.memref_slice %arg7[%dma_start3A_41, %dma_start3A_42] : memref<200x128xi32, #tpu.memory_space<vmem>> -> memref<1x128xi32, #tpu.memory_space<vmem>>
    %dma_start3A_44 = tpu.memref_squeeze %dma_start3A_43 : memref<1x128xi32, #tpu.memory_space<vmem>> -> memref<128xi32, #tpu.memory_space<vmem>>
    %dma_start3A_45 = arith.constant 0 : i32
    %dma_start3A_46 = arith.constant 0 : i32
    %dma_start3A_47 = tpu.memref_slice %arg3[%dma_start3A_45, %dma_start3A_46] : memref<100000x64xf32, #tpu.memory_space<hbm>> -> memref<100000x64xf32, #tpu.memory_space<hbm>>
    tpu.enqueue_indirect_dma source(%dma_start3A_47 : memref<100000x64xf32, #tpu.memory_space<hbm>>) target(%arg10 : memref<128x64xf32, #tpu.memory_space<vmem>>) offsets(%dma_start3A_44 : memref<128xi32, #tpu.memory_space<vmem>>) semaphore(%arg19 : memref<!tpu.dma_semaphore, #tpu.memory_space<semaphore_mem>>)
    %scan3A = arith.constant 0 : i32
    %scan3A_48 = arith.constant 0 : i32
    %scan3A_49 = arith.constant 50 : i32
    %scan3A_50 = arith.addi %scan3A_48, %scan3A_49 : i32
    %scan3A_51 = arith.constant 1 : i32
    scf.for %scan3A_100 = %scan3A_48 to %scan3A_50 step %scan3A_51  : i32 {
      %mul3A_101 = arith.constant 4 : i32
      %mul3A_102 = arith.muli %scan3A_100, %mul3A_101 : i32
      %add3A_103 = arith.constant 0 : i32
      %add3A_104 = arith.addi %mul3A_102, %add3A_103 : i32
      %add3A_105 = arith.constant 3 : i32
      %add3A_106 = arith.addi %add3A_104, %add3A_105 : i32
      %lt3A = arith.constant 200 : i32
      %lt3A_107 = arith.cmpi slt, %add3A_106, %lt3A : i32
      %convert_element_type3A = arith.extui %lt3A_107 : i1 to i32
      %cond3A = arith.constant 0 : i32
      %cond3A_108 = arith.cmpi ne, %convert_element_type3A, %cond3A : i32
      scf.if %cond3A_108 {
        %add3A_295 = arith.constant 3 : i32
        %add3A_296 = arith.addi %add3A_104, %add3A_295 : i32
        %dma_start3A_297 = arith.constant 0 : i32
        %dma_start3A_298 = tpu.memref_slice %arg7[%add3A_296, %dma_start3A_297] : memref<200x128xi32, #tpu.memory_space<vmem>> -> memref<1x128xi32, #tpu.memory_space<vmem>>
        %dma_start3A_299 = tpu.memref_squeeze %dma_start3A_298 : memref<1x128xi32, #tpu.memory_space<vmem>> -> memref<128xi32, #tpu.memory_space<vmem>>
        %dma_start3A_300 = arith.constant 0 : i32
        %dma_start3A_301 = arith.constant 0 : i32
        %dma_start3A_302 = tpu.memref_slice %arg3[%dma_start3A_300, %dma_start3A_301] : memref<100000x64xf32, #tpu.memory_space<hbm>> -> memref<100000x64xf32, #tpu.memory_space<hbm>>
        tpu.enqueue_indirect_dma source(%dma_start3A_302 : memref<100000x64xf32, #tpu.memory_space<hbm>>) target(%arg11 : memref<128x64xf32, #tpu.memory_space<vmem>>) offsets(%dma_start3A_299 : memref<128xi32, #tpu.memory_space<vmem>>) semaphore(%arg20 : memref<!tpu.dma_semaphore, #tpu.memory_space<semaphore_mem>>)
      } else {
      }
      %dma_wait3A_109 = arith.constant 0 : i32
      %dma_wait3A_110 = arith.constant 0 : i32
      %dma_wait3A_111 = tpu.memref_slice %arg3[%dma_wait3A_109, %dma_wait3A_110] : memref<100000x64xf32, #tpu.memory_space<hbm>> -> memref<128x64xf32, #tpu.memory_space<hbm>>
      %dma_wait3A_112 = arith.constant 0 : i32
      %dma_wait3A_113 = arith.constant 0 : i32
      %dma_wait3A_114 = tpu.memref_slice %arg3[%dma_wait3A_112, %dma_wait3A_113] : memref<100000x64xf32, #tpu.memory_space<hbm>> -> memref<128x64xf32, #tpu.memory_space<hbm>>
      tpu.wait_dma2 semaphore(%arg17 : memref<!tpu.dma_semaphore, #tpu.memory_space<semaphore_mem>>) src(%dma_wait3A_114 : memref<128x64xf32, #tpu.memory_space<hbm>>) dst(%arg8 : memref<128x64xf32, #tpu.memory_space<vmem>>)
      %ge3A = arith.constant 4 : i32
      %ge3A_115 = arith.cmpi sge, %add3A_104, %ge3A : i32
      %convert_element_type3A_116 = arith.extui %ge3A_115 : i1 to i32
      %cond3A_117 = arith.constant 0 : i32
      %cond3A_118 = arith.cmpi ne, %convert_element_type3A_116, %cond3A_117 : i32
      scf.if %cond3A_118 {
        %dma_wait3A_295 = arith.constant 0 : i32
        %dma_wait3A_296 = arith.constant 0 : i32
        %dma_wait3A_297 = arith.constant 0 : i32
        %dma_wait3A_298 = arith.constant 0 : i32
        %dma_wait3A_299 = arith.constant 0 : i32
        %dma_wait3A_300 = tpu.memref_slice %arg5[%dma_wait3A_295, %dma_wait3A_297, %dma_wait3A_296, %dma_wait3A_298, %dma_wait3A_299] : memref<200x8x32x8x128xf32, #tpu.memory_space<hbm>> -> memref<1x8x1x8x128xf32, #tpu.memory_space<hbm>>
        %dma_wait3A_301 = tpu.memref_squeeze %dma_wait3A_300 : memref<1x8x1x8x128xf32, #tpu.memory_space<hbm>> -> memref<8x8x128xf32, #tpu.memory_space<hbm>>
        %dma_wait3A_302 = arith.constant 0 : i32
        %dma_wait3A_303 = arith.constant 0 : i32
        %dma_wait3A_304 = arith.constant 0 : i32
        %dma_wait3A_305 = tpu.memref_slice %arg5[%dma_wait3A_295, %dma_wait3A_302, %dma_wait3A_296, %dma_wait3A_303, %dma_wait3A_304] : memref<200x8x32x8x128xf32, #tpu.memory_space<hbm>> -> memref<1x8x1x8x128xf32, #tpu.memory_space<hbm>>
        %dma_wait3A_306 = tpu.memref_squeeze %dma_wait3A_305 : memref<1x8x1x8x128xf32, #tpu.memory_space<hbm>> -> memref<8x8x128xf32, #tpu.memory_space<hbm>>
        tpu.wait_dma2 semaphore(%arg21 : memref<!tpu.dma_semaphore, #tpu.memory_space<semaphore_mem>>) src(%arg12 : memref<8x8x128xf32, #tpu.memory_space<vmem>>) dst(%dma_wait3A_306 : memref<8x8x128xf32, #tpu.memory_space<hbm>>)
      } else {
      }
      %get3A = arith.index_cast %add3A_104 : i32 to index
      %get3A_119 = arith.constant 0 : index
      %get3A_120 = tpu.vector_load %arg6[%get3A, %get3A_119] {strides = array<i32>} : memref<200x64xf32, #tpu.memory_space<vmem>>, vector<16xf32>,
      %get3A_121 = arith.index_cast %add3A_104 : i32 to index
      %get3A_122 = arith.constant 16 : index
      %get3A_123 = tpu.vector_load %arg6[%get3A_121, %get3A_122] {strides = array<i32>} : memref<200x64xf32, #tpu.memory_space<vmem>>, vector<16xf32>,
      %get3A_124 = arith.index_cast %add3A_104 : i32 to index
      %get3A_125 = arith.constant 32 : index
      %get3A_126 = tpu.vector_load %arg6[%get3A_124, %get3A_125] {strides = array<i32>} : memref<200x64xf32, #tpu.memory_space<vmem>>, vector<16xf32>,
      %get3A_127 = arith.index_cast %add3A_104 : i32 to index
      %get3A_128 = arith.constant 48 : index
      %get3A_129 = tpu.vector_load %arg6[%get3A_127, %get3A_128] {strides = array<i32>} : memref<200x64xf32, #tpu.memory_space<vmem>>, vector<16xf32>,
      %parallel_loop3A = arith.constant 0 : i32
      %parallel_loop3A_130 = arith.constant 128 : i32
      %parallel_loop3A_131 = arith.constant 1 : i32
      scf.for %parallel_loop3A_295 = %parallel_loop3A to %parallel_loop3A_130 step %parallel_loop3A_131  : i32 {
        %parallel_loop3A_296 = vector.broadcast %parallel_loop3A_295 : i32 to vector<16xi32>
        %parallel_loop3A_297 = arith.index_cast %parallel_loop3A_295 : i32 to index
        %parallel_loop3A_298 = arith.constant 0 : index
        %parallel_loop3A_299 = tpu.vector_load %arg8[%parallel_loop3A_297, %parallel_loop3A_298] {strides = array<i32>} : memref<128x64xf32, #tpu.memory_space<vmem>>, vector<16xf32>,
        %parallel_loop3A_300 = arith.addi %mul3A_6, %parallel_loop3A_296 : vector<16xi32>
        %parallel_loop3A_301 = arith.addf %parallel_loop3A_299, %get3A_120 : vector<16xf32>
        tpu.vector_store_idx %arg16[%parallel_loop3A_300], %parallel_loop3A_301 : memref<8256xf32, #tpu.memory_space<vmem>>[vector<16xi32>], vector<16xf32>,
        %parallel_loop3A_302 = arith.index_cast %parallel_loop3A_295 : i32 to index
        %parallel_loop3A_303 = arith.constant 16 : index
        %parallel_loop3A_304 = tpu.vector_load %arg8[%parallel_loop3A_302, %parallel_loop3A_303] {strides = array<i32>} : memref<128x64xf32, #tpu.memory_space<vmem>>, vector<16xf32>,
        %parallel_loop3A_305 = arith.addi %mul3A_13, %parallel_loop3A_296 : vector<16xi32>
        %parallel_loop3A_306 = arith.addf %parallel_loop3A_304, %get3A_123 : vector<16xf32>
        tpu.vector_store_idx %arg16[%parallel_loop3A_305], %parallel_loop3A_306 : memref<8256xf32, #tpu.memory_space<vmem>>[vector<16xi32>], vector<16xf32>,
        %parallel_loop3A_307 = arith.index_cast %parallel_loop3A_295 : i32 to index
        %parallel_loop3A_308 = arith.constant 32 : index
        %parallel_loop3A_309 = tpu.vector_load %arg8[%parallel_loop3A_307, %parallel_loop3A_308] {strides = array<i32>} : memref<128x64xf32, #tpu.memory_space<vmem>>, vector<16xf32>,
        %parallel_loop3A_310 = arith.addi %mul3A_20, %parallel_loop3A_296 : vector<16xi32>
        %parallel_loop3A_311 = arith.addf %parallel_loop3A_309, %get3A_126 : vector<16xf32>
        tpu.vector_store_idx %arg16[%parallel_loop3A_310], %parallel_loop3A_311 : memref<8256xf32, #tpu.memory_space<vmem>>[vector<16xi32>], vector<16xf32>,
        %parallel_loop3A_312 = arith.index_cast %parallel_loop3A_295 : i32 to index
        %parallel_loop3A_313 = arith.constant 48 : index
        %parallel_loop3A_314 = tpu.vector_load %arg8[%parallel_loop3A_312, %parallel_loop3A_313] {strides = array<i32>} : memref<128x64xf32, #tpu.memory_space<vmem>>, vector<16xf32>,
        %parallel_loop3A_315 = arith.addi %mul3A_27, %parallel_loop3A_296 : vector<16xi32>
        %parallel_loop3A_316 = arith.addf %parallel_loop3A_314, %get3A_129 : vector<16xf32>
        tpu.vector_store_idx %arg16[%parallel_loop3A_315], %parallel_loop3A_316 : memref<8256xf32, #tpu.memory_space<vmem>>[vector<16xi32>], vector<16xf32>,
      } {sc.loop_unroll_factor = 4 : i64, sc.parallel_access}
      %parallel_loop3A_132 = arith.constant 0 : i32
      %parallel_loop3A_133 = arith.constant 64 : i32
      %parallel_loop3A_134 = arith.constant 1 : i32
      scf.for %parallel_loop3A_295 = %parallel_loop3A_132 to %parallel_loop3A_133 step %parallel_loop3A_134  : i32 {
        %parallel_loop3A_296 = arith.constant 129 : i32
        %parallel_loop3A_297 = arith.muli %parallel_loop3A_295, %parallel_loop3A_296 : i32
        %parallel_loop3A_298 = arith.constant 0 : i32
        %parallel_loop3A_299 = arith.addi %parallel_loop3A_297, %parallel_loop3A_298 : i32
        %parallel_loop3A_300 = arith.index_cast %parallel_loop3A_299 : i32 to index
        %parallel_loop3A_301 = tpu.vector_load %arg16[%parallel_loop3A_300] {strides = array<i32>} : memref<8256xf32, #tpu.memory_space<vmem>>, vector<16xf32>,
        %parallel_loop3A_302 = arith.constant 3 : i32
        %parallel_loop3A_303 = arith.shrsi %parallel_loop3A_295, %parallel_loop3A_302 : i32
        %parallel_loop3A_304 = arith.constant 7 : i32
        %parallel_loop3A_305 = arith.andi %parallel_loop3A_295, %parallel_loop3A_304 : i32
        %parallel_loop3A_306 = arith.index_cast %parallel_loop3A_303 : i32 to index
        %parallel_loop3A_307 = arith.index_cast %parallel_loop3A_305 : i32 to index
        %parallel_loop3A_308 = arith.constant 0 : index
        %parallel_loop3A_309 = tpu.vector_load %arg12[%parallel_loop3A_306, %parallel_loop3A_307, %parallel_loop3A_308] {strides = array<i32>} : memref<8x8x128xf32, #tpu.memory_space<vmem>>, vector<16xf32>,
        tpu.vector_store %arg12[%parallel_loop3A_306, %parallel_loop3A_307, %parallel_loop3A_308], %parallel_loop3A_301 {strides = array<i32>} : memref<8x8x128xf32, #tpu.memory_space<vmem>>, vector<16xf32>,
        %parallel_loop3A_310 = arith.constant 129 : i32
        %parallel_loop3A_311 = arith.muli %parallel_loop3A_295, %parallel_loop3A_310 : i32
        %parallel_loop3A_312 = arith.constant 16 : i32
        %parallel_loop3A_313 = arith.addi %parallel_loop3A_311, %parallel_loop3A_312 : i32
        %parallel_loop3A_314 = arith.index_cast %parallel_loop3A_313 : i32 to index
        %parallel_loop3A_315 = tpu.vector_load %arg16[%parallel_loop3A_314] {strides = array<i32>} : memref<8256xf32, #tpu.memory_space<vmem>>, vector<16xf32>,
        %parallel_loop3A_316 = arith.constant 3 : i32
        %parallel_loop3A_317 = arith.shrsi %parallel_loop3A_295, %parallel_loop3A_316 : i32
        %parallel_loop3A_318 = arith.constant 7 : i32
        %parallel_loop3A_319 = arith.andi %parallel_loop3A_295, %parallel_loop3A_318 : i32
        %parallel_loop3A_320 = arith.index_cast %parallel_loop3A_317 : i32 to index
        %parallel_loop3A_321 = arith.index_cast %parallel_loop3A_319 : i32 to index
        %parallel_loop3A_322 = arith.constant 16 : index
        %parallel_loop3A_323 = tpu.vector_load %arg12[%parallel_loop3A_320, %parallel_loop3A_321, %parallel_loop3A_322] {strides = array<i32>} : memref<8x8x128xf32, #tpu.memory_space<vmem>>, vector<16xf32>,
        tpu.vector_store %arg12[%parallel_loop3A_320, %parallel_loop3A_321, %parallel_loop3A_322], %parallel_loop3A_315 {strides = array<i32>} : memref<8x8x128xf32, #tpu.memory_space<vmem>>, vector<16xf32>,
        %parallel_loop3A_324 = arith.constant 129 : i32
        %parallel_loop3A_325 = arith.muli %parallel_loop3A_295, %parallel_loop3A_324 : i32
        %parallel_loop3A_326 = arith.constant 32 : i32
        %parallel_loop3A_327 = arith.addi %parallel_loop3A_325, %parallel_loop3A_326 : i32
        %parallel_loop3A_328 = arith.index_cast %parallel_loop3A_327 : i32 to index
        %parallel_loop3A_329 = tpu.vector_load %arg16[%parallel_loop3A_328] {strides = array<i32>} : memref<8256xf32, #tpu.memory_space<vmem>>, vector<16xf32>,
        %parallel_loop3A_330 = arith.constant 3 : i32
        %parallel_loop3A_331 = arith.shrsi %parallel_loop3A_295, %parallel_loop3A_330 : i32
        %parallel_loop3A_332 = arith.constant 7 : i32
        %parallel_loop3A_333 = arith.andi %parallel_loop3A_295, %parallel_loop3A_332 : i32
        %parallel_loop3A_334 = arith.index_cast %parallel_loop3A_331 : i32 to index
        %parallel_loop3A_335 = arith.index_cast %parallel_loop3A_333 : i32 to index
        %parallel_loop3A_336 = arith.constant 32 : index
        %parallel_loop3A_337 = tpu.vector_load %arg12[%parallel_loop3A_334, %parallel_loop3A_335, %parallel_loop3A_336] {strides = array<i32>} : memref<8x8x128xf32, #tpu.memory_space<vmem>>, vector<16xf32>,
        tpu.vector_store %arg12[%parallel_loop3A_334, %parallel_loop3A_335, %parallel_loop3A_336], %parallel_loop3A_329 {strides = array<i32>} : memref<8x8x128xf32, #tpu.memory_space<vmem>>, vector<16xf32>,
        %parallel_loop3A_338 = arith.constant 129 : i32
        %parallel_loop3A_339 = arith.muli %parallel_loop3A_295, %parallel_loop3A_338 : i32
        %parallel_loop3A_340 = arith.constant 48 : i32
        %parallel_loop3A_341 = arith.addi %parallel_loop3A_339, %parallel_loop3A_340 : i32
        %parallel_loop3A_342 = arith.index_cast %parallel_loop3A_341 : i32 to index
        %parallel_loop3A_343 = tpu.vector_load %arg16[%parallel_loop3A_342] {strides = array<i32>} : memref<8256xf32, #tpu.memory_space<vmem>>, vector<16xf32>,
        %parallel_loop3A_344 = arith.constant 3 : i32
        %parallel_loop3A_345 = arith.shrsi %parallel_loop3A_295, %parallel_loop3A_344 : i32
        %parallel_loop3A_346 = arith.constant 7 : i32
        %parallel_loop3A_347 = arith.andi %parallel_loop3A_295, %parallel_loop3A_346 : i32
        %parallel_loop3A_348 = arith.index_cast %parallel_loop3A_345 : i32 to index
        %parallel_loop3A_349 = arith.index_cast %parallel_loop3A_347 : i32 to index
        %parallel_loop3A_350 = arith.constant 48 : index
        %parallel_loop3A_351 = tpu.vector_load %arg12[%parallel_loop3A_348, %parallel_loop3A_349, %parallel_loop3A_350] {strides = array<i32>} : memref<8x8x128xf32, #tpu.memory_space<vmem>>, vector<16xf32>,
        tpu.vector_store %arg12[%parallel_loop3A_348, %parallel_loop3A_349, %parallel_loop3A_350], %parallel_loop3A_343 {strides = array<i32>} : memref<8x8x128xf32, #tpu.memory_space<vmem>>, vector<16xf32>,
        %parallel_loop3A_352 = arith.constant 129 : i32
        %parallel_loop3A_353 = arith.muli %parallel_loop3A_295, %parallel_loop3A_352 : i32
        %parallel_loop3A_354 = arith.constant 64 : i32
        %parallel_loop3A_355 = arith.addi %parallel_loop3A_353, %parallel_loop3A_354 : i32
        %parallel_loop3A_356 = arith.index_cast %parallel_loop3A_355 : i32 to index
        %parallel_loop3A_357 = tpu.vector_load %arg16[%parallel_loop3A_356] {strides = array<i32>} : memref<8256xf32, #tpu.memory_space<vmem>>, vector<16xf32>,
        %parallel_loop3A_358 = arith.constant 3 : i32
        %parallel_loop3A_359 = arith.shrsi %parallel_loop3A_295, %parallel_loop3A_358 : i32
        %parallel_loop3A_360 = arith.constant 7 : i32
        %parallel_loop3A_361 = arith.andi %parallel_loop3A_295, %parallel_loop3A_360 : i32
        %parallel_loop3A_362 = arith.index_cast %parallel_loop3A_359 : i32 to index
        %parallel_loop3A_363 = arith.index_cast %parallel_loop3A_361 : i32 to index
        %parallel_loop3A_364 = arith.constant 64 : index
        %parallel_loop3A_365 = tpu.vector_load %arg12[%parallel_loop3A_362, %parallel_loop3A_363, %parallel_loop3A_364] {strides = array<i32>} : memref<8x8x128xf32, #tpu.memory_space<vmem>>, vector<16xf32>,
        tpu.vector_store %arg12[%parallel_loop3A_362, %parallel_loop3A_363, %parallel_loop3A_364], %parallel_loop3A_357 {strides = array<i32>} : memref<8x8x128xf32, #tpu.memory_space<vmem>>, vector<16xf32>,
        %parallel_loop3A_366 = arith.constant 129 : i32
        %parallel_loop3A_367 = arith.muli %parallel_loop3A_295, %parallel_loop3A_366 : i32
        %parallel_loop3A_368 = arith.constant 80 : i32
        %parallel_loop3A_369 = arith.addi %parallel_loop3A_367, %parallel_loop3A_368 : i32
        %parallel_loop3A_370 = arith.index_cast %parallel_loop3A_369 : i32 to index
        %parallel_loop3A_371 = tpu.vector_load %arg16[%parallel_loop3A_370] {strides = array<i32>} : memref<8256xf32, #tpu.memory_space<vmem>>, vector<16xf32>,
        %parallel_loop3A_372 = arith.constant 3 : i32
        %parallel_loop3A_373 = arith.shrsi %parallel_loop3A_295, %parallel_loop3A_372 : i32
        %parallel_loop3A_374 = arith.constant 7 : i32
        %parallel_loop3A_375 = arith.andi %parallel_loop3A_295, %parallel_loop3A_374 : i32
        %parallel_loop3A_376 = arith.index_cast %parallel_loop3A_373 : i32 to index
        %parallel_loop3A_377 = arith.index_cast %parallel_loop3A_375 : i32 to index
        %parallel_loop3A_378 = arith.constant 80 : index
        %parallel_loop3A_379 = tpu.vector_load %arg12[%parallel_loop3A_376, %parallel_loop3A_377, %parallel_loop3A_378] {strides = array<i32>} : memref<8x8x128xf32, #tpu.memory_space<vmem>>, vector<16xf32>,
        tpu.vector_store %arg12[%parallel_loop3A_376, %parallel_loop3A_377, %parallel_loop3A_378], %parallel_loop3A_371 {strides = array<i32>} : memref<8x8x128xf32, #tpu.memory_space<vmem>>, vector<16xf32>,
        %parallel_loop3A_380 = arith.constant 129 : i32
        %parallel_loop3A_381 = arith.muli %parallel_loop3A_295, %parallel_loop3A_380 : i32
        %parallel_loop3A_382 = arith.constant 96 : i32
        %parallel_loop3A_383 = arith.addi %parallel_loop3A_381, %parallel_loop3A_382 : i32
        %parallel_loop3A_384 = arith.index_cast %parallel_loop3A_383 : i32 to index
        %parallel_loop3A_385 = tpu.vector_load %arg16[%parallel_loop3A_384] {strides = array<i32>} : memref<8256xf32, #tpu.memory_space<vmem>>, vector<16xf32>,
        %parallel_loop3A_386 = arith.constant 3 : i32
        %parallel_loop3A_387 = arith.shrsi %parallel_loop3A_295, %parallel_loop3A_386 : i32
        %parallel_loop3A_388 = arith.constant 7 : i32
        %parallel_loop3A_389 = arith.andi %parallel_loop3A_295, %parallel_loop3A_388 : i32
        %parallel_loop3A_390 = arith.index_cast %parallel_loop3A_387 : i32 to index
        %parallel_loop3A_391 = arith.index_cast %parallel_loop3A_389 : i32 to index
        %parallel_loop3A_392 = arith.constant 96 : index
        %parallel_loop3A_393 = tpu.vector_load %arg12[%parallel_loop3A_390, %parallel_loop3A_391, %parallel_loop3A_392] {strides = array<i32>} : memref<8x8x128xf32, #tpu.memory_space<vmem>>, vector<16xf32>,
        tpu.vector_store %arg12[%parallel_loop3A_390, %parallel_loop3A_391, %parallel_loop3A_392], %parallel_loop3A_385 {strides = array<i32>} : memref<8x8x128xf32, #tpu.memory_space<vmem>>, vector<16xf32>,
        %parallel_loop3A_394 = arith.constant 129 : i32
        %parallel_loop3A_395 = arith.muli %parallel_loop3A_295, %parallel_loop3A_394 : i32
        %parallel_loop3A_396 = arith.constant 112 : i32
        %parallel_loop3A_397 = arith.addi %parallel_loop3A_395, %parallel_loop3A_396 : i32
        %parallel_loop3A_398 = arith.index_cast %parallel_loop3A_397 : i32 to index
        %parallel_loop3A_399 = tpu.vector_load %arg16[%parallel_loop3A_398] {strides = array<i32>} : memref<8256xf32, #tpu.memory_space<vmem>>, vector<16xf32>,
        %parallel_loop3A_400 = arith.constant 3 : i32
        %parallel_loop3A_401 = arith.shrsi %parallel_loop3A_295, %parallel_loop3A_400 : i32
        %parallel_loop3A_402 = arith.constant 7 : i32
        %parallel_loop3A_403 = arith.andi %parallel_loop3A_295, %parallel_loop3A_402 : i32
        %parallel_loop3A_404 = arith.index_cast %parallel_loop3A_401 : i32 to index
        %parallel_loop3A_405 = arith.index_cast %parallel_loop3A_403 : i32 to index
        %parallel_loop3A_406 = arith.constant 112 : index
        %parallel_loop3A_407 = tpu.vector_load %arg12[%parallel_loop3A_404, %parallel_loop3A_405, %parallel_loop3A_406] {strides = array<i32>} : memref<8x8x128xf32, #tpu.memory_space<vmem>>, vector<16xf32>,
        tpu.vector_store %arg12[%parallel_loop3A_404, %parallel_loop3A_405, %parallel_loop3A_406], %parallel_loop3A_399 {strides = array<i32>} : memref<8x8x128xf32, #tpu.memory_space<vmem>>, vector<16xf32>,
      } {sc.loop_unroll_factor = 4 : i64, sc.parallel_access}
      %dma_start3A_135 = arith.constant 0 : i32
      %dma_start3A_136 = arith.constant 0 : i32
      %dma_start3A_137 = arith.constant 0 : i32
      %dma_start3A_138 = tpu.memref_slice %arg5[%add3A_104, %dma_start3A_135, %add3A, %dma_start3A_136, %dma_start3A_137] : memref<200x8x32x8x128xf32, #tpu.memory_space<hbm>> -> memref<1x8x1x8x128xf32, #tpu.memory_space<hbm>>
      %dma_start3A_139 = tpu.memref_squeeze %dma_start3A_138 : memref<1x8x1x8x128xf32, #tpu.memory_space<hbm>> -> memref<8x8x128xf32, #tpu.memory_space<hbm>>
      %dma_start3A_140 = arith.constant 0 : i32
      %dma_start3A_141 = arith.constant 0 : i32
      %dma_start3A_142 = arith.constant 0 : i32
      %dma_start3A_143 = tpu.memref_slice %arg5[%add3A_104, %dma_start3A_140, %add3A, %dma_start3A_141, %dma_start3A_142] : memref<200x8x32x8x128xf32, #tpu.memory_space<hbm>> -> memref<1x8x1x8x128xf32, #tpu.memory_space<hbm>>
      %dma_start3A_144 = tpu.memref_squeeze %dma_start3A_143 : memref<1x8x1x8x128xf32, #tpu.memory_space<hbm>> -> memref<8x8x128xf32, #tpu.memory_space<hbm>>
      tpu.enqueue_dma source(%arg12 : memref<8x8x128xf32, #tpu.memory_space<vmem>>) target(%dma_start3A_144 : memref<8x8x128xf32, #tpu.memory_space<hbm>>) target_semaphore(%arg21 : memref<!tpu.dma_semaphore, #tpu.memory_space<semaphore_mem>>)
      %mul3A_145 = arith.constant 4 : i32
      %mul3A_146 = arith.muli %scan3A_100, %mul3A_145 : i32
      %add3A_147 = arith.constant 1 : i32
      %add3A_148 = arith.addi %mul3A_146, %add3A_147 : i32
      %add3A_149 = arith.constant 3 : i32
      %add3A_150 = arith.addi %add3A_148, %add3A_149 : i32
      %lt3A_151 = arith.constant 200 : i32
      %lt3A_152 = arith.cmpi slt, %add3A_150, %lt3A_151 : i32
      %convert_element_type3A_153 = arith.extui %lt3A_152 : i1 to i32
      %cond3A_154 = arith.constant 0 : i32
      %cond3A_155 = arith.cmpi ne, %convert_element_type3A_153, %cond3A_154 : i32
      scf.if %cond3A_155 {
        %add3A_295 = arith.constant 3 : i32
        %add3A_296 = arith.addi %add3A_148, %add3A_295 : i32
        %dma_start3A_297 = arith.constant 0 : i32
        %dma_start3A_298 = tpu.memref_slice %arg7[%add3A_296, %dma_start3A_297] : memref<200x128xi32, #tpu.memory_space<vmem>> -> memref<1x128xi32, #tpu.memory_space<vmem>>
        %dma_start3A_299 = tpu.memref_squeeze %dma_start3A_298 : memref<1x128xi32, #tpu.memory_space<vmem>> -> memref<128xi32, #tpu.memory_space<vmem>>
        %dma_start3A_300 = arith.constant 0 : i32
        %dma_start3A_301 = arith.constant 0 : i32
        %dma_start3A_302 = tpu.memref_slice %arg3[%dma_start3A_300, %dma_start3A_301] : memref<100000x64xf32, #tpu.memory_space<hbm>> -> memref<100000x64xf32, #tpu.memory_space<hbm>>
        tpu.enqueue_indirect_dma source(%dma_start3A_302 : memref<100000x64xf32, #tpu.memory_space<hbm>>) target(%arg8 : memref<128x64xf32, #tpu.memory_space<vmem>>) offsets(%dma_start3A_299 : memref<128xi32, #tpu.memory_space<vmem>>) semaphore(%arg17 : memref<!tpu.dma_semaphore, #tpu.memory_space<semaphore_mem>>)
      } else {
      }
      %dma_wait3A_156 = arith.constant 0 : i32
      %dma_wait3A_157 = arith.constant 0 : i32
      %dma_wait3A_158 = tpu.memref_slice %arg3[%dma_wait3A_156, %dma_wait3A_157] : memref<100000x64xf32, #tpu.memory_space<hbm>> -> memref<128x64xf32, #tpu.memory_space<hbm>>
      %dma_wait3A_159 = arith.constant 0 : i32
      %dma_wait3A_160 = arith.constant 0 : i32
      %dma_wait3A_161 = tpu.memref_slice %arg3[%dma_wait3A_159, %dma_wait3A_160] : memref<100000x64xf32, #tpu.memory_space<hbm>> -> memref<128x64xf32, #tpu.memory_space<hbm>>
      tpu.wait_dma2 semaphore(%arg18 : memref<!tpu.dma_semaphore, #tpu.memory_space<semaphore_mem>>) src(%dma_wait3A_161 : memref<128x64xf32, #tpu.memory_space<hbm>>) dst(%arg9 : memref<128x64xf32, #tpu.memory_space<vmem>>)
      %ge3A_162 = arith.constant 4 : i32
      %ge3A_163 = arith.cmpi sge, %add3A_148, %ge3A_162 : i32
      %convert_element_type3A_164 = arith.extui %ge3A_163 : i1 to i32
      %cond3A_165 = arith.constant 0 : i32
      %cond3A_166 = arith.cmpi ne, %convert_element_type3A_164, %cond3A_165 : i32
      scf.if %cond3A_166 {
        %dma_wait3A_295 = arith.constant 0 : i32
        %dma_wait3A_296 = arith.constant 0 : i32
        %dma_wait3A_297 = arith.constant 0 : i32
        %dma_wait3A_298 = arith.constant 0 : i32
        %dma_wait3A_299 = arith.constant 0 : i32
        %dma_wait3A_300 = tpu.memref_slice %arg5[%dma_wait3A_295, %dma_wait3A_297, %dma_wait3A_296, %dma_wait3A_298, %dma_wait3A_299] : memref<200x8x32x8x128xf32, #tpu.memory_space<hbm>> -> memref<1x8x1x8x128xf32, #tpu.memory_space<hbm>>
        %dma_wait3A_301 = tpu.memref_squeeze %dma_wait3A_300 : memref<1x8x1x8x128xf32, #tpu.memory_space<hbm>> -> memref<8x8x128xf32, #tpu.memory_space<hbm>>
        %dma_wait3A_302 = arith.constant 0 : i32
        %dma_wait3A_303 = arith.constant 0 : i32
        %dma_wait3A_304 = arith.constant 0 : i32
        %dma_wait3A_305 = tpu.memref_slice %arg5[%dma_wait3A_295, %dma_wait3A_302, %dma_wait3A_296, %dma_wait3A_303, %dma_wait3A_304] : memref<200x8x32x8x128xf32, #tpu.memory_space<hbm>> -> memref<1x8x1x8x128xf32, #tpu.memory_space<hbm>>
        %dma_wait3A_306 = tpu.memref_squeeze %dma_wait3A_305 : memref<1x8x1x8x128xf32, #tpu.memory_space<hbm>> -> memref<8x8x128xf32, #tpu.memory_space<hbm>>
        tpu.wait_dma2 semaphore(%arg22 : memref<!tpu.dma_semaphore, #tpu.memory_space<semaphore_mem>>) src(%arg13 : memref<8x8x128xf32, #tpu.memory_space<vmem>>) dst(%dma_wait3A_306 : memref<8x8x128xf32, #tpu.memory_space<hbm>>)
      } else {
      }
      %get3A_167 = arith.index_cast %add3A_148 : i32 to index
      %get3A_168 = arith.constant 0 : index
      %get3A_169 = tpu.vector_load %arg6[%get3A_167, %get3A_168] {strides = array<i32>} : memref<200x64xf32, #tpu.memory_space<vmem>>, vector<16xf32>,
      %get3A_170 = arith.index_cast %add3A_148 : i32 to index
      %get3A_171 = arith.constant 16 : index
      %get3A_172 = tpu.vector_load %arg6[%get3A_170, %get3A_171] {strides = array<i32>} : memref<200x64xf32, #tpu.memory_space<vmem>>, vector<16xf32>,
      %get3A_173 = arith.index_cast %add3A_148 : i32 to index
      %get3A_174 = arith.constant 32 : index
      %get3A_175 = tpu.vector_load %arg6[%get3A_173, %get3A_174] {strides = array<i32>} : memref<200x64xf32, #tpu.memory_space<vmem>>, vector<16xf32>,
      %get3A_176 = arith.index_cast %add3A_148 : i32 to index
      %get3A_177 = arith.constant 48 : index
      %get3A_178 = tpu.vector_load %arg6[%get3A_176, %get3A_177] {strides = array<i32>} : memref<200x64xf32, #tpu.memory_space<vmem>>, vector<16xf32>,
      %parallel_loop3A_179 = arith.constant 0 : i32
      %parallel_loop3A_180 = arith.constant 128 : i32
      %parallel_loop3A_181 = arith.constant 1 : i32
      scf.for %parallel_loop3A_295 = %parallel_loop3A_179 to %parallel_loop3A_180 step %parallel_loop3A_181  : i32 {
        %parallel_loop3A_296 = vector.broadcast %parallel_loop3A_295 : i32 to vector<16xi32>
        %parallel_loop3A_297 = arith.index_cast %parallel_loop3A_295 : i32 to index
        %parallel_loop3A_298 = arith.constant 0 : index
        %parallel_loop3A_299 = tpu.vector_load %arg9[%parallel_loop3A_297, %parallel_loop3A_298] {strides = array<i32>} : memref<128x64xf32, #tpu.memory_space<vmem>>, vector<16xf32>,
        %parallel_loop3A_300 = arith.addi %mul3A_6, %parallel_loop3A_296 : vector<16xi32>
        %parallel_loop3A_301 = arith.addf %parallel_loop3A_299, %get3A_169 : vector<16xf32>
        tpu.vector_store_idx %arg16[%parallel_loop3A_300], %parallel_loop3A_301 : memref<8256xf32, #tpu.memory_space<vmem>>[vector<16xi32>], vector<16xf32>,
        %parallel_loop3A_302 = arith.index_cast %parallel_loop3A_295 : i32 to index
        %parallel_loop3A_303 = arith.constant 16 : index
        %parallel_loop3A_304 = tpu.vector_load %arg9[%parallel_loop3A_302, %parallel_loop3A_303] {strides = array<i32>} : memref<128x64xf32, #tpu.memory_space<vmem>>, vector<16xf32>,
        %parallel_loop3A_305 = arith.addi %mul3A_13, %parallel_loop3A_296 : vector<16xi32>
        %parallel_loop3A_306 = arith.addf %parallel_loop3A_304, %get3A_172 : vector<16xf32>
        tpu.vector_store_idx %arg16[%parallel_loop3A_305], %parallel_loop3A_306 : memref<8256xf32, #tpu.memory_space<vmem>>[vector<16xi32>], vector<16xf32>,
        %parallel_loop3A_307 = arith.index_cast %parallel_loop3A_295 : i32 to index
        %parallel_loop3A_308 = arith.constant 32 : index
        %parallel_loop3A_309 = tpu.vector_load %arg9[%parallel_loop3A_307, %parallel_loop3A_308] {strides = array<i32>} : memref<128x64xf32, #tpu.memory_space<vmem>>, vector<16xf32>,
        %parallel_loop3A_310 = arith.addi %mul3A_20, %parallel_loop3A_296 : vector<16xi32>
        %parallel_loop3A_311 = arith.addf %parallel_loop3A_309, %get3A_175 : vector<16xf32>
        tpu.vector_store_idx %arg16[%parallel_loop3A_310], %parallel_loop3A_311 : memref<8256xf32, #tpu.memory_space<vmem>>[vector<16xi32>], vector<16xf32>,
        %parallel_loop3A_312 = arith.index_cast %parallel_loop3A_295 : i32 to index
        %parallel_loop3A_313 = arith.constant 48 : index
        %parallel_loop3A_314 = tpu.vector_load %arg9[%parallel_loop3A_312, %parallel_loop3A_313] {strides = array<i32>} : memref<128x64xf32, #tpu.memory_space<vmem>>, vector<16xf32>,
        %parallel_loop3A_315 = arith.addi %mul3A_27, %parallel_loop3A_296 : vector<16xi32>
        %parallel_loop3A_316 = arith.addf %parallel_loop3A_314, %get3A_178 : vector<16xf32>
        tpu.vector_store_idx %arg16[%parallel_loop3A_315], %parallel_loop3A_316 : memref<8256xf32, #tpu.memory_space<vmem>>[vector<16xi32>], vector<16xf32>,
      } {sc.loop_unroll_factor = 4 : i64, sc.parallel_access}
      %parallel_loop3A_182 = arith.constant 0 : i32
      %parallel_loop3A_183 = arith.constant 64 : i32
      %parallel_loop3A_184 = arith.constant 1 : i32
      scf.for %parallel_loop3A_295 = %parallel_loop3A_182 to %parallel_loop3A_183 step %parallel_loop3A_184  : i32 {
        %parallel_loop3A_296 = arith.constant 129 : i32
        %parallel_loop3A_297 = arith.muli %parallel_loop3A_295, %parallel_loop3A_296 : i32
        %parallel_loop3A_298 = arith.constant 0 : i32
        %parallel_loop3A_299 = arith.addi %parallel_loop3A_297, %parallel_loop3A_298 : i32
        %parallel_loop3A_300 = arith.index_cast %parallel_loop3A_299 : i32 to index
        %parallel_loop3A_301 = tpu.vector_load %arg16[%parallel_loop3A_300] {strides = array<i32>} : memref<8256xf32, #tpu.memory_space<vmem>>, vector<16xf32>,
        %parallel_loop3A_302 = arith.constant 3 : i32
        %parallel_loop3A_303 = arith.shrsi %parallel_loop3A_295, %parallel_loop3A_302 : i32
        %parallel_loop3A_304 = arith.constant 7 : i32
        %parallel_loop3A_305 = arith.andi %parallel_loop3A_295, %parallel_loop3A_304 : i32
        %parallel_loop3A_306 = arith.index_cast %parallel_loop3A_303 : i32 to index
        %parallel_loop3A_307 = arith.index_cast %parallel_loop3A_305 : i32 to index
        %parallel_loop3A_308 = arith.constant 0 : index
        %parallel_loop3A_309 = tpu.vector_load %arg13[%parallel_loop3A_306, %parallel_loop3A_307, %parallel_loop3A_308] {strides = array<i32>} : memref<8x8x128xf32, #tpu.memory_space<vmem>>, vector<16xf32>,
        tpu.vector_store %arg13[%parallel_loop3A_306, %parallel_loop3A_307, %parallel_loop3A_308], %parallel_loop3A_301 {strides = array<i32>} : memref<8x8x128xf32, #tpu.memory_space<vmem>>, vector<16xf32>,
        %parallel_loop3A_310 = arith.constant 129 : i32
        %parallel_loop3A_311 = arith.muli %parallel_loop3A_295, %parallel_loop3A_310 : i32
        %parallel_loop3A_312 = arith.constant 16 : i32
        %parallel_loop3A_313 = arith.addi %parallel_loop3A_311, %parallel_loop3A_312 : i32
        %parallel_loop3A_314 = arith.index_cast %parallel_loop3A_313 : i32 to index
        %parallel_loop3A_315 = tpu.vector_load %arg16[%parallel_loop3A_314] {strides = array<i32>} : memref<8256xf32, #tpu.memory_space<vmem>>, vector<16xf32>,
        %parallel_loop3A_316 = arith.constant 3 : i32
        %parallel_loop3A_317 = arith.shrsi %parallel_loop3A_295, %parallel_loop3A_316 : i32
        %parallel_loop3A_318 = arith.constant 7 : i32
        %parallel_loop3A_319 = arith.andi %parallel_loop3A_295, %parallel_loop3A_318 : i32
        %parallel_loop3A_320 = arith.index_cast %parallel_loop3A_317 : i32 to index
        %parallel_loop3A_321 = arith.index_cast %parallel_loop3A_319 : i32 to index
        %parallel_loop3A_322 = arith.constant 16 : index
        %parallel_loop3A_323 = tpu.vector_load %arg13[%parallel_loop3A_320, %parallel_loop3A_321, %parallel_loop3A_322] {strides = array<i32>} : memref<8x8x128xf32, #tpu.memory_space<vmem>>, vector<16xf32>,
        tpu.vector_store %arg13[%parallel_loop3A_320, %parallel_loop3A_321, %parallel_loop3A_322], %parallel_loop3A_315 {strides = array<i32>} : memref<8x8x128xf32, #tpu.memory_space<vmem>>, vector<16xf32>,
        %parallel_loop3A_324 = arith.constant 129 : i32
        %parallel_loop3A_325 = arith.muli %parallel_loop3A_295, %parallel_loop3A_324 : i32
        %parallel_loop3A_326 = arith.constant 32 : i32
        %parallel_loop3A_327 = arith.addi %parallel_loop3A_325, %parallel_loop3A_326 : i32
        %parallel_loop3A_328 = arith.index_cast %parallel_loop3A_327 : i32 to index
        %parallel_loop3A_329 = tpu.vector_load %arg16[%parallel_loop3A_328] {strides = array<i32>} : memref<8256xf32, #tpu.memory_space<vmem>>, vector<16xf32>,
        %parallel_loop3A_330 = arith.constant 3 : i32
        %parallel_loop3A_331 = arith.shrsi %parallel_loop3A_295, %parallel_loop3A_330 : i32
        %parallel_loop3A_332 = arith.constant 7 : i32
        %parallel_loop3A_333 = arith.andi %parallel_loop3A_295, %parallel_loop3A_332 : i32
        %parallel_loop3A_334 = arith.index_cast %parallel_loop3A_331 : i32 to index
        %parallel_loop3A_335 = arith.index_cast %parallel_loop3A_333 : i32 to index
        %parallel_loop3A_336 = arith.constant 32 : index
        %parallel_loop3A_337 = tpu.vector_load %arg13[%parallel_loop3A_334, %parallel_loop3A_335, %parallel_loop3A_336] {strides = array<i32>} : memref<8x8x128xf32, #tpu.memory_space<vmem>>, vector<16xf32>,
        tpu.vector_store %arg13[%parallel_loop3A_334, %parallel_loop3A_335, %parallel_loop3A_336], %parallel_loop3A_329 {strides = array<i32>} : memref<8x8x128xf32, #tpu.memory_space<vmem>>, vector<16xf32>,
        %parallel_loop3A_338 = arith.constant 129 : i32
        %parallel_loop3A_339 = arith.muli %parallel_loop3A_295, %parallel_loop3A_338 : i32
        %parallel_loop3A_340 = arith.constant 48 : i32
        %parallel_loop3A_341 = arith.addi %parallel_loop3A_339, %parallel_loop3A_340 : i32
        %parallel_loop3A_342 = arith.index_cast %parallel_loop3A_341 : i32 to index
        %parallel_loop3A_343 = tpu.vector_load %arg16[%parallel_loop3A_342] {strides = array<i32>} : memref<8256xf32, #tpu.memory_space<vmem>>, vector<16xf32>,
        %parallel_loop3A_344 = arith.constant 3 : i32
        %parallel_loop3A_345 = arith.shrsi %parallel_loop3A_295, %parallel_loop3A_344 : i32
        %parallel_loop3A_346 = arith.constant 7 : i32
        %parallel_loop3A_347 = arith.andi %parallel_loop3A_295, %parallel_loop3A_346 : i32
        %parallel_loop3A_348 = arith.index_cast %parallel_loop3A_345 : i32 to index
        %parallel_loop3A_349 = arith.index_cast %parallel_loop3A_347 : i32 to index
        %parallel_loop3A_350 = arith.constant 48 : index
        %parallel_loop3A_351 = tpu.vector_load %arg13[%parallel_loop3A_348, %parallel_loop3A_349, %parallel_loop3A_350] {strides = array<i32>} : memref<8x8x128xf32, #tpu.memory_space<vmem>>, vector<16xf32>,
        tpu.vector_store %arg13[%parallel_loop3A_348, %parallel_loop3A_349, %parallel_loop3A_350], %parallel_loop3A_343 {strides = array<i32>} : memref<8x8x128xf32, #tpu.memory_space<vmem>>, vector<16xf32>,
        %parallel_loop3A_352 = arith.constant 129 : i32
        %parallel_loop3A_353 = arith.muli %parallel_loop3A_295, %parallel_loop3A_352 : i32
        %parallel_loop3A_354 = arith.constant 64 : i32
        %parallel_loop3A_355 = arith.addi %parallel_loop3A_353, %parallel_loop3A_354 : i32
        %parallel_loop3A_356 = arith.index_cast %parallel_loop3A_355 : i32 to index
        %parallel_loop3A_357 = tpu.vector_load %arg16[%parallel_loop3A_356] {strides = array<i32>} : memref<8256xf32, #tpu.memory_space<vmem>>, vector<16xf32>,
        %parallel_loop3A_358 = arith.constant 3 : i32
        %parallel_loop3A_359 = arith.shrsi %parallel_loop3A_295, %parallel_loop3A_358 : i32
        %parallel_loop3A_360 = arith.constant 7 : i32
        %parallel_loop3A_361 = arith.andi %parallel_loop3A_295, %parallel_loop3A_360 : i32
        %parallel_loop3A_362 = arith.index_cast %parallel_loop3A_359 : i32 to index
        %parallel_loop3A_363 = arith.index_cast %parallel_loop3A_361 : i32 to index
        %parallel_loop3A_364 = arith.constant 64 : index
        %parallel_loop3A_365 = tpu.vector_load %arg13[%parallel_loop3A_362, %parallel_loop3A_363, %parallel_loop3A_364] {strides = array<i32>} : memref<8x8x128xf32, #tpu.memory_space<vmem>>, vector<16xf32>,
        tpu.vector_store %arg13[%parallel_loop3A_362, %parallel_loop3A_363, %parallel_loop3A_364], %parallel_loop3A_357 {strides = array<i32>} : memref<8x8x128xf32, #tpu.memory_space<vmem>>, vector<16xf32>,
        %parallel_loop3A_366 = arith.constant 129 : i32
        %parallel_loop3A_367 = arith.muli %parallel_loop3A_295, %parallel_loop3A_366 : i32
        %parallel_loop3A_368 = arith.constant 80 : i32
        %parallel_loop3A_369 = arith.addi %parallel_loop3A_367, %parallel_loop3A_368 : i32
        %parallel_loop3A_370 = arith.index_cast %parallel_loop3A_369 : i32 to index
        %parallel_loop3A_371 = tpu.vector_load %arg16[%parallel_loop3A_370] {strides = array<i32>} : memref<8256xf32, #tpu.memory_space<vmem>>, vector<16xf32>,
        %parallel_loop3A_372 = arith.constant 3 : i32
        %parallel_loop3A_373 = arith.shrsi %parallel_loop3A_295, %parallel_loop3A_372 : i32
        %parallel_loop3A_374 = arith.constant 7 : i32
        %parallel_loop3A_375 = arith.andi %parallel_loop3A_295, %parallel_loop3A_374 : i32
        %parallel_loop3A_376 = arith.index_cast %parallel_loop3A_373 : i32 to index
        %parallel_loop3A_377 = arith.index_cast %parallel_loop3A_375 : i32 to index
        %parallel_loop3A_378 = arith.constant 80 : index
        %parallel_loop3A_379 = tpu.vector_load %arg13[%parallel_loop3A_376, %parallel_loop3A_377, %parallel_loop3A_378] {strides = array<i32>} : memref<8x8x128xf32, #tpu.memory_space<vmem>>, vector<16xf32>,
        tpu.vector_store %arg13[%parallel_loop3A_376, %parallel_loop3A_377, %parallel_loop3A_378], %parallel_loop3A_371 {strides = array<i32>} : memref<8x8x128xf32, #tpu.memory_space<vmem>>, vector<16xf32>,
        %parallel_loop3A_380 = arith.constant 129 : i32
        %parallel_loop3A_381 = arith.muli %parallel_loop3A_295, %parallel_loop3A_380 : i32
        %parallel_loop3A_382 = arith.constant 96 : i32
        %parallel_loop3A_383 = arith.addi %parallel_loop3A_381, %parallel_loop3A_382 : i32
        %parallel_loop3A_384 = arith.index_cast %parallel_loop3A_383 : i32 to index
        %parallel_loop3A_385 = tpu.vector_load %arg16[%parallel_loop3A_384] {strides = array<i32>} : memref<8256xf32, #tpu.memory_space<vmem>>, vector<16xf32>,
        %parallel_loop3A_386 = arith.constant 3 : i32
        %parallel_loop3A_387 = arith.shrsi %parallel_loop3A_295, %parallel_loop3A_386 : i32
        %parallel_loop3A_388 = arith.constant 7 : i32
        %parallel_loop3A_389 = arith.andi %parallel_loop3A_295, %parallel_loop3A_388 : i32
        %parallel_loop3A_390 = arith.index_cast %parallel_loop3A_387 : i32 to index
        %parallel_loop3A_391 = arith.index_cast %parallel_loop3A_389 : i32 to index
        %parallel_loop3A_392 = arith.constant 96 : index
        %parallel_loop3A_393 = tpu.vector_load %arg13[%parallel_loop3A_390, %parallel_loop3A_391, %parallel_loop3A_392] {strides = array<i32>} : memref<8x8x128xf32, #tpu.memory_space<vmem>>, vector<16xf32>,
        tpu.vector_store %arg13[%parallel_loop3A_390, %parallel_loop3A_391, %parallel_loop3A_392], %parallel_loop3A_385 {strides = array<i32>} : memref<8x8x128xf32, #tpu.memory_space<vmem>>, vector<16xf32>,
        %parallel_loop3A_394 = arith.constant 129 : i32
        %parallel_loop3A_395 = arith.muli %parallel_loop3A_295, %parallel_loop3A_394 : i32
        %parallel_loop3A_396 = arith.constant 112 : i32
        %parallel_loop3A_397 = arith.addi %parallel_loop3A_395, %parallel_loop3A_396 : i32
        %parallel_loop3A_398 = arith.index_cast %parallel_loop3A_397 : i32 to index
        %parallel_loop3A_399 = tpu.vector_load %arg16[%parallel_loop3A_398] {strides = array<i32>} : memref<8256xf32, #tpu.memory_space<vmem>>, vector<16xf32>,
        %parallel_loop3A_400 = arith.constant 3 : i32
        %parallel_loop3A_401 = arith.shrsi %parallel_loop3A_295, %parallel_loop3A_400 : i32
        %parallel_loop3A_402 = arith.constant 7 : i32
        %parallel_loop3A_403 = arith.andi %parallel_loop3A_295, %parallel_loop3A_402 : i32
        %parallel_loop3A_404 = arith.index_cast %parallel_loop3A_401 : i32 to index
        %parallel_loop3A_405 = arith.index_cast %parallel_loop3A_403 : i32 to index
        %parallel_loop3A_406 = arith.constant 112 : index
        %parallel_loop3A_407 = tpu.vector_load %arg13[%parallel_loop3A_404, %parallel_loop3A_405, %parallel_loop3A_406] {strides = array<i32>} : memref<8x8x128xf32, #tpu.memory_space<vmem>>, vector<16xf32>,
        tpu.vector_store %arg13[%parallel_loop3A_404, %parallel_loop3A_405, %parallel_loop3A_406], %parallel_loop3A_399 {strides = array<i32>} : memref<8x8x128xf32, #tpu.memory_space<vmem>>, vector<16xf32>,
      } {sc.loop_unroll_factor = 4 : i64, sc.parallel_access}
      %dma_start3A_185 = arith.constant 0 : i32
      %dma_start3A_186 = arith.constant 0 : i32
      %dma_start3A_187 = arith.constant 0 : i32
      %dma_start3A_188 = tpu.memref_slice %arg5[%add3A_148, %dma_start3A_185, %add3A, %dma_start3A_186, %dma_start3A_187] : memref<200x8x32x8x128xf32, #tpu.memory_space<hbm>> -> memref<1x8x1x8x128xf32, #tpu.memory_space<hbm>>
      %dma_start3A_189 = tpu.memref_squeeze %dma_start3A_188 : memref<1x8x1x8x128xf32, #tpu.memory_space<hbm>> -> memref<8x8x128xf32, #tpu.memory_space<hbm>>
      %dma_start3A_190 = arith.constant 0 : i32
      %dma_start3A_191 = arith.constant 0 : i32
      %dma_start3A_192 = arith.constant 0 : i32
      %dma_start3A_193 = tpu.memref_slice %arg5[%add3A_148, %dma_start3A_190, %add3A, %dma_start3A_191, %dma_start3A_192] : memref<200x8x32x8x128xf32, #tpu.memory_space<hbm>> -> memref<1x8x1x8x128xf32, #tpu.memory_space<hbm>>
      %dma_start3A_194 = tpu.memref_squeeze %dma_start3A_193 : memref<1x8x1x8x128xf32, #tpu.memory_space<hbm>> -> memref<8x8x128xf32, #tpu.memory_space<hbm>>
      tpu.enqueue_dma source(%arg13 : memref<8x8x128xf32, #tpu.memory_space<vmem>>) target(%dma_start3A_194 : memref<8x8x128xf32, #tpu.memory_space<hbm>>) target_semaphore(%arg22 : memref<!tpu.dma_semaphore, #tpu.memory_space<semaphore_mem>>)
      %mul3A_195 = arith.constant 4 : i32
      %mul3A_196 = arith.muli %scan3A_100, %mul3A_195 : i32
      %add3A_197 = arith.constant 2 : i32
      %add3A_198 = arith.addi %mul3A_196, %add3A_197 : i32
      %add3A_199 = arith.constant 3 : i32
      %add3A_200 = arith.addi %add3A_198, %add3A_199 : i32
      %lt3A_201 = arith.constant 200 : i32
      %lt3A_202 = arith.cmpi slt, %add3A_200, %lt3A_201 : i32
      %convert_element_type3A_203 = arith.extui %lt3A_202 : i1 to i32
      %cond3A_204 = arith.constant 0 : i32
      %cond3A_205 = arith.cmpi ne, %convert_element_type3A_203, %cond3A_204 : i32
      scf.if %cond3A_205 {
        %add3A_295 = arith.constant 3 : i32
        %add3A_296 = arith.addi %add3A_198, %add3A_295 : i32
        %dma_start3A_297 = arith.constant 0 : i32
        %dma_start3A_298 = tpu.memref_slice %arg7[%add3A_296, %dma_start3A_297] : memref<200x128xi32, #tpu.memory_space<vmem>> -> memref<1x128xi32, #tpu.memory_space<vmem>>
        %dma_start3A_299 = tpu.memref_squeeze %dma_start3A_298 : memref<1x128xi32, #tpu.memory_space<vmem>> -> memref<128xi32, #tpu.memory_space<vmem>>
        %dma_start3A_300 = arith.constant 0 : i32
        %dma_start3A_301 = arith.constant 0 : i32
        %dma_start3A_302 = tpu.memref_slice %arg3[%dma_start3A_300, %dma_start3A_301] : memref<100000x64xf32, #tpu.memory_space<hbm>> -> memref<100000x64xf32, #tpu.memory_space<hbm>>
        tpu.enqueue_indirect_dma source(%dma_start3A_302 : memref<100000x64xf32, #tpu.memory_space<hbm>>) target(%arg9 : memref<128x64xf32, #tpu.memory_space<vmem>>) offsets(%dma_start3A_299 : memref<128xi32, #tpu.memory_space<vmem>>) semaphore(%arg18 : memref<!tpu.dma_semaphore, #tpu.memory_space<semaphore_mem>>)
      } else {
      }
      %dma_wait3A_206 = arith.constant 0 : i32
      %dma_wait3A_207 = arith.constant 0 : i32
      %dma_wait3A_208 = tpu.memref_slice %arg3[%dma_wait3A_206, %dma_wait3A_207] : memref<100000x64xf32, #tpu.memory_space<hbm>> -> memref<128x64xf32, #tpu.memory_space<hbm>>
      %dma_wait3A_209 = arith.constant 0 : i32
      %dma_wait3A_210 = arith.constant 0 : i32
      %dma_wait3A_211 = tpu.memref_slice %arg3[%dma_wait3A_209, %dma_wait3A_210] : memref<100000x64xf32, #tpu.memory_space<hbm>> -> memref<128x64xf32, #tpu.memory_space<hbm>>
      tpu.wait_dma2 semaphore(%arg19 : memref<!tpu.dma_semaphore, #tpu.memory_space<semaphore_mem>>) src(%dma_wait3A_211 : memref<128x64xf32, #tpu.memory_space<hbm>>) dst(%arg10 : memref<128x64xf32, #tpu.memory_space<vmem>>)
      %ge3A_212 = arith.constant 4 : i32
      %ge3A_213 = arith.cmpi sge, %add3A_198, %ge3A_212 : i32
      %convert_element_type3A_214 = arith.extui %ge3A_213 : i1 to i32
      %cond3A_215 = arith.constant 0 : i32
      %cond3A_216 = arith.cmpi ne, %convert_element_type3A_214, %cond3A_215 : i32
      scf.if %cond3A_216 {
        %dma_wait3A_295 = arith.constant 0 : i32
        %dma_wait3A_296 = arith.constant 0 : i32
        %dma_wait3A_297 = arith.constant 0 : i32
        %dma_wait3A_298 = arith.constant 0 : i32
        %dma_wait3A_299 = arith.constant 0 : i32
        %dma_wait3A_300 = tpu.memref_slice %arg5[%dma_wait3A_295, %dma_wait3A_297, %dma_wait3A_296, %dma_wait3A_298, %dma_wait3A_299] : memref<200x8x32x8x128xf32, #tpu.memory_space<hbm>> -> memref<1x8x1x8x128xf32, #tpu.memory_space<hbm>>
        %dma_wait3A_301 = tpu.memref_squeeze %dma_wait3A_300 : memref<1x8x1x8x128xf32, #tpu.memory_space<hbm>> -> memref<8x8x128xf32, #tpu.memory_space<hbm>>
        %dma_wait3A_302 = arith.constant 0 : i32
        %dma_wait3A_303 = arith.constant 0 : i32
        %dma_wait3A_304 = arith.constant 0 : i32
        %dma_wait3A_305 = tpu.memref_slice %arg5[%dma_wait3A_295, %dma_wait3A_302, %dma_wait3A_296, %dma_wait3A_303, %dma_wait3A_304] : memref<200x8x32x8x128xf32, #tpu.memory_space<hbm>> -> memref<1x8x1x8x128xf32, #tpu.memory_space<hbm>>
        %dma_wait3A_306 = tpu.memref_squeeze %dma_wait3A_305 : memref<1x8x1x8x128xf32, #tpu.memory_space<hbm>> -> memref<8x8x128xf32, #tpu.memory_space<hbm>>
        tpu.wait_dma2 semaphore(%arg23 : memref<!tpu.dma_semaphore, #tpu.memory_space<semaphore_mem>>) src(%arg14 : memref<8x8x128xf32, #tpu.memory_space<vmem>>) dst(%dma_wait3A_306 : memref<8x8x128xf32, #tpu.memory_space<hbm>>)
      } else {
      }
      %get3A_217 = arith.index_cast %add3A_198 : i32 to index
      %get3A_218 = arith.constant 0 : index
      %get3A_219 = tpu.vector_load %arg6[%get3A_217, %get3A_218] {strides = array<i32>} : memref<200x64xf32, #tpu.memory_space<vmem>>, vector<16xf32>,
      %get3A_220 = arith.index_cast %add3A_198 : i32 to index
      %get3A_221 = arith.constant 16 : index
      %get3A_222 = tpu.vector_load %arg6[%get3A_220, %get3A_221] {strides = array<i32>} : memref<200x64xf32, #tpu.memory_space<vmem>>, vector<16xf32>,
      %get3A_223 = arith.index_cast %add3A_198 : i32 to index
      %get3A_224 = arith.constant 32 : index
      %get3A_225 = tpu.vector_load %arg6[%get3A_223, %get3A_224] {strides = array<i32>} : memref<200x64xf32, #tpu.memory_space<vmem>>, vector<16xf32>,
      %get3A_226 = arith.index_cast %add3A_198 : i32 to index
      %get3A_227 = arith.constant 48 : index
      %get3A_228 = tpu.vector_load %arg6[%get3A_226, %get3A_227] {strides = array<i32>} : memref<200x64xf32, #tpu.memory_space<vmem>>, vector<16xf32>,
      %parallel_loop3A_229 = arith.constant 0 : i32
      %parallel_loop3A_230 = arith.constant 128 : i32
      %parallel_loop3A_231 = arith.constant 1 : i32
      scf.for %parallel_loop3A_295 = %parallel_loop3A_229 to %parallel_loop3A_230 step %parallel_loop3A_231  : i32 {
        %parallel_loop3A_296 = vector.broadcast %parallel_loop3A_295 : i32 to vector<16xi32>
        %parallel_loop3A_297 = arith.index_cast %parallel_loop3A_295 : i32 to index
        %parallel_loop3A_298 = arith.constant 0 : index
        %parallel_loop3A_299 = tpu.vector_load %arg10[%parallel_loop3A_297, %parallel_loop3A_298] {strides = array<i32>} : memref<128x64xf32, #tpu.memory_space<vmem>>, vector<16xf32>,
        %parallel_loop3A_300 = arith.addi %mul3A_6, %parallel_loop3A_296 : vector<16xi32>
        %parallel_loop3A_301 = arith.addf %parallel_loop3A_299, %get3A_219 : vector<16xf32>
        tpu.vector_store_idx %arg16[%parallel_loop3A_300], %parallel_loop3A_301 : memref<8256xf32, #tpu.memory_space<vmem>>[vector<16xi32>], vector<16xf32>,
        %parallel_loop3A_302 = arith.index_cast %parallel_loop3A_295 : i32 to index
        %parallel_loop3A_303 = arith.constant 16 : index
        %parallel_loop3A_304 = tpu.vector_load %arg10[%parallel_loop3A_302, %parallel_loop3A_303] {strides = array<i32>} : memref<128x64xf32, #tpu.memory_space<vmem>>, vector<16xf32>,
        %parallel_loop3A_305 = arith.addi %mul3A_13, %parallel_loop3A_296 : vector<16xi32>
        %parallel_loop3A_306 = arith.addf %parallel_loop3A_304, %get3A_222 : vector<16xf32>
        tpu.vector_store_idx %arg16[%parallel_loop3A_305], %parallel_loop3A_306 : memref<8256xf32, #tpu.memory_space<vmem>>[vector<16xi32>], vector<16xf32>,
        %parallel_loop3A_307 = arith.index_cast %parallel_loop3A_295 : i32 to index
        %parallel_loop3A_308 = arith.constant 32 : index
        %parallel_loop3A_309 = tpu.vector_load %arg10[%parallel_loop3A_307, %parallel_loop3A_308] {strides = array<i32>} : memref<128x64xf32, #tpu.memory_space<vmem>>, vector<16xf32>,
        %parallel_loop3A_310 = arith.addi %mul3A_20, %parallel_loop3A_296 : vector<16xi32>
        %parallel_loop3A_311 = arith.addf %parallel_loop3A_309, %get3A_225 : vector<16xf32>
        tpu.vector_store_idx %arg16[%parallel_loop3A_310], %parallel_loop3A_311 : memref<8256xf32, #tpu.memory_space<vmem>>[vector<16xi32>], vector<16xf32>,
        %parallel_loop3A_312 = arith.index_cast %parallel_loop3A_295 : i32 to index
        %parallel_loop3A_313 = arith.constant 48 : index
        %parallel_loop3A_314 = tpu.vector_load %arg10[%parallel_loop3A_312, %parallel_loop3A_313] {strides = array<i32>} : memref<128x64xf32, #tpu.memory_space<vmem>>, vector<16xf32>,
        %parallel_loop3A_315 = arith.addi %mul3A_27, %parallel_loop3A_296 : vector<16xi32>
        %parallel_loop3A_316 = arith.addf %parallel_loop3A_314, %get3A_228 : vector<16xf32>
        tpu.vector_store_idx %arg16[%parallel_loop3A_315], %parallel_loop3A_316 : memref<8256xf32, #tpu.memory_space<vmem>>[vector<16xi32>], vector<16xf32>,
      } {sc.loop_unroll_factor = 4 : i64, sc.parallel_access}
      %parallel_loop3A_232 = arith.constant 0 : i32
      %parallel_loop3A_233 = arith.constant 64 : i32
      %parallel_loop3A_234 = arith.constant 1 : i32
      scf.for %parallel_loop3A_295 = %parallel_loop3A_232 to %parallel_loop3A_233 step %parallel_loop3A_234  : i32 {
        %parallel_loop3A_296 = arith.constant 129 : i32
        %parallel_loop3A_297 = arith.muli %parallel_loop3A_295, %parallel_loop3A_296 : i32
        %parallel_loop3A_298 = arith.constant 0 : i32
        %parallel_loop3A_299 = arith.addi %parallel_loop3A_297, %parallel_loop3A_298 : i32
        %parallel_loop3A_300 = arith.index_cast %parallel_loop3A_299 : i32 to index
        %parallel_loop3A_301 = tpu.vector_load %arg16[%parallel_loop3A_300] {strides = array<i32>} : memref<8256xf32, #tpu.memory_space<vmem>>, vector<16xf32>,
        %parallel_loop3A_302 = arith.constant 3 : i32
        %parallel_loop3A_303 = arith.shrsi %parallel_loop3A_295, %parallel_loop3A_302 : i32
        %parallel_loop3A_304 = arith.constant 7 : i32
        %parallel_loop3A_305 = arith.andi %parallel_loop3A_295, %parallel_loop3A_304 : i32
        %parallel_loop3A_306 = arith.index_cast %parallel_loop3A_303 : i32 to index
        %parallel_loop3A_307 = arith.index_cast %parallel_loop3A_305 : i32 to index
        %parallel_loop3A_308 = arith.constant 0 : index
        %parallel_loop3A_309 = tpu.vector_load %arg14[%parallel_loop3A_306, %parallel_loop3A_307, %parallel_loop3A_308] {strides = array<i32>} : memref<8x8x128xf32, #tpu.memory_space<vmem>>, vector<16xf32>,
        tpu.vector_store %arg14[%parallel_loop3A_306, %parallel_loop3A_307, %parallel_loop3A_308], %parallel_loop3A_301 {strides = array<i32>} : memref<8x8x128xf32, #tpu.memory_space<vmem>>, vector<16xf32>,
        %parallel_loop3A_310 = arith.constant 129 : i32
        %parallel_loop3A_311 = arith.muli %parallel_loop3A_295, %parallel_loop3A_310 : i32
        %parallel_loop3A_312 = arith.constant 16 : i32
        %parallel_loop3A_313 = arith.addi %parallel_loop3A_311, %parallel_loop3A_312 : i32
        %parallel_loop3A_314 = arith.index_cast %parallel_loop3A_313 : i32 to index
        %parallel_loop3A_315 = tpu.vector_load %arg16[%parallel_loop3A_314] {strides = array<i32>} : memref<8256xf32, #tpu.memory_space<vmem>>, vector<16xf32>,
        %parallel_loop3A_316 = arith.constant 3 : i32
        %parallel_loop3A_317 = arith.shrsi %parallel_loop3A_295, %parallel_loop3A_316 : i32
        %parallel_loop3A_318 = arith.constant 7 : i32
        %parallel_loop3A_319 = arith.andi %parallel_loop3A_295, %parallel_loop3A_318 : i32
        %parallel_loop3A_320 = arith.index_cast %parallel_loop3A_317 : i32 to index
        %parallel_loop3A_321 = arith.index_cast %parallel_loop3A_319 : i32 to index
        %parallel_loop3A_322 = arith.constant 16 : index
        %parallel_loop3A_323 = tpu.vector_load %arg14[%parallel_loop3A_320, %parallel_loop3A_321, %parallel_loop3A_322] {strides = array<i32>} : memref<8x8x128xf32, #tpu.memory_space<vmem>>, vector<16xf32>,
        tpu.vector_store %arg14[%parallel_loop3A_320, %parallel_loop3A_321, %parallel_loop3A_322], %parallel_loop3A_315 {strides = array<i32>} : memref<8x8x128xf32, #tpu.memory_space<vmem>>, vector<16xf32>,
        %parallel_loop3A_324 = arith.constant 129 : i32
        %parallel_loop3A_325 = arith.muli %parallel_loop3A_295, %parallel_loop3A_324 : i32
        %parallel_loop3A_326 = arith.constant 32 : i32
        %parallel_loop3A_327 = arith.addi %parallel_loop3A_325, %parallel_loop3A_326 : i32
        %parallel_loop3A_328 = arith.index_cast %parallel_loop3A_327 : i32 to index
        %parallel_loop3A_329 = tpu.vector_load %arg16[%parallel_loop3A_328] {strides = array<i32>} : memref<8256xf32, #tpu.memory_space<vmem>>, vector<16xf32>,
        %parallel_loop3A_330 = arith.constant 3 : i32
        %parallel_loop3A_331 = arith.shrsi %parallel_loop3A_295, %parallel_loop3A_330 : i32
        %parallel_loop3A_332 = arith.constant 7 : i32
        %parallel_loop3A_333 = arith.andi %parallel_loop3A_295, %parallel_loop3A_332 : i32
        %parallel_loop3A_334 = arith.index_cast %parallel_loop3A_331 : i32 to index
        %parallel_loop3A_335 = arith.index_cast %parallel_loop3A_333 : i32 to index
        %parallel_loop3A_336 = arith.constant 32 : index
        %parallel_loop3A_337 = tpu.vector_load %arg14[%parallel_loop3A_334, %parallel_loop3A_335, %parallel_loop3A_336] {strides = array<i32>} : memref<8x8x128xf32, #tpu.memory_space<vmem>>, vector<16xf32>,
        tpu.vector_store %arg14[%parallel_loop3A_334, %parallel_loop3A_335, %parallel_loop3A_336], %parallel_loop3A_329 {strides = array<i32>} : memref<8x8x128xf32, #tpu.memory_space<vmem>>, vector<16xf32>,
        %parallel_loop3A_338 = arith.constant 129 : i32
        %parallel_loop3A_339 = arith.muli %parallel_loop3A_295, %parallel_loop3A_338 : i32
        %parallel_loop3A_340 = arith.constant 48 : i32
        %parallel_loop3A_341 = arith.addi %parallel_loop3A_339, %parallel_loop3A_340 : i32
        %parallel_loop3A_342 = arith.index_cast %parallel_loop3A_341 : i32 to index
        %parallel_loop3A_343 = tpu.vector_load %arg16[%parallel_loop3A_342] {strides = array<i32>} : memref<8256xf32, #tpu.memory_space<vmem>>, vector<16xf32>,
        %parallel_loop3A_344 = arith.constant 3 : i32
        %parallel_loop3A_345 = arith.shrsi %parallel_loop3A_295, %parallel_loop3A_344 : i32
        %parallel_loop3A_346 = arith.constant 7 : i32
        %parallel_loop3A_347 = arith.andi %parallel_loop3A_295, %parallel_loop3A_346 : i32
        %parallel_loop3A_348 = arith.index_cast %parallel_loop3A_345 : i32 to index
        %parallel_loop3A_349 = arith.index_cast %parallel_loop3A_347 : i32 to index
        %parallel_loop3A_350 = arith.constant 48 : index
        %parallel_loop3A_351 = tpu.vector_load %arg14[%parallel_loop3A_348, %parallel_loop3A_349, %parallel_loop3A_350] {strides = array<i32>} : memref<8x8x128xf32, #tpu.memory_space<vmem>>, vector<16xf32>,
        tpu.vector_store %arg14[%parallel_loop3A_348, %parallel_loop3A_349, %parallel_loop3A_350], %parallel_loop3A_343 {strides = array<i32>} : memref<8x8x128xf32, #tpu.memory_space<vmem>>, vector<16xf32>,
        %parallel_loop3A_352 = arith.constant 129 : i32
        %parallel_loop3A_353 = arith.muli %parallel_loop3A_295, %parallel_loop3A_352 : i32
        %parallel_loop3A_354 = arith.constant 64 : i32
        %parallel_loop3A_355 = arith.addi %parallel_loop3A_353, %parallel_loop3A_354 : i32
        %parallel_loop3A_356 = arith.index_cast %parallel_loop3A_355 : i32 to index
        %parallel_loop3A_357 = tpu.vector_load %arg16[%parallel_loop3A_356] {strides = array<i32>} : memref<8256xf32, #tpu.memory_space<vmem>>, vector<16xf32>,
        %parallel_loop3A_358 = arith.constant 3 : i32
        %parallel_loop3A_359 = arith.shrsi %parallel_loop3A_295, %parallel_loop3A_358 : i32
        %parallel_loop3A_360 = arith.constant 7 : i32
        %parallel_loop3A_361 = arith.andi %parallel_loop3A_295, %parallel_loop3A_360 : i32
        %parallel_loop3A_362 = arith.index_cast %parallel_loop3A_359 : i32 to index
        %parallel_loop3A_363 = arith.index_cast %parallel_loop3A_361 : i32 to index
        %parallel_loop3A_364 = arith.constant 64 : index
        %parallel_loop3A_365 = tpu.vector_load %arg14[%parallel_loop3A_362, %parallel_loop3A_363, %parallel_loop3A_364] {strides = array<i32>} : memref<8x8x128xf32, #tpu.memory_space<vmem>>, vector<16xf32>,
        tpu.vector_store %arg14[%parallel_loop3A_362, %parallel_loop3A_363, %parallel_loop3A_364], %parallel_loop3A_357 {strides = array<i32>} : memref<8x8x128xf32, #tpu.memory_space<vmem>>, vector<16xf32>,
        %parallel_loop3A_366 = arith.constant 129 : i32
        %parallel_loop3A_367 = arith.muli %parallel_loop3A_295, %parallel_loop3A_366 : i32
        %parallel_loop3A_368 = arith.constant 80 : i32
        %parallel_loop3A_369 = arith.addi %parallel_loop3A_367, %parallel_loop3A_368 : i32
        %parallel_loop3A_370 = arith.index_cast %parallel_loop3A_369 : i32 to index
        %parallel_loop3A_371 = tpu.vector_load %arg16[%parallel_loop3A_370] {strides = array<i32>} : memref<8256xf32, #tpu.memory_space<vmem>>, vector<16xf32>,
        %parallel_loop3A_372 = arith.constant 3 : i32
        %parallel_loop3A_373 = arith.shrsi %parallel_loop3A_295, %parallel_loop3A_372 : i32
        %parallel_loop3A_374 = arith.constant 7 : i32
        %parallel_loop3A_375 = arith.andi %parallel_loop3A_295, %parallel_loop3A_374 : i32
        %parallel_loop3A_376 = arith.index_cast %parallel_loop3A_373 : i32 to index
        %parallel_loop3A_377 = arith.index_cast %parallel_loop3A_375 : i32 to index
        %parallel_loop3A_378 = arith.constant 80 : index
        %parallel_loop3A_379 = tpu.vector_load %arg14[%parallel_loop3A_376, %parallel_loop3A_377, %parallel_loop3A_378] {strides = array<i32>} : memref<8x8x128xf32, #tpu.memory_space<vmem>>, vector<16xf32>,
        tpu.vector_store %arg14[%parallel_loop3A_376, %parallel_loop3A_377, %parallel_loop3A_378], %parallel_loop3A_371 {strides = array<i32>} : memref<8x8x128xf32, #tpu.memory_space<vmem>>, vector<16xf32>,
        %parallel_loop3A_380 = arith.constant 129 : i32
        %parallel_loop3A_381 = arith.muli %parallel_loop3A_295, %parallel_loop3A_380 : i32
        %parallel_loop3A_382 = arith.constant 96 : i32
        %parallel_loop3A_383 = arith.addi %parallel_loop3A_381, %parallel_loop3A_382 : i32
        %parallel_loop3A_384 = arith.index_cast %parallel_loop3A_383 : i32 to index
        %parallel_loop3A_385 = tpu.vector_load %arg16[%parallel_loop3A_384] {strides = array<i32>} : memref<8256xf32, #tpu.memory_space<vmem>>, vector<16xf32>,
        %parallel_loop3A_386 = arith.constant 3 : i32
        %parallel_loop3A_387 = arith.shrsi %parallel_loop3A_295, %parallel_loop3A_386 : i32
        %parallel_loop3A_388 = arith.constant 7 : i32
        %parallel_loop3A_389 = arith.andi %parallel_loop3A_295, %parallel_loop3A_388 : i32
        %parallel_loop3A_390 = arith.index_cast %parallel_loop3A_387 : i32 to index
        %parallel_loop3A_391 = arith.index_cast %parallel_loop3A_389 : i32 to index
        %parallel_loop3A_392 = arith.constant 96 : index
        %parallel_loop3A_393 = tpu.vector_load %arg14[%parallel_loop3A_390, %parallel_loop3A_391, %parallel_loop3A_392] {strides = array<i32>} : memref<8x8x128xf32, #tpu.memory_space<vmem>>, vector<16xf32>,
        tpu.vector_store %arg14[%parallel_loop3A_390, %parallel_loop3A_391, %parallel_loop3A_392], %parallel_loop3A_385 {strides = array<i32>} : memref<8x8x128xf32, #tpu.memory_space<vmem>>, vector<16xf32>,
        %parallel_loop3A_394 = arith.constant 129 : i32
        %parallel_loop3A_395 = arith.muli %parallel_loop3A_295, %parallel_loop3A_394 : i32
        %parallel_loop3A_396 = arith.constant 112 : i32
        %parallel_loop3A_397 = arith.addi %parallel_loop3A_395, %parallel_loop3A_396 : i32
        %parallel_loop3A_398 = arith.index_cast %parallel_loop3A_397 : i32 to index
        %parallel_loop3A_399 = tpu.vector_load %arg16[%parallel_loop3A_398] {strides = array<i32>} : memref<8256xf32, #tpu.memory_space<vmem>>, vector<16xf32>,
        %parallel_loop3A_400 = arith.constant 3 : i32
        %parallel_loop3A_401 = arith.shrsi %parallel_loop3A_295, %parallel_loop3A_400 : i32
        %parallel_loop3A_402 = arith.constant 7 : i32
        %parallel_loop3A_403 = arith.andi %parallel_loop3A_295, %parallel_loop3A_402 : i32
        %parallel_loop3A_404 = arith.index_cast %parallel_loop3A_401 : i32 to index
        %parallel_loop3A_405 = arith.index_cast %parallel_loop3A_403 : i32 to index
        %parallel_loop3A_406 = arith.constant 112 : index
        %parallel_loop3A_407 = tpu.vector_load %arg14[%parallel_loop3A_404, %parallel_loop3A_405, %parallel_loop3A_406] {strides = array<i32>} : memref<8x8x128xf32, #tpu.memory_space<vmem>>, vector<16xf32>,
        tpu.vector_store %arg14[%parallel_loop3A_404, %parallel_loop3A_405, %parallel_loop3A_406], %parallel_loop3A_399 {strides = array<i32>} : memref<8x8x128xf32, #tpu.memory_space<vmem>>, vector<16xf32>,
      } {sc.loop_unroll_factor = 4 : i64, sc.parallel_access}
      %dma_start3A_235 = arith.constant 0 : i32
      %dma_start3A_236 = arith.constant 0 : i32
      %dma_start3A_237 = arith.constant 0 : i32
      %dma_start3A_238 = tpu.memref_slice %arg5[%add3A_198, %dma_start3A_235, %add3A, %dma_start3A_236, %dma_start3A_237] : memref<200x8x32x8x128xf32, #tpu.memory_space<hbm>> -> memref<1x8x1x8x128xf32, #tpu.memory_space<hbm>>
      %dma_start3A_239 = tpu.memref_squeeze %dma_start3A_238 : memref<1x8x1x8x128xf32, #tpu.memory_space<hbm>> -> memref<8x8x128xf32, #tpu.memory_space<hbm>>
      %dma_start3A_240 = arith.constant 0 : i32
      %dma_start3A_241 = arith.constant 0 : i32
      %dma_start3A_242 = arith.constant 0 : i32
      %dma_start3A_243 = tpu.memref_slice %arg5[%add3A_198, %dma_start3A_240, %add3A, %dma_start3A_241, %dma_start3A_242] : memref<200x8x32x8x128xf32, #tpu.memory_space<hbm>> -> memref<1x8x1x8x128xf32, #tpu.memory_space<hbm>>
      %dma_start3A_244 = tpu.memref_squeeze %dma_start3A_243 : memref<1x8x1x8x128xf32, #tpu.memory_space<hbm>> -> memref<8x8x128xf32, #tpu.memory_space<hbm>>
      tpu.enqueue_dma source(%arg14 : memref<8x8x128xf32, #tpu.memory_space<vmem>>) target(%dma_start3A_244 : memref<8x8x128xf32, #tpu.memory_space<hbm>>) target_semaphore(%arg23 : memref<!tpu.dma_semaphore, #tpu.memory_space<semaphore_mem>>)
      %mul3A_245 = arith.constant 4 : i32
      %mul3A_246 = arith.muli %scan3A_100, %mul3A_245 : i32
      %add3A_247 = arith.constant 3 : i32
      %add3A_248 = arith.addi %mul3A_246, %add3A_247 : i32
      %add3A_249 = arith.constant 3 : i32
      %add3A_250 = arith.addi %add3A_248, %add3A_249 : i32
      %lt3A_251 = arith.constant 200 : i32
      %lt3A_252 = arith.cmpi slt, %add3A_250, %lt3A_251 : i32
      %convert_element_type3A_253 = arith.extui %lt3A_252 : i1 to i32
      %cond3A_254 = arith.constant 0 : i32
      %cond3A_255 = arith.cmpi ne, %convert_element_type3A_253, %cond3A_254 : i32
      scf.if %cond3A_255 {
        %add3A_295 = arith.constant 3 : i32
        %add3A_296 = arith.addi %add3A_248, %add3A_295 : i32
        %dma_start3A_297 = arith.constant 0 : i32
        %dma_start3A_298 = tpu.memref_slice %arg7[%add3A_296, %dma_start3A_297] : memref<200x128xi32, #tpu.memory_space<vmem>> -> memref<1x128xi32, #tpu.memory_space<vmem>>
        %dma_start3A_299 = tpu.memref_squeeze %dma_start3A_298 : memref<1x128xi32, #tpu.memory_space<vmem>> -> memref<128xi32, #tpu.memory_space<vmem>>
        %dma_start3A_300 = arith.constant 0 : i32
        %dma_start3A_301 = arith.constant 0 : i32
        %dma_start3A_302 = tpu.memref_slice %arg3[%dma_start3A_300, %dma_start3A_301] : memref<100000x64xf32, #tpu.memory_space<hbm>> -> memref<100000x64xf32, #tpu.memory_space<hbm>>
        tpu.enqueue_indirect_dma source(%dma_start3A_302 : memref<100000x64xf32, #tpu.memory_space<hbm>>) target(%arg10 : memref<128x64xf32, #tpu.memory_space<vmem>>) offsets(%dma_start3A_299 : memref<128xi32, #tpu.memory_space<vmem>>) semaphore(%arg19 : memref<!tpu.dma_semaphore, #tpu.memory_space<semaphore_mem>>)
      } else {
      }
      %dma_wait3A_256 = arith.constant 0 : i32
      %dma_wait3A_257 = arith.constant 0 : i32
      %dma_wait3A_258 = tpu.memref_slice %arg3[%dma_wait3A_256, %dma_wait3A_257] : memref<100000x64xf32, #tpu.memory_space<hbm>> -> memref<128x64xf32, #tpu.memory_space<hbm>>
      %dma_wait3A_259 = arith.constant 0 : i32
      %dma_wait3A_260 = arith.constant 0 : i32
      %dma_wait3A_261 = tpu.memref_slice %arg3[%dma_wait3A_259, %dma_wait3A_260] : memref<100000x64xf32, #tpu.memory_space<hbm>> -> memref<128x64xf32, #tpu.memory_space<hbm>>
      tpu.wait_dma2 semaphore(%arg20 : memref<!tpu.dma_semaphore, #tpu.memory_space<semaphore_mem>>) src(%dma_wait3A_261 : memref<128x64xf32, #tpu.memory_space<hbm>>) dst(%arg11 : memref<128x64xf32, #tpu.memory_space<vmem>>)
      %ge3A_262 = arith.constant 4 : i32
      %ge3A_263 = arith.cmpi sge, %add3A_248, %ge3A_262 : i32
      %convert_element_type3A_264 = arith.extui %ge3A_263 : i1 to i32
      %cond3A_265 = arith.constant 0 : i32
      %cond3A_266 = arith.cmpi ne, %convert_element_type3A_264, %cond3A_265 : i32
      scf.if %cond3A_266 {
        %dma_wait3A_295 = arith.constant 0 : i32
        %dma_wait3A_296 = arith.constant 0 : i32
        %dma_wait3A_297 = arith.constant 0 : i32
        %dma_wait3A_298 = arith.constant 0 : i32
        %dma_wait3A_299 = arith.constant 0 : i32
        %dma_wait3A_300 = tpu.memref_slice %arg5[%dma_wait3A_295, %dma_wait3A_297, %dma_wait3A_296, %dma_wait3A_298, %dma_wait3A_299] : memref<200x8x32x8x128xf32, #tpu.memory_space<hbm>> -> memref<1x8x1x8x128xf32, #tpu.memory_space<hbm>>
        %dma_wait3A_301 = tpu.memref_squeeze %dma_wait3A_300 : memref<1x8x1x8x128xf32, #tpu.memory_space<hbm>> -> memref<8x8x128xf32, #tpu.memory_space<hbm>>
        %dma_wait3A_302 = arith.constant 0 : i32
        %dma_wait3A_303 = arith.constant 0 : i32
        %dma_wait3A_304 = arith.constant 0 : i32
        %dma_wait3A_305 = tpu.memref_slice %arg5[%dma_wait3A_295, %dma_wait3A_302, %dma_wait3A_296, %dma_wait3A_303, %dma_wait3A_304] : memref<200x8x32x8x128xf32, #tpu.memory_space<hbm>> -> memref<1x8x1x8x128xf32, #tpu.memory_space<hbm>>
        %dma_wait3A_306 = tpu.memref_squeeze %dma_wait3A_305 : memref<1x8x1x8x128xf32, #tpu.memory_space<hbm>> -> memref<8x8x128xf32, #tpu.memory_space<hbm>>
        tpu.wait_dma2 semaphore(%arg24 : memref<!tpu.dma_semaphore, #tpu.memory_space<semaphore_mem>>) src(%arg15 : memref<8x8x128xf32, #tpu.memory_space<vmem>>) dst(%dma_wait3A_306 : memref<8x8x128xf32, #tpu.memory_space<hbm>>)
      } else {
      }
      %get3A_267 = arith.index_cast %add3A_248 : i32 to index
      %get3A_268 = arith.constant 0 : index
      %get3A_269 = tpu.vector_load %arg6[%get3A_267, %get3A_268] {strides = array<i32>} : memref<200x64xf32, #tpu.memory_space<vmem>>, vector<16xf32>,
      %get3A_270 = arith.index_cast %add3A_248 : i32 to index
      %get3A_271 = arith.constant 16 : index
      %get3A_272 = tpu.vector_load %arg6[%get3A_270, %get3A_271] {strides = array<i32>} : memref<200x64xf32, #tpu.memory_space<vmem>>, vector<16xf32>,
      %get3A_273 = arith.index_cast %add3A_248 : i32 to index
      %get3A_274 = arith.constant 32 : index
      %get3A_275 = tpu.vector_load %arg6[%get3A_273, %get3A_274] {strides = array<i32>} : memref<200x64xf32, #tpu.memory_space<vmem>>, vector<16xf32>,
      %get3A_276 = arith.index_cast %add3A_248 : i32 to index
      %get3A_277 = arith.constant 48 : index
      %get3A_278 = tpu.vector_load %arg6[%get3A_276, %get3A_277] {strides = array<i32>} : memref<200x64xf32, #tpu.memory_space<vmem>>, vector<16xf32>,
      %parallel_loop3A_279 = arith.constant 0 : i32
      %parallel_loop3A_280 = arith.constant 128 : i32
      %parallel_loop3A_281 = arith.constant 1 : i32
      scf.for %parallel_loop3A_295 = %parallel_loop3A_279 to %parallel_loop3A_280 step %parallel_loop3A_281  : i32 {
        %parallel_loop3A_296 = vector.broadcast %parallel_loop3A_295 : i32 to vector<16xi32>
        %parallel_loop3A_297 = arith.index_cast %parallel_loop3A_295 : i32 to index
        %parallel_loop3A_298 = arith.constant 0 : index
        %parallel_loop3A_299 = tpu.vector_load %arg11[%parallel_loop3A_297, %parallel_loop3A_298] {strides = array<i32>} : memref<128x64xf32, #tpu.memory_space<vmem>>, vector<16xf32>,
        %parallel_loop3A_300 = arith.addi %mul3A_6, %parallel_loop3A_296 : vector<16xi32>
        %parallel_loop3A_301 = arith.addf %parallel_loop3A_299, %get3A_269 : vector<16xf32>
        tpu.vector_store_idx %arg16[%parallel_loop3A_300], %parallel_loop3A_301 : memref<8256xf32, #tpu.memory_space<vmem>>[vector<16xi32>], vector<16xf32>,
        %parallel_loop3A_302 = arith.index_cast %parallel_loop3A_295 : i32 to index
        %parallel_loop3A_303 = arith.constant 16 : index
        %parallel_loop3A_304 = tpu.vector_load %arg11[%parallel_loop3A_302, %parallel_loop3A_303] {strides = array<i32>} : memref<128x64xf32, #tpu.memory_space<vmem>>, vector<16xf32>,
        %parallel_loop3A_305 = arith.addi %mul3A_13, %parallel_loop3A_296 : vector<16xi32>
        %parallel_loop3A_306 = arith.addf %parallel_loop3A_304, %get3A_272 : vector<16xf32>
        tpu.vector_store_idx %arg16[%parallel_loop3A_305], %parallel_loop3A_306 : memref<8256xf32, #tpu.memory_space<vmem>>[vector<16xi32>], vector<16xf32>,
        %parallel_loop3A_307 = arith.index_cast %parallel_loop3A_295 : i32 to index
        %parallel_loop3A_308 = arith.constant 32 : index
        %parallel_loop3A_309 = tpu.vector_load %arg11[%parallel_loop3A_307, %parallel_loop3A_308] {strides = array<i32>} : memref<128x64xf32, #tpu.memory_space<vmem>>, vector<16xf32>,
        %parallel_loop3A_310 = arith.addi %mul3A_20, %parallel_loop3A_296 : vector<16xi32>
        %parallel_loop3A_311 = arith.addf %parallel_loop3A_309, %get3A_275 : vector<16xf32>
        tpu.vector_store_idx %arg16[%parallel_loop3A_310], %parallel_loop3A_311 : memref<8256xf32, #tpu.memory_space<vmem>>[vector<16xi32>], vector<16xf32>,
        %parallel_loop3A_312 = arith.index_cast %parallel_loop3A_295 : i32 to index
        %parallel_loop3A_313 = arith.constant 48 : index
        %parallel_loop3A_314 = tpu.vector_load %arg11[%parallel_loop3A_312, %parallel_loop3A_313] {strides = array<i32>} : memref<128x64xf32, #tpu.memory_space<vmem>>, vector<16xf32>,
        %parallel_loop3A_315 = arith.addi %mul3A_27, %parallel_loop3A_296 : vector<16xi32>
        %parallel_loop3A_316 = arith.addf %parallel_loop3A_314, %get3A_278 : vector<16xf32>
        tpu.vector_store_idx %arg16[%parallel_loop3A_315], %parallel_loop3A_316 : memref<8256xf32, #tpu.memory_space<vmem>>[vector<16xi32>], vector<16xf32>,
      } {sc.loop_unroll_factor = 4 : i64, sc.parallel_access}
      %parallel_loop3A_282 = arith.constant 0 : i32
      %parallel_loop3A_283 = arith.constant 64 : i32
      %parallel_loop3A_284 = arith.constant 1 : i32
      scf.for %parallel_loop3A_295 = %parallel_loop3A_282 to %parallel_loop3A_283 step %parallel_loop3A_284  : i32 {
        %parallel_loop3A_296 = arith.constant 129 : i32
        %parallel_loop3A_297 = arith.muli %parallel_loop3A_295, %parallel_loop3A_296 : i32
        %parallel_loop3A_298 = arith.constant 0 : i32
        %parallel_loop3A_299 = arith.addi %parallel_loop3A_297, %parallel_loop3A_298 : i32
        %parallel_loop3A_300 = arith.index_cast %parallel_loop3A_299 : i32 to index
        %parallel_loop3A_301 = tpu.vector_load %arg16[%parallel_loop3A_300] {strides = array<i32>} : memref<8256xf32, #tpu.memory_space<vmem>>, vector<16xf32>,
        %parallel_loop3A_302 = arith.constant 3 : i32
        %parallel_loop3A_303 = arith.shrsi %parallel_loop3A_295, %parallel_loop3A_302 : i32
        %parallel_loop3A_304 = arith.constant 7 : i32
        %parallel_loop3A_305 = arith.andi %parallel_loop3A_295, %parallel_loop3A_304 : i32
        %parallel_loop3A_306 = arith.index_cast %parallel_loop3A_303 : i32 to index
        %parallel_loop3A_307 = arith.index_cast %parallel_loop3A_305 : i32 to index
        %parallel_loop3A_308 = arith.constant 0 : index
        %parallel_loop3A_309 = tpu.vector_load %arg15[%parallel_loop3A_306, %parallel_loop3A_307, %parallel_loop3A_308] {strides = array<i32>} : memref<8x8x128xf32, #tpu.memory_space<vmem>>, vector<16xf32>,
        tpu.vector_store %arg15[%parallel_loop3A_306, %parallel_loop3A_307, %parallel_loop3A_308], %parallel_loop3A_301 {strides = array<i32>} : memref<8x8x128xf32, #tpu.memory_space<vmem>>, vector<16xf32>,
        %parallel_loop3A_310 = arith.constant 129 : i32
        %parallel_loop3A_311 = arith.muli %parallel_loop3A_295, %parallel_loop3A_310 : i32
        %parallel_loop3A_312 = arith.constant 16 : i32
        %parallel_loop3A_313 = arith.addi %parallel_loop3A_311, %parallel_loop3A_312 : i32
        %parallel_loop3A_314 = arith.index_cast %parallel_loop3A_313 : i32 to index
        %parallel_loop3A_315 = tpu.vector_load %arg16[%parallel_loop3A_314] {strides = array<i32>} : memref<8256xf32, #tpu.memory_space<vmem>>, vector<16xf32>,
        %parallel_loop3A_316 = arith.constant 3 : i32
        %parallel_loop3A_317 = arith.shrsi %parallel_loop3A_295, %parallel_loop3A_316 : i32
        %parallel_loop3A_318 = arith.constant 7 : i32
        %parallel_loop3A_319 = arith.andi %parallel_loop3A_295, %parallel_loop3A_318 : i32
        %parallel_loop3A_320 = arith.index_cast %parallel_loop3A_317 : i32 to index
        %parallel_loop3A_321 = arith.index_cast %parallel_loop3A_319 : i32 to index
        %parallel_loop3A_322 = arith.constant 16 : index
        %parallel_loop3A_323 = tpu.vector_load %arg15[%parallel_loop3A_320, %parallel_loop3A_321, %parallel_loop3A_322] {strides = array<i32>} : memref<8x8x128xf32, #tpu.memory_space<vmem>>, vector<16xf32>,
        tpu.vector_store %arg15[%parallel_loop3A_320, %parallel_loop3A_321, %parallel_loop3A_322], %parallel_loop3A_315 {strides = array<i32>} : memref<8x8x128xf32, #tpu.memory_space<vmem>>, vector<16xf32>,
        %parallel_loop3A_324 = arith.constant 129 : i32
        %parallel_loop3A_325 = arith.muli %parallel_loop3A_295, %parallel_loop3A_324 : i32
        %parallel_loop3A_326 = arith.constant 32 : i32
        %parallel_loop3A_327 = arith.addi %parallel_loop3A_325, %parallel_loop3A_326 : i32
        %parallel_loop3A_328 = arith.index_cast %parallel_loop3A_327 : i32 to index
        %parallel_loop3A_329 = tpu.vector_load %arg16[%parallel_loop3A_328] {strides = array<i32>} : memref<8256xf32, #tpu.memory_space<vmem>>, vector<16xf32>,
        %parallel_loop3A_330 = arith.constant 3 : i32
        %parallel_loop3A_331 = arith.shrsi %parallel_loop3A_295, %parallel_loop3A_330 : i32
        %parallel_loop3A_332 = arith.constant 7 : i32
        %parallel_loop3A_333 = arith.andi %parallel_loop3A_295, %parallel_loop3A_332 : i32
        %parallel_loop3A_334 = arith.index_cast %parallel_loop3A_331 : i32 to index
        %parallel_loop3A_335 = arith.index_cast %parallel_loop3A_333 : i32 to index
        %parallel_loop3A_336 = arith.constant 32 : index
        %parallel_loop3A_337 = tpu.vector_load %arg15[%parallel_loop3A_334, %parallel_loop3A_335, %parallel_loop3A_336] {strides = array<i32>} : memref<8x8x128xf32, #tpu.memory_space<vmem>>, vector<16xf32>,
        tpu.vector_store %arg15[%parallel_loop3A_334, %parallel_loop3A_335, %parallel_loop3A_336], %parallel_loop3A_329 {strides = array<i32>} : memref<8x8x128xf32, #tpu.memory_space<vmem>>, vector<16xf32>,
        %parallel_loop3A_338 = arith.constant 129 : i32
        %parallel_loop3A_339 = arith.muli %parallel_loop3A_295, %parallel_loop3A_338 : i32
        %parallel_loop3A_340 = arith.constant 48 : i32
        %parallel_loop3A_341 = arith.addi %parallel_loop3A_339, %parallel_loop3A_340 : i32
        %parallel_loop3A_342 = arith.index_cast %parallel_loop3A_341 : i32 to index
        %parallel_loop3A_343 = tpu.vector_load %arg16[%parallel_loop3A_342] {strides = array<i32>} : memref<8256xf32, #tpu.memory_space<vmem>>, vector<16xf32>,
        %parallel_loop3A_344 = arith.constant 3 : i32
        %parallel_loop3A_345 = arith.shrsi %parallel_loop3A_295, %parallel_loop3A_344 : i32
        %parallel_loop3A_346 = arith.constant 7 : i32
        %parallel_loop3A_347 = arith.andi %parallel_loop3A_295, %parallel_loop3A_346 : i32
        %parallel_loop3A_348 = arith.index_cast %parallel_loop3A_345 : i32 to index
        %parallel_loop3A_349 = arith.index_cast %parallel_loop3A_347 : i32 to index
        %parallel_loop3A_350 = arith.constant 48 : index
        %parallel_loop3A_351 = tpu.vector_load %arg15[%parallel_loop3A_348, %parallel_loop3A_349, %parallel_loop3A_350] {strides = array<i32>} : memref<8x8x128xf32, #tpu.memory_space<vmem>>, vector<16xf32>,
        tpu.vector_store %arg15[%parallel_loop3A_348, %parallel_loop3A_349, %parallel_loop3A_350], %parallel_loop3A_343 {strides = array<i32>} : memref<8x8x128xf32, #tpu.memory_space<vmem>>, vector<16xf32>,
        %parallel_loop3A_352 = arith.constant 129 : i32
        %parallel_loop3A_353 = arith.muli %parallel_loop3A_295, %parallel_loop3A_352 : i32
        %parallel_loop3A_354 = arith.constant 64 : i32
        %parallel_loop3A_355 = arith.addi %parallel_loop3A_353, %parallel_loop3A_354 : i32
        %parallel_loop3A_356 = arith.index_cast %parallel_loop3A_355 : i32 to index
        %parallel_loop3A_357 = tpu.vector_load %arg16[%parallel_loop3A_356] {strides = array<i32>} : memref<8256xf32, #tpu.memory_space<vmem>>, vector<16xf32>,
        %parallel_loop3A_358 = arith.constant 3 : i32
        %parallel_loop3A_359 = arith.shrsi %parallel_loop3A_295, %parallel_loop3A_358 : i32
        %parallel_loop3A_360 = arith.constant 7 : i32
        %parallel_loop3A_361 = arith.andi %parallel_loop3A_295, %parallel_loop3A_360 : i32
        %parallel_loop3A_362 = arith.index_cast %parallel_loop3A_359 : i32 to index
        %parallel_loop3A_363 = arith.index_cast %parallel_loop3A_361 : i32 to index
        %parallel_loop3A_364 = arith.constant 64 : index
        %parallel_loop3A_365 = tpu.vector_load %arg15[%parallel_loop3A_362, %parallel_loop3A_363, %parallel_loop3A_364] {strides = array<i32>} : memref<8x8x128xf32, #tpu.memory_space<vmem>>, vector<16xf32>,
        tpu.vector_store %arg15[%parallel_loop3A_362, %parallel_loop3A_363, %parallel_loop3A_364], %parallel_loop3A_357 {strides = array<i32>} : memref<8x8x128xf32, #tpu.memory_space<vmem>>, vector<16xf32>,
        %parallel_loop3A_366 = arith.constant 129 : i32
        %parallel_loop3A_367 = arith.muli %parallel_loop3A_295, %parallel_loop3A_366 : i32
        %parallel_loop3A_368 = arith.constant 80 : i32
        %parallel_loop3A_369 = arith.addi %parallel_loop3A_367, %parallel_loop3A_368 : i32
        %parallel_loop3A_370 = arith.index_cast %parallel_loop3A_369 : i32 to index
        %parallel_loop3A_371 = tpu.vector_load %arg16[%parallel_loop3A_370] {strides = array<i32>} : memref<8256xf32, #tpu.memory_space<vmem>>, vector<16xf32>,
        %parallel_loop3A_372 = arith.constant 3 : i32
        %parallel_loop3A_373 = arith.shrsi %parallel_loop3A_295, %parallel_loop3A_372 : i32
        %parallel_loop3A_374 = arith.constant 7 : i32
        %parallel_loop3A_375 = arith.andi %parallel_loop3A_295, %parallel_loop3A_374 : i32
        %parallel_loop3A_376 = arith.index_cast %parallel_loop3A_373 : i32 to index
        %parallel_loop3A_377 = arith.index_cast %parallel_loop3A_375 : i32 to index
        %parallel_loop3A_378 = arith.constant 80 : index
        %parallel_loop3A_379 = tpu.vector_load %arg15[%parallel_loop3A_376, %parallel_loop3A_377, %parallel_loop3A_378] {strides = array<i32>} : memref<8x8x128xf32, #tpu.memory_space<vmem>>, vector<16xf32>,
        tpu.vector_store %arg15[%parallel_loop3A_376, %parallel_loop3A_377, %parallel_loop3A_378], %parallel_loop3A_371 {strides = array<i32>} : memref<8x8x128xf32, #tpu.memory_space<vmem>>, vector<16xf32>,
        %parallel_loop3A_380 = arith.constant 129 : i32
        %parallel_loop3A_381 = arith.muli %parallel_loop3A_295, %parallel_loop3A_380 : i32
        %parallel_loop3A_382 = arith.constant 96 : i32
        %parallel_loop3A_383 = arith.addi %parallel_loop3A_381, %parallel_loop3A_382 : i32
        %parallel_loop3A_384 = arith.index_cast %parallel_loop3A_383 : i32 to index
        %parallel_loop3A_385 = tpu.vector_load %arg16[%parallel_loop3A_384] {strides = array<i32>} : memref<8256xf32, #tpu.memory_space<vmem>>, vector<16xf32>,
        %parallel_loop3A_386 = arith.constant 3 : i32
        %parallel_loop3A_387 = arith.shrsi %parallel_loop3A_295, %parallel_loop3A_386 : i32
        %parallel_loop3A_388 = arith.constant 7 : i32
        %parallel_loop3A_389 = arith.andi %parallel_loop3A_295, %parallel_loop3A_388 : i32
        %parallel_loop3A_390 = arith.index_cast %parallel_loop3A_387 : i32 to index
        %parallel_loop3A_391 = arith.index_cast %parallel_loop3A_389 : i32 to index
        %parallel_loop3A_392 = arith.constant 96 : index
        %parallel_loop3A_393 = tpu.vector_load %arg15[%parallel_loop3A_390, %parallel_loop3A_391, %parallel_loop3A_392] {strides = array<i32>} : memref<8x8x128xf32, #tpu.memory_space<vmem>>, vector<16xf32>,
        tpu.vector_store %arg15[%parallel_loop3A_390, %parallel_loop3A_391, %parallel_loop3A_392], %parallel_loop3A_385 {strides = array<i32>} : memref<8x8x128xf32, #tpu.memory_space<vmem>>, vector<16xf32>,
        %parallel_loop3A_394 = arith.constant 129 : i32
        %parallel_loop3A_395 = arith.muli %parallel_loop3A_295, %parallel_loop3A_394 : i32
        %parallel_loop3A_396 = arith.constant 112 : i32
        %parallel_loop3A_397 = arith.addi %parallel_loop3A_395, %parallel_loop3A_396 : i32
        %parallel_loop3A_398 = arith.index_cast %parallel_loop3A_397 : i32 to index
        %parallel_loop3A_399 = tpu.vector_load %arg16[%parallel_loop3A_398] {strides = array<i32>} : memref<8256xf32, #tpu.memory_space<vmem>>, vector<16xf32>,
        %parallel_loop3A_400 = arith.constant 3 : i32
        %parallel_loop3A_401 = arith.shrsi %parallel_loop3A_295, %parallel_loop3A_400 : i32
        %parallel_loop3A_402 = arith.constant 7 : i32
        %parallel_loop3A_403 = arith.andi %parallel_loop3A_295, %parallel_loop3A_402 : i32
        %parallel_loop3A_404 = arith.index_cast %parallel_loop3A_401 : i32 to index
        %parallel_loop3A_405 = arith.index_cast %parallel_loop3A_403 : i32 to index
        %parallel_loop3A_406 = arith.constant 112 : index
        %parallel_loop3A_407 = tpu.vector_load %arg15[%parallel_loop3A_404, %parallel_loop3A_405, %parallel_loop3A_406] {strides = array<i32>} : memref<8x8x128xf32, #tpu.memory_space<vmem>>, vector<16xf32>,
        tpu.vector_store %arg15[%parallel_loop3A_404, %parallel_loop3A_405, %parallel_loop3A_406], %parallel_loop3A_399 {strides = array<i32>} : memref<8x8x128xf32, #tpu.memory_space<vmem>>, vector<16xf32>,
      } {sc.loop_unroll_factor = 4 : i64, sc.parallel_access}
      %dma_start3A_285 = arith.constant 0 : i32
      %dma_start3A_286 = arith.constant 0 : i32
      %dma_start3A_287 = arith.constant 0 : i32
      %dma_start3A_288 = tpu.memref_slice %arg5[%add3A_248, %dma_start3A_285, %add3A, %dma_start3A_286, %dma_start3A_287] : memref<200x8x32x8x128xf32, #tpu.memory_space<hbm>> -> memref<1x8x1x8x128xf32, #tpu.memory_space<hbm>>
      %dma_start3A_289 = tpu.memref_squeeze %dma_start3A_288 : memref<1x8x1x8x128xf32, #tpu.memory_space<hbm>> -> memref<8x8x128xf32, #tpu.memory_space<hbm>>
      %dma_start3A_290 = arith.constant 0 : i32
      %dma_start3A_291 = arith.constant 0 : i32
      %dma_start3A_292 = arith.constant 0 : i32
      %dma_start3A_293 = tpu.memref_slice %arg5[%add3A_248, %dma_start3A_290, %add3A, %dma_start3A_291, %dma_start3A_292] : memref<200x8x32x8x128xf32, #tpu.memory_space<hbm>> -> memref<1x8x1x8x128xf32, #tpu.memory_space<hbm>>
      %dma_start3A_294 = tpu.memref_squeeze %dma_start3A_293 : memref<1x8x1x8x128xf32, #tpu.memory_space<hbm>> -> memref<8x8x128xf32, #tpu.memory_space<hbm>>
      tpu.enqueue_dma source(%arg15 : memref<8x8x128xf32, #tpu.memory_space<vmem>>) target(%dma_start3A_294 : memref<8x8x128xf32, #tpu.memory_space<hbm>>) target_semaphore(%arg24 : memref<!tpu.dma_semaphore, #tpu.memory_space<semaphore_mem>>)
    }
    %scan3A_52 = arith.constant 50 : i32
    %dma_wait3A = arith.constant 0 : i32
    %dma_wait3A_53 = arith.constant 0 : i32
    %dma_wait3A_54 = arith.constant 0 : i32
    %dma_wait3A_55 = arith.constant 0 : i32
    %dma_wait3A_56 = arith.constant 0 : i32
    %dma_wait3A_57 = tpu.memref_slice %arg5[%dma_wait3A, %dma_wait3A_54, %dma_wait3A_53, %dma_wait3A_55, %dma_wait3A_56] : memref<200x8x32x8x128xf32, #tpu.memory_space<hbm>> -> memref<1x8x1x8x128xf32, #tpu.memory_space<hbm>>
    %dma_wait3A_58 = tpu.memref_squeeze %dma_wait3A_57 : memref<1x8x1x8x128xf32, #tpu.memory_space<hbm>> -> memref<8x8x128xf32, #tpu.memory_space<hbm>>
    %dma_wait3A_59 = arith.constant 0 : i32
    %dma_wait3A_60 = arith.constant 0 : i32
    %dma_wait3A_61 = arith.constant 0 : i32
    %dma_wait3A_62 = tpu.memref_slice %arg5[%dma_wait3A, %dma_wait3A_59, %dma_wait3A_53, %dma_wait3A_60, %dma_wait3A_61] : memref<200x8x32x8x128xf32, #tpu.memory_space<hbm>> -> memref<1x8x1x8x128xf32, #tpu.memory_space<hbm>>
    %dma_wait3A_63 = tpu.memref_squeeze %dma_wait3A_62 : memref<1x8x1x8x128xf32, #tpu.memory_space<hbm>> -> memref<8x8x128xf32, #tpu.memory_space<hbm>>
    tpu.wait_dma2 semaphore(%arg21 : memref<!tpu.dma_semaphore, #tpu.memory_space<semaphore_mem>>) src(%arg12 : memref<8x8x128xf32, #tpu.memory_space<vmem>>) dst(%dma_wait3A_63 : memref<8x8x128xf32, #tpu.memory_space<hbm>>)
    %dma_wait3A_64 = arith.constant 0 : i32
    %dma_wait3A_65 = arith.constant 0 : i32
    %dma_wait3A_66 = arith.constant 0 : i32
    %dma_wait3A_67 = arith.constant 0 : i32
    %dma_wait3A_68 = arith.constant 0 : i32
    %dma_wait3A_69 = tpu.memref_slice %arg5[%dma_wait3A_64, %dma_wait3A_66, %dma_wait3A_65, %dma_wait3A_67, %dma_wait3A_68] : memref<200x8x32x8x128xf32, #tpu.memory_space<hbm>> -> memref<1x8x1x8x128xf32, #tpu.memory_space<hbm>>
    %dma_wait3A_70 = tpu.memref_squeeze %dma_wait3A_69 : memref<1x8x1x8x128xf32, #tpu.memory_space<hbm>> -> memref<8x8x128xf32, #tpu.memory_space<hbm>>
    %dma_wait3A_71 = arith.constant 0 : i32
    %dma_wait3A_72 = arith.constant 0 : i32
    %dma_wait3A_73 = arith.constant 0 : i32
    %dma_wait3A_74 = tpu.memref_slice %arg5[%dma_wait3A_64, %dma_wait3A_71, %dma_wait3A_65, %dma_wait3A_72, %dma_wait3A_73] : memref<200x8x32x8x128xf32, #tpu.memory_space<hbm>> -> memref<1x8x1x8x128xf32, #tpu.memory_space<hbm>>
    %dma_wait3A_75 = tpu.memref_squeeze %dma_wait3A_74 : memref<1x8x1x8x128xf32, #tpu.memory_space<hbm>> -> memref<8x8x128xf32, #tpu.memory_space<hbm>>
    tpu.wait_dma2 semaphore(%arg22 : memref<!tpu.dma_semaphore, #tpu.memory_space<semaphore_mem>>) src(%arg13 : memref<8x8x128xf32, #tpu.memory_space<vmem>>) dst(%dma_wait3A_75 : memref<8x8x128xf32, #tpu.memory_space<hbm>>)
    %dma_wait3A_76 = arith.constant 0 : i32
    %dma_wait3A_77 = arith.constant 0 : i32
    %dma_wait3A_78 = arith.constant 0 : i32
    %dma_wait3A_79 = arith.constant 0 : i32
    %dma_wait3A_80 = arith.constant 0 : i32
    %dma_wait3A_81 = tpu.memref_slice %arg5[%dma_wait3A_76, %dma_wait3A_78, %dma_wait3A_77, %dma_wait3A_79, %dma_wait3A_80] : memref<200x8x32x8x128xf32, #tpu.memory_space<hbm>> -> memref<1x8x1x8x128xf32, #tpu.memory_space<hbm>>
    %dma_wait3A_82 = tpu.memref_squeeze %dma_wait3A_81 : memref<1x8x1x8x128xf32, #tpu.memory_space<hbm>> -> memref<8x8x128xf32, #tpu.memory_space<hbm>>
    %dma_wait3A_83 = arith.constant 0 : i32
    %dma_wait3A_84 = arith.constant 0 : i32
    %dma_wait3A_85 = arith.constant 0 : i32
    %dma_wait3A_86 = tpu.memref_slice %arg5[%dma_wait3A_76, %dma_wait3A_83, %dma_wait3A_77, %dma_wait3A_84, %dma_wait3A_85] : memref<200x8x32x8x128xf32, #tpu.memory_space<hbm>> -> memref<1x8x1x8x128xf32, #tpu.memory_space<hbm>>
    %dma_wait3A_87 = tpu.memref_squeeze %dma_wait3A_86 : memref<1x8x1x8x128xf32, #tpu.memory_space<hbm>> -> memref<8x8x128xf32, #tpu.memory_space<hbm>>
    tpu.wait_dma2 semaphore(%arg23 : memref<!tpu.dma_semaphore, #tpu.memory_space<semaphore_mem>>) src(%arg14 : memref<8x8x128xf32, #tpu.memory_space<vmem>>) dst(%dma_wait3A_87 : memref<8x8x128xf32, #tpu.memory_space<hbm>>)
    %dma_wait3A_88 = arith.constant 0 : i32
    %dma_wait3A_89 = arith.constant 0 : i32
    %dma_wait3A_90 = arith.constant 0 : i32
    %dma_wait3A_91 = arith.constant 0 : i32
    %dma_wait3A_92 = arith.constant 0 : i32
    %dma_wait3A_93 = tpu.memref_slice %arg5[%dma_wait3A_88, %dma_wait3A_90, %dma_wait3A_89, %dma_wait3A_91, %dma_wait3A_92] : memref<200x8x32x8x128xf32, #tpu.memory_space<hbm>> -> memref<1x8x1x8x128xf32, #tpu.memory_space<hbm>>
    %dma_wait3A_94 = tpu.memref_squeeze %dma_wait3A_93 : memref<1x8x1x8x128xf32, #tpu.memory_space<hbm>> -> memref<8x8x128xf32, #tpu.memory_space<hbm>>
    %dma_wait3A_95 = arith.constant 0 : i32
    %dma_wait3A_96 = arith.constant 0 : i32
    %dma_wait3A_97 = arith.constant 0 : i32
    %dma_wait3A_98 = tpu.memref_slice %arg5[%dma_wait3A_88, %dma_wait3A_95, %dma_wait3A_89, %dma_wait3A_96, %dma_wait3A_97] : memref<200x8x32x8x128xf32, #tpu.memory_space<hbm>> -> memref<1x8x1x8x128xf32, #tpu.memory_space<hbm>>
    %dma_wait3A_99 = tpu.memref_squeeze %dma_wait3A_98 : memref<1x8x1x8x128xf32, #tpu.memory_space<hbm>> -> memref<8x8x128xf32, #tpu.memory_space<hbm>>
    tpu.wait_dma2 semaphore(%arg24 : memref<!tpu.dma_semaphore, #tpu.memory_space<semaphore_mem>>) src(%arg15 : memref<8x8x128xf32, #tpu.memory_space<vmem>>) dst(%dma_wait3A_99 : memref<8x8x128xf32, #tpu.memory_space<hbm>>)
    return
  }
}

</mosaic_0001>

<sc_bundles>
// kernel: kernel.3.cloned.1.call-start
scs
__scs_entry_jumppad:
0x0: {  	(pc) =	sbr.rel $0x88, $3  }
0x1: {  	(tag) =	ssettag $0x0;
	lr =	simm.s32 $0x1  }
0x2: {  	[smem:$0x3F9E] =	sst lr;
	_ =	strace $0xD0000000  }
0x3: {  	_ = 	snop  }
0x4: {  	_ = 	snop  }
0x5: {  	_ = 	snop  }
0x6: {  	_ = 	snop  }
0x7: {  	_ = 	snop  }
__scs_overlays_trampoline_lowered:
0x8: {  	[smem:$0x3FAD] =	sst s0  }
0x9: {  	[smem:$0x3FAE] =	sst s1  }
0xa: {  	[smem:$0x3FAF] =	sst s2  }
0xb: {  	[smem:$0x3FB0] =	sst s3  }
0xc: {  	[smem:$0x3FB1] =	sst s4  }
0xd: {  	[smem:$0x3FB2] =	sst s5  }
0xe: {  	[smem:$0x3FB3] =	sst s6  }
0xf: {  	[smem:$0x3FB4] =	sst s7  }
0x10: {  	[smem:$0x3FB5] =	sst s8  }
0x11: {  	[smem:$0x3FB6] =	sst s9;
	s0 =	simm.s32 @!p0 $0x0  }
0x12: {  	s1 =	sld [smem:$0x3F9C];
	s0 =	simm.s32 @p0 $0x1  }
0x13: {  	[smem:$0x3FB7] =	sst s0;
	s0 =	simm.s32 @!p1 $0x0  }
0x14: {  	s2 =	sld [smem:$0x3F9B];
	s0 =	simm.s32 @p1 $0x1  }
0x15: {  	[smem:$0x3FB8] =	sst s0;
	s0 =	simm.s32 @!p2 $0x0  }
0x16: {  	s3 =	sld [smem:$0x3FDB];
	s0 =	simm.s32 @p2 $0x1  }
0x17: {  	s4 =	simm.s32 $0x1BF5;
	[smem:$0x3FBA] =	sst s0  }
0x18: {  	s0 =	sld [smem:$0x3F9D];
	_ =	swait.ge [sflag:s4], $0x0  }
0x19: {  	s7 =	sld [smem:$0x3F9E]  }
0x1a: {  	s8 =	sadd.s32 $0xFFFFE003, lr  }
0x1b: {  	s9 =	sadd.s32 $0xFFFFFEF7, lr;
	s5 =	simm.s32 $0xFFFFFFFF;
	p2 =	slt.u32 s8, $0xFFFFF086  }
0x1c: {  	p1 =	slt.u32 s9, $0xF7A;
	s5 =	simm.s32 @!p2 $0x0  }
0x1d: {  	s5 =	simm.s32 @p1 $0x1;
	p0 =	seq.s32 s7, s2  }
0x1e: {  	s7 =	smul.u32 @!p0 $0xF7A, s2;
	p2 =	seq.s32 @!p0 s5, $0x0  }
0x1f: {  	s9 =	smul.u32 $0xF7A, s1;
	s8 =	simm.s32 @!p0 $0x1BF5;
	p2 =	por !p2, p0  }
0x20: {  	[sflag:s8] =	ssyncset.s32 @!p0 $0xFFFFF086;
	s6 =	sadd.s32 @!p0 s3, s7;
	s7 =	simm.s32 @!p0 $0x108  }
0x21: {  	s3 =	sadd.s32 s3, s9;
	s6 =	sadd.s32 @!p0 $0x88, s6;
	s7 =	simm.s32 @p2 $0x1082  }
0x22: {  	[simem:s7], [sflag:s8] =	dma.local @!p0 [hbm:s6], $0xF7A  }
0x23: {  	s9 =	sor.u32 $0xD0000000, s2;
	s6 =	simm.s32 $0x108;
	_ =	swait.ge @!p0 [sflag:s8], $0x0  }
0x24: {  	s3 =	sadd.s32 $0x88, s3;
	s6 =	simm.s32 @!p1 $0x1082;
	[sflag:s4] =	ssyncset.s32 $0xFFFFF086  }
0x25: {  	[simem:s6], [sflag:s4] =	dma.local [hbm:s3], $0xF7A  }
0x26: {  	[smem:$0x3F9E] =	sst s1;
	(tag) =	ssettag s2;
	_ =	strace s9  }
0x27: {  	s1 =	sld [smem:$0x3FAE]  }
0x28: {  	s2 =	sld [smem:$0x3FAF]  }
0x29: {  	s4 =	sld [smem:$0x3FB1]  }
0x2a: {  	p0 =	seq.s32 s5, $0x0;
	s5 =	sld [smem:$0x3FB2]  }
0x2b: {  	s6 =	sld [smem:$0x3FB3]  }
0x2c: {  	s7 =	sld [smem:$0x3FB4]  }
0x2d: {  	s3 =	simm.s32 $0x108;
	s8 =	sld [smem:$0x3FB5]  }
0x2e: {  	s3 =	simm.s32 @!p0 $0x1082;
	s9 =	sld [smem:$0x3FB6]  }
0x2f: {  	lr =	sadd.s32 s0, s3;
	s0 =	sld [smem:$0x3FAD]  }
0x30: {  	s3 =	sld [smem:$0x3FB0]  }
0x31: {  	[smem:$0x3FB9] =	sst s10  }
0x32: {  	s10 =	sld [smem:$0x3FB7];
	_ =	sdelay $0x3  }
0x33: {  	p0 =	seq.s32 s10, $0x1;
	s10 =	sld [smem:$0x3FB9];
	_ =	sdelay $0x3  }
0x34: {  	[smem:$0x3FB9] =	sst s10  }
0x35: {  	s10 =	sld [smem:$0x3FB8];
	_ =	sdelay $0x3  }
0x36: {  	p1 =	seq.s32 s10, $0x1;
	s10 =	sld [smem:$0x3FB9];
	_ =	sdelay $0x3  }
0x37: {  	[smem:$0x3FB9] =	sst s10  }
0x38: {  	s10 =	sld [smem:$0x3FBA]  }
0x39: {  	_ = 	snop;
	(pc) =	sbr.ind lr, $3  }
0x3a: {  	_ = 	snop  }
0x3b: {  	_ = 	snop  }
0x3c: {  	p2 =	seq.s32 s10, $0x1;
	s10 =	sld [smem:$0x3FB9]  }
0x3d: {  	_ =	shalt  }
0x3e: {  	_ =	shalt  }
0x3f: {  	_ =	shalt  }
0x40: {  	_ =	shalt  }
0x41: {  	_ =	shalt  }
0x42: {  	_ =	shalt  }
0x43: {  	_ =	shalt  }
0x44: {  	_ =	shalt  }
0x45: {  	_ =	shalt  }
0x46: {  	_ =	shalt  }
0x47: {  	_ =	shalt  }
0x48: {  	_ =	shalt  }
0x49: {  	_ =	shalt  }
0x4a: {  	_ =	shalt  }
0x4b: {  	_ =	shalt  }
0x4c: {  	_ =	shalt  }
0x4d: {  	_ =	shalt  }
0x4e: {  	_ =	shalt  }
0x4f: {  	_ =	shalt  }
0x50: {  	_ =	shalt  }
0x51: {  	_ =	shalt  }
0x52: {  	_ =	shalt  }
0x53: {  	_ =	shalt  }
0x54: {  	_ =	shalt  }
0x55: {  	_ =	shalt  }
0x56: {  	_ =	shalt  }
0x57: {  	_ =	shalt  }
0x58: {  	_ =	shalt  }
0x59: {  	_ =	shalt  }
0x5a: {  	_ =	shalt  }
0x5b: {  	_ =	shalt  }
0x5c: {  	_ =	shalt  }
0x5d: {  	_ =	shalt  }
0x5e: {  	_ =	shalt  }
0x5f: {  	_ =	shalt  }
0x60: {  	_ =	shalt  }
0x61: {  	_ =	shalt  }
0x62: {  	_ =	shalt  }
0x63: {  	_ =	shalt  }
0x64: {  	_ =	shalt  }
0x65: {  	_ =	shalt  }
0x66: {  	_ =	shalt  }
0x67: {  	_ =	shalt  }
0x68: {  	_ =	shalt  }
0x69: {  	_ =	shalt  }
0x6a: {  	_ =	shalt  }
0x6b: {  	_ =	shalt  }
0x6c: {  	_ =	shalt  }
0x6d: {  	_ =	shalt  }
0x6e: {  	_ =	shalt  }
0x6f: {  	_ =	shalt  }
0x70: {  	_ =	shalt  }
0x71: {  	_ =	shalt  }
0x72: {  	_ =	shalt  }
0x73: {  	_ =	shalt  }
0x74: {  	_ =	shalt  }
0x75: {  	_ =	shalt  }
0x76: {  	_ =	shalt  }
0x77: {  	_ =	shalt  }
0x78: {  	_ =	shalt  }
0x79: {  	_ =	shalt  }
0x7a: {  	_ =	shalt  }
0x7b: {  	_ =	shalt  }
0x7c: {  	_ =	shalt  }
0x7d: {  	_ =	shalt  }
0x7e: {  	_ =	shalt  }
0x7f: {  	_ =	shalt  }
0x80: {  	_ =	shalt  }
0x81: {  	_ =	shalt  }
0x82: {  	_ =	shalt  }
0x83: {  	_ =	shalt  }
0x84: {  	_ =	shalt  }
0x85: {  	_ =	shalt  }
0x86: {  	_ =	shalt  }
0x87: {  	_ =	shalt  }
.Lfunc_end0:
.L_simem_size_0:
called_computation_lowered:
.L_overlay_start_0:
0x88: {  	s2 =	sld [smem:$0x3FD9]  }
0x89: {  	s3 =	sld [smem:$0x3FFE];
	_ =	sdelay $0x1  }
0x8a: {  	s1 =	srdreg.scid  }
0x8b: {  	s0 =	sand.u32 $0x1, s1  }
0x8c: {  	s17 =	sshll.u32 s0, $0xA;
	s2 =	sadd.s32 s3, s2  }
0x8d: {  	s2 =	sadd.s32 s2, s17  }
0x8e: {  	[smem:$0x3FC5] =	sst s2  }
0x8f: {  	_ = 	snop  }
0x90: {  	s2 =	sld [smem:$0x3FD0];
	(tm) =	ssettm $0x1  }
0x91: {  	s18 =	sld [smem:$0x3FFB];
	_ =	sdelay $0x3  }
0x92: {  	_ =	strace s18  }
0x93: {  	s3 =	sld [smem:$0x3FFC];
	_ =	sdelay $0x3  }
0x94: {  	_ =	strace s3  }
0x95: {  	s3 =	sld [smem:$0x3FFD];
	_ =	sdelay $0x3  }
0x96: {  	_ =	strace s3  }
0x97: {  	_ =	strace $0x8FFFFFFF  }
0x98: {  	s19 =	sld [smem:$0x3FDB];
	_ =	sdelay $0x1  }
0x99: {  	s4 =	simm.s32 $_scs_section_size  }
0x9a: {  	s5 =	simm.s32 $_size__tile_overlayer_lowered;
	s6 =	simm.s32 $_tile_overlayer_lowered  }
0x9b: {  	s22 =	simm.s32 $0x1BFF;
	s21 =	sshll.u32 s6, $0x1;
	s3 =	sadd.s32 s4, s19  }
0x9c: {  	s7 =	simm.s32 $0x0;
	s20 =	sshll.u32 s5, $0x1;
	s5 =	sadd.s32 s21, s3  }
0x9d: {  	[timem:s7], [sflag:s22] =	dma.local [hbm:s5], s20  }
0x9e: {  	_ =	swait.ge [sflag:s22], s20  }
0x9f: {  	s4 =	ssub.s32 $0x0, s20;
	[sflag:s22] =	ssyncset.done $0x0  }
0xa0: {  	[sflag:s22] =	ssyncadd.s32 s4;
	_ =	sdelay $0x1  }
0xa1: {  	s23 =	simm.s32 $0x1B8B  }
0xa2: {  	_ =	swait.ge [sflag:s23], $0x1  }
0xa3: {  	[sflag:s23] =	ssyncset.done $0x0  }
0xa4: {  	s25 =	simm.s32 $0x1B8E;
	s24 =	sld [smem:$0x3FFE];
	[sflag:s23] =	ssyncadd.s32 $0xFFFFFFFF  }
0xa5: {  	s26 =	simm.s32 $execute0_lowered;
	[smem:$0x3FD2] =	sst s25  }
0xa6: {  	s5 =	sshll.u32 s26, $0x1;
	_ =	strace $0x80000046;
	[dreg:$0x1] =	wrdreg $0xFFFFFFFF  }
0xa7: {  	s28 =	simm.s32 $_size_execute0_lowered;
	s3 =	sadd.s32 s3, s5;
	[dreg:$0x0] =	wrdreg $0x0  }
0xa8: {  	s5 =	sshll.u32 s28, $0x1;
	[dreg:$0x2] =	wrdreg s3  }
0xa9: {  	[dreg:$0x3] =	wrdreg s5  }
0xaa: {  	[dreg:$0x4] =	wrdreg $0xC0  }
0xab: {  	_ =	task [dreg:s7], $0x5FFFF  }
0xac: {  	[dreg:$0x1] =	wrdreg $0xFFFFFFFF  }
0xad: {  	[dreg:$0x0] =	wrdreg $0x60  }
0xae: {  	[dreg:$0x2] =	wrdreg s24  }
0xaf: {  	[dreg:$0x3] =	wrdreg s2  }
0xb0: {  	[dreg:$0x4] =	wrdreg $0x9  }
0xb1: {  	_ =	task.clear_ibuf [dreg:s7], $0x5FFFF;
	_ =	strace $0x90000046  }
0xb2: {  	s29 =	simm.s32 $0x9;
	_ =	strace $0x80000048  }
0xb3: {  	_ =	swait.ge [sflag:s29], $0x1  }
0xb4: {  	[sflag:s29] =	ssyncadd.s32 $0xFFFFFFFF  }
0xb5: {  	_ =	strace $0x90000048  }
0xb6: {  	_ =	sfence  }
0xb7: {  	s30 =	sld [smem:$0x0];
	_ =	sdelay $0x2  }
0xb8: {  	s31 =	sshll.u32 s1, $0xD;
	s1 =	sshrl.u32 s1, $0x2  }
0xb9: {  	s3 =	sand.u32 $0x4000, s31;
	s1 =	sadd.s32 s1, s30  }
0xba: {  	s0 =	sor.u32 s3, s0;
	s1 =	sshll.u32 s1, $0x11  }
0xbb: {  	s0 =	sor.u32 s1, s0  }
0xbc: {  	s0 =	sadd.s32 $0x8F2B, s0  }
0xbd: {  	[sflag:s0] =	ssyncadd.remote.s32 $0x1  }
0xbe: {  	_ =	sfence.sel $0xFFFF  }
0xbf: {  	[dreg:$0x0] =	wrdreg $0xFFFFFFFF;
	(pc) =	sbr.abs _section_cstart, $3  }
0xc0: {  	[dreg:$0x1] =	wrdreg $0xFFFFFFFF  }
0xc1: {  	_ =	task.clear_ibuf [dreg:s7], $0x2FFFF;
	_ =	strace $0x9FFFFFFF  }
0xc2: {  	(tm) =	ssettm $0x7FFFFFFF  }
0xc3: {  	_ =	shalt  }
tec
execute0_lowered:
.L_overlay_start_1:
0x0: {  	(tag) =	ssettag $0x1  }
0x1: {  	s0 =	rddreg [dreg:$0x0];
	s1 =	srdreg.scid  }
0x2: {  	s2 =	stileid.u32;
	s31 =	rddreg [dreg:$0x1]  }
0x3: {  	s28 =	simm.s32 $0x0;
	s20 =	simm.s32 $0x19600;
	s21 =	simm.s32 $0x400  }
0x4: {  	s1 =	sand.u32 $0x1, s1;
	s3 =	sshll.u32 s2, $0x1;
	[smem:$0x7FF] =	sst s28  }
0x5: {  	s3 =	sor.u32 s1, s3;
	_ =	strace $0x80000047;
	s1 =	ssub.s32 $0x2, s1  }
.Ltmp0:
0x6: {  	s4 =	sshll.u32 s3, $0x4;
	s29 =	sshrl.u32 s1, $0x1;
	(pc) =	sbr.rel .LBB2_1-.Ltmp0, $4  }
0x7: {  	v0 =	vlaneseq.u32;
	s5 =	sadd.s32 s4, s0;
	s4 =	sadd.s32 $0x19C00, s0;
	s0 =	sadd.s32 $0x400, s0  }
0x8: {  	v0 =	vmul.u32 $0x81, v0;
	[dreg:$0x3] =	wrdreg s0;
	s0 =	ssub.s32 s1, s29;
	s30 =	sadd.s32 $0xC00, s5  }
0x9: {  	s22 =	simm.s32 $0x8000;
	[dreg:$0x4] =	wrdreg s30;
	s0 =	smax.u32 s0, $0x1  }
0xa: {  	s2 =	simm.s32 $0x0;
	s7 =	sshll.u32 s3, $0xA;
	v1 =	vadd.s32 $0x810, v0;
	v2 =	vadd.s32 $0x1020, v0;
	v3 =	vadd.s32 $0x1830, v0;
	[dreg:$0x5] =	wrdreg s0  }
.LBB2_47:
0xb: {  	s0 =	simm.s32 $0x5  }
0xc: {  	_ =	swait.ge [sflag:s0], $0x2000  }
0xd: {  	[sflag:s0] =	ssyncset.done $0x0  }
0xe: {  	s28 =	simm.s32 $0x6;
	[sflag:s0] =	ssyncadd.s32 $0xFFFFE000  }
0xf: {  	_ =	swait.ge [sflag:s28], $0x2000  }
0x10: {  	[sflag:s28] =	ssyncset.done $0x0  }
0x11: {  	s29 =	simm.s32 $0x7;
	[sflag:s28] =	ssyncadd.s32 $0xFFFFE000  }
0x12: {  	_ =	swait.ge [sflag:s29], $0x2000  }
0x13: {  	[sflag:s29] =	ssyncset.done $0x0  }
0x14: {  	s1 =	simm.s32 $0x8;
	[sflag:s29] =	ssyncadd.s32 $0xFFFFE000  }
0x15: {  	_ =	swait.ge [sflag:s1], $0x2000  }
0x16: {  	s2 =	rddreg [dreg:$0x6]  }
0x17: {  	s30 =	rddreg [dreg:$0x5];
	s2 =	sadd.s32 $0x1, s2  }
0x18: {  	p0 =	sne.s32 s2, s30  }
.Ltmp1:
0x19: {  	_ = 	snop;
	(pc) =	sbr.rel @!p0 .LBB2_48-.Ltmp1, $3  }
0x1a: {  	_ =	sdelay $0x1  }
0x1b: {  	[sflag:s1] =	ssyncset.done $0x0  }
0x1c: {  	[sflag:s1] =	ssyncadd.s32 $0xFFFFE000  }
.LBB2_1:
0x1d: {  	[dreg:$0x6] =	wrdreg s2  }
0x1e: {  	s0 =	simm.s32 $0x0;
	s1 =	rddreg [dreg:$0x3];
	s19 =	simm.s32 $0x9  }
0x1f: {  	[tilespmem:s0], [sflag:$0x9] =	stream.linear.gather [hbm4b:s1+s0], $0x3200, $0x38;
	[tilespmem:$0x1B640] =	vst v63  }
0x20: {  	_ =	swait.ge [sflag:s19], $0x3200  }
0x21: {  	s24 =	simm.s32 $0x80;
	s3 =	simm.s32 $0x1000;
	[sflag:s19] =	ssyncset.done $0x0  }
0x22: {  	s5 =	simm.s32 $0x3200;
	s23 =	rddreg [dreg:$0x4];
	[sflag:s19] =	ssyncadd.s32 $0xFFFFCE00  }
0x23: {  	[tilespmem:s5], [sflag:$0x9] =	stream.strided.gather [hbm4b:s23+s24], $0x6400, s3, s24, $0x38;
	[tilespmem:$0x1B640] =	vst v63  }
0x24: {  	_ =	swait.ge [sflag:s19], $0x6400  }
0x25: {  	[sflag:s19] =	ssyncset.done $0x0  }
0x26: {  	s25 =	simm.s32 $0x9600;
	[sflag:s19] =	ssyncadd.s32 $0xFFFF9C00  }
0x27: {  	[tilespmem:s25], [sflag:$0x1] =	stream.indirect.gather [hbm4b:s4+s24], $0x40, s5, s24, $0xb8;
	[tilespmem:$0x1B640] =	vst v63  }
0x28: {  	s26 =	simm.s32 $0x3280;
	s28 =	simm.s32 $0xB600  }
0x29: {  	[tilespmem:s28], [sflag:$0x2] =	stream.indirect.gather [hbm4b:s4+s24], $0x40, s26, s24, $0xb8;
	[tilespmem:$0x1B640] =	vst v63  }
0x2a: {  	s29 =	simm.s32 $0x3300;
	s30 =	simm.s32 $0xD600;
	s16 =	simm.s32 $0x0  }
0x2b: {  	[tilespmem:s30], [sflag:$0x3] =	stream.indirect.gather [hbm4b:s4+s24], $0x40, s29, s24, $0xb8;
	[tilespmem:$0x1B640] =	vst v63  }
.LBB2_2:
0x2c: {  	s3 =	sshllo.u32 s16, $0x2  }
0x2d: {  	s0 =	sshll.u32 s3, $0x7  }
0x2e: {  	s1 =	simm.s32 $0x80;
	s0 =	sand.u32 $0x3FFFFF80, s0  }
0x2f: {  	s2 =	simm.s32 $0xF600;
	s26 =	simm.s32 $0x1;
	s0 =	sadd.s32 $0x3200, s0  }
0x30: {  	[tilespmem:s2], [sflag:$0x4] =	stream.indirect.gather [hbm4b:s4+s1], $0x40, s0, s1, $0xb8;
	[tilespmem:$0x1B640] =	vst v63  }
0x31: {  	_ =	swait.ge [sflag:s26], $0x2000  }
0x32: {  	p0 =	seq.s32 s16, $0x0;
	[sflag:s26] =	ssyncset.done $0x0  }
0x33: {  	s0 =	simm.s32 @!p0 $0x5;
	[sflag:s26] =	ssyncadd.s32 $0xFFFFE000  }
0x34: {  	_ =	swait.ge @!p0 [sflag:s0], $0x2000  }
0x35: {  	s28 =	sshll.u32 s16, $0x8;
	[sflag:s0] =	ssyncset.done @!p0 $0x0  }
0x36: {  	s1 =	sand.u32 $0x3FFFFF00, s28;
	[sflag:s0] =	ssyncadd.s32 @!p0 $0xFFFFE000  }
0x37: {  	s29 =	simm.s32 $0x9680;
	v7 =	vld [tilespmem:s1+$0x0]  }
0x38: {  	v8 =	vld [tilespmem:s29+$0x40]  }
0x39: {  	s12 =	simm.s32 $0x3  }
0x3a: {  	v9 =	vadd.s32 s12, v0;
	v6 =	vld [tilespmem:s1+$0x10]  }
0x3b: {  	v5 =	vld [tilespmem:s1+$0x20]  }
0x3c: {  	v10 =	vld [tilespmem:s29+$0xFFFFFF80]  }
0x3d: {  	s14 =	simm.s32 $0x0;
	v11 =	vld [tilespmem:s29+$0xFFFFFFC0];
	v8 =	vadd.f32 v8, v7  }
0x3e: {  	s30 =	simm.s32 $0x1;
	v13 =	vadd.s32 s14, v0;
	v12 =	vld [tilespmem:s29+$0x0]  }
0x3f: {  	s10 =	simm.s32 $0x2;
	v14 =	vadd.s32 s30, v0;
	v4 =	vld [tilespmem:s1+$0x30];
	[tilespmem:v9+s20+$0x0] =	vst.idx.msk $0xffff, v8  }
0x40: {  	v8 =	vadd.s32 s10, v0;
	v9 =	vld [tilespmem:s29+$0x50]  }
0x41: {  	v10 =	vadd.f32 v10, v7  }
0x42: {  	v15 =	vadd.s32 s12, v1;
	v11 =	vadd.f32 v11, v7  }
0x43: {  	v12 =	vadd.f32 v12, v7;
	[tilespmem:v13+s20+$0x0] =	vst.idx.msk $0xffff, v10  }
0x44: {  	[tilespmem:v14+s20+$0x0] =	vst.idx.msk $0xffff, v11;
	v10 =	vld [tilespmem:s29+$0xFFFFFF90]  }
0x45: {  	v11 =	vld [tilespmem:s29+$0xFFFFFFD0];
	[tilespmem:v8+s20+$0x0] =	vst.idx.msk $0xffff, v12;
	v8 =	vadd.f32 v9, v6  }
0x46: {  	s5 =	simm.s32 $0x9780;
	v12 =	vadd.s32 s14, v1;
	v9 =	vld [tilespmem:s29+$0x10]  }
0x47: {  	v13 =	vadd.s32 s30, v1;
	[tilespmem:v15+s20+$0x0] =	vst.idx.msk $0xffff, v8;
	v8 =	vld [tilespmem:s5+$0x40]  }
0x48: {  	s6 =	simm.s32 $0x7;
	v14 =	vadd.s32 s10, v1;
	v15 =	vld [tilespmem:s29+$0x60]  }
0x49: {  	v17 =	vadd.s32 s6, v0;
	v16 =	vld [tilespmem:s5+$0xFFFFFFC0];
	v10 =	vadd.f32 v10, v6  }
0x4a: {  	s8 =	simm.s32 $0x5;
	v19 =	vadd.s32 s12, v2;
	v18 =	vld [tilespmem:s5+$0x0];
	v11 =	vadd.f32 v11, v6  }
0x4b: {  	s9 =	simm.s32 $0x6;
	[tilespmem:v12+s20+$0x0] =	vst.idx.msk $0xffff, v10;
	v10 =	vld [tilespmem:s5+$0xFFFFFF80];
	v12 =	vadd.s32 s8, v0;
	v9 =	vadd.f32 v9, v6  }
0x4c: {  	s11 =	simm.s32 $0x4;
	[tilespmem:v13+s20+$0x0] =	vst.idx.msk $0xffff, v11;
	v11 =	vadd.s32 s9, v0;
	v13 =	vld [tilespmem:s29+$0xFFFFFFA0];
	v8 =	vadd.f32 v8, v7  }
0x4d: {  	[tilespmem:v14+s20+$0x0] =	vst.idx.msk $0xffff, v9;
	v9 =	vadd.s32 s11, v0;
	v14 =	vld [tilespmem:s29+$0xFFFFFFE0];
	v15 =	vadd.f32 v15, v5  }
0x4e: {  	v16 =	vadd.f32 v16, v7;
	[tilespmem:v17+s20+$0x0] =	vst.idx.msk $0xffff, v8;
	v8 =	vadd.s32 s14, v2;
	v17 =	vld [tilespmem:s29+$0x20]  }
0x4f: {  	v21 =	vadd.s32 s30, v2;
	v18 =	vadd.f32 v18, v7;
	v20 =	vld [tilespmem:s5+$0x50];
	[tilespmem:v19+s20+$0x0] =	vst.idx.msk $0xffff, v15  }
0x50: {  	v10 =	vadd.f32 v10, v7;
	[tilespmem:v12+s20+$0x0] =	vst.idx.msk $0xffff, v16;
	v15 =	vadd.s32 s10, v2;
	v16 =	vld [tilespmem:s29+$0x70]  }
0x51: {  	[tilespmem:v11+s20+$0x0] =	vst.idx.msk $0xffff, v18;
	v19 =	vld [tilespmem:s5+$0xFFFFFFD0];
	v12 =	vadd.f32 v13, v5  }
0x52: {  	v11 =	vadd.s32 s6, v1;
	[tilespmem:v9+s20+$0x0] =	vst.idx.msk $0xffff, v10;
	v9 =	vadd.f32 v14, v5  }
0x53: {  	v23 =	vadd.s32 s8, v1;
	v18 =	vld [tilespmem:s5+$0x10];
	[tilespmem:v8+s20+$0x0] =	vst.idx.msk $0xffff, v12;
	v8 =	vadd.f32 v17, v5  }
0x54: {  	v14 =	vadd.s32 s12, v3;
	v22 =	vld [tilespmem:s5+$0xFFFFFF90];
	[tilespmem:v21+s20+$0x0] =	vst.idx.msk $0xffff, v9  }
0x55: {  	v10 =	vadd.f32 v20, v6;
	v12 =	vld [tilespmem:s29+$0xFFFFFFB0];
	[tilespmem:v15+s20+$0x0] =	vst.idx.msk $0xffff, v8;
	v8 =	vadd.f32 v16, v4;
	v16 =	vadd.s32 s9, v1  }
0x56: {  	v9 =	vld [tilespmem:s29+$0xFFFFFFF0];
	v20 =	vadd.f32 v19, v6;
	v15 =	vadd.s32 s11, v1  }
0x57: {  	s13 =	simm.s32 $0x9880;
	v13 =	vadd.s32 s14, v3;
	[tilespmem:v11+s20+$0x0] =	vst.idx.msk $0xffff, v10;
	v10 =	vld [tilespmem:s29+$0x30]  }
0x58: {  	s0 =	simm.s32 $0xB;
	v17 =	vld [tilespmem:s13+$0x40];
	v19 =	vadd.f32 v18, v6;
	v11 =	vadd.s32 s30, v3;
	[tilespmem:v23+s20+$0x0] =	vst.idx.msk $0xffff, v20  }
0x59: {  	s1 =	simm.s32 $0xC;
	s14 =	simm.s32 $0x8;
	s12 =	sshll.u32 s16, $0x2;
	[tilespmem:v14+s20+$0x0] =	vst.idx.msk $0xffff, v8;
	v18 =	vadd.f32 v22, v6;
	v8 =	vld [tilespmem:s5+$0x60];
	v14 =	vadd.s32 s10, v3  }
.LBB2_3:
0x5a: {  	p1 =	slt.u32 s1, $0x7C;
	v20 =	vld [tilespmem:s13+$0xFFFFFFC0];
	v21 =	vadd.s32 s0, v0;
	[tilespmem:v16+s20+$0x0] =	vst.idx.msk $0xffff, v19;
	v12 =	vadd.f32 v12, v4;
	s10 =	smov.u32 s9;
	s17 =	smov.u32 s5  }
0x5b: {  	s15 =	sadd.s32 $0x1, s14;
	s5 =	smov.u32 s13;
	s18 =	smov.u32 s11;
	v16 =	vld [tilespmem:s13+$0x0];
	[tilespmem:v15+s20+$0x0] =	vst.idx.msk $0xffff, v18;
	v15 =	vadd.s32 s6, v2;
	v9 =	vadd.f32 v9, v4  }
0x5c: {  	s9 =	sadd.s32 $0x2, s14;
	s11 =	smov.u32 s14;
	s14 =	smov.u32 s1;
	v19 =	vadd.s32 s15, v0;
	v18 =	vld [tilespmem:s13+$0xFFFFFF80];
	[tilespmem:v13+s20+$0x0] =	vst.idx.msk $0xffff, v12;
	v10 =	vadd.f32 v10, v4  }
0x5d: {  	v12 =	vadd.s32 s9, v0;
	v13 =	vadd.f32 v17, v7;
	v17 =	vld [tilespmem:s17+$0xFFFFFFA0];
	[tilespmem:v11+s20+$0x0] =	vst.idx.msk $0xffff, v9  }
0x5e: {  	v9 =	vadd.s32 s11, v0;
	v11 =	vld [tilespmem:s17+$0xFFFFFFE0];
	v8 =	vadd.f32 v8, v5;
	[tilespmem:v14+s20+$0x0] =	vst.idx.msk $0xffff, v10  }
0x5f: {  	v10 =	vadd.f32 v20, v7;
	[tilespmem:v21+s20+$0x0] =	vst.idx.msk $0xffff, v13;
	v13 =	vadd.s32 s18, v2;
	v14 =	vld [tilespmem:s17+$0x20]  }
0x60: {  	v21 =	vadd.s32 s8, v2;
	v16 =	vadd.f32 v16, v7;
	v20 =	vld [tilespmem:s13+$0x50];
	[tilespmem:v15+s20+$0x0] =	vst.idx.msk $0xffff, v8  }
0x61: {  	v8 =	vadd.f32 v18, v7;
	[tilespmem:v19+s20+$0x0] =	vst.idx.msk $0xffff, v10;
	v10 =	vadd.s32 s10, v2;
	v18 =	vld [tilespmem:s17+$0x70]  }
0x62: {  	v22 =	vadd.s32 s0, v1;
	v19 =	vld [tilespmem:s13+$0xFFFFFFD0];
	[tilespmem:v12+s20+$0x0] =	vst.idx.msk $0xffff, v16;
	v12 =	vadd.f32 v17, v5  }
0x63: {  	v23 =	vadd.s32 s6, v3;
	s6 =	smov.u32 s0;
	[tilespmem:v9+s20+$0x0] =	vst.idx.msk $0xffff, v8;
	v8 =	vld [tilespmem:s13+$0x10];
	v9 =	vadd.f32 v11, v5  }
0x64: {  	v25 =	vadd.s32 s15, v1;
	v24 =	vld [tilespmem:s13+$0xFFFFFF90];
	[tilespmem:v13+s20+$0x0] =	vst.idx.msk $0xffff, v12;
	v11 =	vadd.f32 v14, v5  }
.Ltmp2:
0x65: {  	v16 =	vadd.s32 s9, v1;
	v13 =	vadd.f32 v20, v6;
	v12 =	vld [tilespmem:s17+$0xFFFFFFB0];
	[tilespmem:v21+s20+$0x0] =	vst.idx.msk $0xffff, v9;
	(pc) =	sbr.rel @p1 .LBB2_3-.Ltmp2, $4  }
0x66: {  	v15 =	vadd.s32 s11, v1;
	v9 =	vld [tilespmem:s17+$0xFFFFFFF0];
	[tilespmem:v10+s20+$0x0] =	vst.idx.msk $0xffff, v11;
	v14 =	vadd.f32 v18, v4  }
0x67: {  	s13 =	sadd.s32 $0x100, s13;
	v20 =	vadd.f32 v19, v6;
	[tilespmem:v22+s20+$0x0] =	vst.idx.msk $0xffff, v13;
	v13 =	vadd.s32 s18, v3;
	v10 =	vld [tilespmem:s17+$0x30]  }
0x68: {  	v11 =	vadd.s32 s8, v3;
	v17 =	vld [tilespmem:s13+$0x40];
	v19 =	vadd.f32 v8, v6;
	[tilespmem:v23+s20+$0x0] =	vst.idx.msk $0xffff, v14  }
0x69: {  	s1 =	sadd.s32 $0x4, s1;
	s0 =	sadd.s32 $0x3, s14;
	s8 =	smov.u32 s15;
	v14 =	vadd.s32 s10, v3;
	v18 =	vadd.f32 v24, v6;
	[tilespmem:v25+s20+$0x0] =	vst.idx.msk $0xffff, v20;
	v8 =	vld [tilespmem:s5+$0x60]  }
0x6a: {  	v20 =	vld [tilespmem:s13+$0xFFFFFF80]  }
0x6b: {  	v21 =	vld [tilespmem:s13+$0xFFFFFFC0];
	v22 =	vadd.s32 s0, v0  }
0x6c: {  	s1 =	sadd.s32 $0x1, s14;
	v23 =	vld [tilespmem:s13+$0x0];
	v24 =	vadd.s32 s14, v0  }
0x6d: {  	s10 =	sadd.s32 $0x2, s14;
	v25 =	vadd.s32 s1, v0  }
0x6e: {  	v26 =	vadd.s32 s10, v0;
	v17 =	vadd.f32 v17, v7  }
0x6f: {  	[tilespmem:v16+s20+$0x0] =	vst.idx.msk $0xffff, v19;
	v38 =	vadd.f32 v20, v7  }
0x70: {  	[tilespmem:v22+s20+$0x0] =	vst.idx.msk $0xffff, v17;
	v39 =	vadd.f32 v21, v7  }
0x71: {  	v7 =	vadd.f32 v23, v7;
	v40 =	vld [tilespmem:s13+$0x50];
	[tilespmem:v24+s20+$0x0] =	vst.idx.msk $0xffff, v38  }
0x72: {  	[tilespmem:v25+s20+$0x0] =	vst.idx.msk $0xffff, v39;
	v41 =	vld [tilespmem:s13+$0xFFFFFF90]  }
0x73: {  	v12 =	vadd.f32 v12, v4;
	[tilespmem:v26+s20+$0x0] =	vst.idx.msk $0xffff, v7;
	v7 =	vadd.s32 s0, v1;
	v42 =	vld [tilespmem:s13+$0xFFFFFFD0]  }
0x74: {  	v44 =	vadd.s32 s14, v1;
	[tilespmem:v15+s20+$0x0] =	vst.idx.msk $0xffff, v18;
	v9 =	vadd.f32 v9, v4;
	v43 =	vld [tilespmem:s13+$0x10]  }
0x75: {  	v45 =	vadd.s32 s1, v1;
	[tilespmem:v13+s20+$0x0] =	vst.idx.msk $0xffff, v12;
	v10 =	vadd.f32 v10, v4  }
0x76: {  	v46 =	vld [tilespmem:s5+$0xFFFFFFA0];
	[tilespmem:v11+s20+$0x0] =	vst.idx.msk $0xffff, v9;
	v9 =	vadd.s32 s10, v1;
	v11 =	vadd.f32 v40, v6  }
0x77: {  	v47 =	vadd.s32 s6, v2;
	v48 =	vld [tilespmem:s5+$0xFFFFFFE0];
	[tilespmem:v14+s20+$0x0] =	vst.idx.msk $0xffff, v10;
	v10 =	vadd.f32 v41, v6  }
0x78: {  	v49 =	vadd.s32 s11, v2;
	v50 =	vld [tilespmem:s5+$0x20];
	v19 =	vadd.f32 v42, v6;
	[tilespmem:v7+s20+$0x0] =	vst.idx.msk $0xffff, v11  }
0x79: {  	v7 =	vadd.s32 s8, v2;
	v6 =	vadd.f32 v43, v6;
	v11 =	vld [tilespmem:s13+$0x60];
	[tilespmem:v44+s20+$0x0] =	vst.idx.msk $0xffff, v10  }
0x7a: {  	v8 =	vadd.f32 v8, v5;
	v10 =	vadd.s32 s9, v2;
	[tilespmem:v45+s20+$0x0] =	vst.idx.msk $0xffff, v19;
	v51 =	vld [tilespmem:s13+$0xFFFFFFA0]  }
0x7b: {  	v13 =	vadd.f32 v46, v5;
	[tilespmem:v9+s20+$0x0] =	vst.idx.msk $0xffff, v6;
	v6 =	vadd.s32 s0, v2;
	v9 =	vld [tilespmem:s13+$0xFFFFFFE0]  }
0x7c: {  	v52 =	vadd.s32 s14, v2;
	[tilespmem:v47+s20+$0x0] =	vst.idx.msk $0xffff, v8;
	v8 =	vadd.f32 v48, v5;
	v53 =	vld [tilespmem:s13+$0x20]  }
0x7d: {  	v56 =	vadd.s32 s1, v2;
	v55 =	vadd.f32 v50, v5;
	v54 =	vld [tilespmem:s5+$0x70];
	[tilespmem:v49+s20+$0x0] =	vst.idx.msk $0xffff, v13  }
0x7e: {  	v57 =	vld [tilespmem:s5+$0xFFFFFFB0];
	[tilespmem:v7+s20+$0x0] =	vst.idx.msk $0xffff, v8;
	v8 =	vadd.s32 s10, v2;
	v7 =	vadd.f32 v11, v5  }
0x7f: {  	v11 =	vadd.s32 s6, v3;
	v58 =	vld [tilespmem:s5+$0xFFFFFFF0];
	[tilespmem:v10+s20+$0x0] =	vst.idx.msk $0xffff, v55;
	v10 =	vadd.f32 v51, v5  }
0x80: {  	v59 =	vadd.s32 s11, v3;
	v13 =	vld [tilespmem:s5+$0x30];
	[tilespmem:v6+s20+$0x0] =	vst.idx.msk $0xffff, v7;
	v6 =	vadd.f32 v9, v5  }
0x81: {  	v7 =	vadd.s32 s8, v3;
	v5 =	vadd.f32 v53, v5;
	v9 =	vld [tilespmem:s13+$0x70];
	[tilespmem:v52+s20+$0x0] =	vst.idx.msk $0xffff, v10  }
0x82: {  	v60 =	vadd.s32 s9, v3;
	v10 =	vadd.f32 v54, v4;
	[tilespmem:v56+s20+$0x0] =	vst.idx.msk $0xffff, v6;
	v61 =	vld [tilespmem:s13+$0xFFFFFFB0]  }
0x83: {  	v62 =	vadd.s32 s0, v3;
	v6 =	vadd.f32 v57, v4;
	[tilespmem:v8+s20+$0x0] =	vst.idx.msk $0xffff, v5;
	v63 =	vld [tilespmem:s13+$0xFFFFFFF0]  }
0x84: {  	v8 =	vadd.s32 s14, v3;
	v5 =	vadd.f32 v58, v4;
	[tilespmem:v11+s20+$0x0] =	vst.idx.msk $0xffff, v10;
	v10 =	vld [tilespmem:s13+$0x30]  }
0x85: {  	[tilespmem:v59+s20+$0x0] =	vst.idx.msk $0xffff, v6;
	v11 =	vadd.s32 s1, v3;
	v6 =	vadd.f32 v13, v4  }
0x86: {  	[tilespmem:v7+s20+$0x0] =	vst.idx.msk $0xffff, v5;
	v7 =	vadd.s32 s10, v3;
	v5 =	vadd.f32 v9, v4  }
0x87: {  	[tilespmem:v60+s20+$0x0] =	vst.idx.msk $0xffff, v6;
	v6 =	vadd.f32 v61, v4  }
0x88: {  	[tilespmem:v62+s20+$0x0] =	vst.idx.msk $0xffff, v5;
	v5 =	vadd.f32 v63, v4  }
0x89: {  	v4 =	vadd.f32 v10, v4;
	[tilespmem:v8+s20+$0x0] =	vst.idx.msk $0xffff, v6  }
0x8a: {  	[tilespmem:v11+s20+$0x0] =	vst.idx.msk $0xffff, v5  }
0x8b: {  	s13 =	simm.s32 $0x19702;
	[tilespmem:v7+s20+$0x0] =	vst.idx.msk $0xffff, v4  }
0x8c: {  	v4 =	vld [tilespmem:s13+$0x81]  }
0x8d: {  	s14 =	simm.s32 $0x0;
	v5 =	vld [tilespmem:s13+$0xFFFFFEFE]  }
0x8e: {  	s15 =	simm.s32 $0x180;
	s1 =	sand.u32 $0x1C00, s14  }
0x8f: {  	s5 =	sand.u32 $0x380, s15;
	s1 =	sadd.s32 $0x11600, s1  }
0x90: {  	s17 =	simm.s32 $0x183;
	s29 =	sadd.s32 s5, s1;
	v6 =	vld [tilespmem:s13+$0xFFFFFF7F]  }
0x91: {  	s30 =	simm.s32 $0x11640;
	s18 =	simm.s32 $0x0;
	s10 =	sand.u32 $0x1FFF, s17;
	v7 =	vld [tilespmem:s13+$0x0];
	[tilespmem:s29+$0x0] =	vst v4  }
0x92: {  	s19 =	simm.s32 $0x80;
	s25 =	sand.u32 $0x1FFC, s18;
	[tilespmem:s30+$0xFFFFFFC0] =	vst v5;
	v4 =	vld [tilespmem:s10+$0x19610]  }
0x93: {  	s24 =	simm.s32 $0x100;
	s23 =	sand.u32 $0x280, s19;
	v5 =	vld [tilespmem:s25+$0x19610]  }
0x94: {  	s26 =	simm.s32 $0x81;
	s5 =	sand.u32 $0x300, s24;
	s6 =	sadd.s32 s23, s1  }
0x95: {  	s28 =	simm.s32 $0x102;
	s5 =	sadd.s32 s5, s1;
	s1 =	sand.u32 $0x1FFD, s26;
	[tilespmem:s6+$0x0] =	vst v6  }
0x96: {  	s0 =	sand.u32 $0x1FFE, s28;
	[tilespmem:s5+$0x0] =	vst v7;
	v6 =	vld [tilespmem:s1+$0x19610]  }
0x97: {  	v7 =	vld [tilespmem:s0+$0x19610];
	[tilespmem:s29+$0x10] =	vst v4  }
0x98: {  	[tilespmem:s30+$0xFFFFFFD0] =	vst v5;
	v4 =	vld [tilespmem:s10+$0x19620]  }
0x99: {  	v5 =	vld [tilespmem:s25+$0x19620];
	_ =	sdelay $0x1  }
0x9a: {  	[tilespmem:s6+$0x10] =	vst v6  }
0x9b: {  	[tilespmem:s5+$0x10] =	vst v7;
	v6 =	vld [tilespmem:s1+$0x19620]  }
0x9c: {  	v7 =	vld [tilespmem:s0+$0x19620];
	[tilespmem:s29+$0x20] =	vst v4  }
0x9d: {  	[tilespmem:s30+$0xFFFFFFE0] =	vst v5;
	v4 =	vld [tilespmem:s10+$0x19630]  }
0x9e: {  	v5 =	vld [tilespmem:s25+$0x19630];
	_ =	sdelay $0x1  }
0x9f: {  	[tilespmem:s6+$0x20] =	vst v6  }
0xa0: {  	[tilespmem:s5+$0x20] =	vst v7;
	v6 =	vld [tilespmem:s1+$0x19630]  }
0xa1: {  	v7 =	vld [tilespmem:s0+$0x19630];
	[tilespmem:s29+$0x30] =	vst v4  }
0xa2: {  	[tilespmem:s30+$0xFFFFFFF0] =	vst v5;
	v9 =	vld [tilespmem:s10+$0x19640]  }
0xa3: {  	p2 =	por $0x1, $0x1;
	v10 =	vld [tilespmem:s25+$0x19640]  }
.Ltmp3:
0xa4: {  	_ = 	snop;
	(pc) =	sbr.rel @!p2 .LBB2_5-.Ltmp3, $4  }
0xa5: {  	[tilespmem:s6+$0x30] =	vst v6  }
0xa6: {  	[tilespmem:s5+$0x30] =	vst v7;
	v8 =	vld [tilespmem:s1+$0x19640]  }
0xa7: {  	v4 =	vld [tilespmem:s0+$0x19640];
	[tilespmem:s29+$0x40] =	vst v9  }
0xa8: {  	p1 =	por $0x0, $0x0;
	s8 =	simm.s32 $0x19906;
	[tilespmem:s30+$0x0] =	vst v10;
	v5 =	vld [tilespmem:s10+$0x19650]  }
0xa9: {  	v6 =	vld [tilespmem:s8+$0x81]  }
0xaa: {  	v7 =	vld [tilespmem:s8+$0xFFFFFEFE];
	s9 =	simm.s32 $0x200  }
0xab: {  	s14 =	simm.s32 $0x380;
	v9 =	vld [tilespmem:s8+$0x0];
	s17 =	simm.s32 $0x280;
	s11 =	sand.u32 $0x1C00, s9;
	[tilespmem:s6+$0x40] =	vst v8  }
0xac: {  	s15 =	simm.s32 $0x387;
	s26 =	sand.u32 $0x380, s14;
	v8 =	vld [tilespmem:s8+$0xFFFFFF7F];
	s11 =	sadd.s32 $0x11600, s11;
	[tilespmem:s5+$0x40] =	vst v4  }
0xad: {  	s18 =	simm.s32 $0x300;
	s9 =	simm.s32 $0x11840;
	s13 =	sadd.s32 s26, s11;
	[tilespmem:s29+$0x50] =	vst v5;
	v5 =	vld [tilespmem:s25+$0x19650]  }
0xae: {  	s28 =	sand.u32 $0x280, s17;
	s17 =	sand.u32 $0x1FFF, s15;
	s18 =	sand.u32 $0x300, s18;
	v4 =	vld [tilespmem:s10+$0x19660];
	[tilespmem:s13+$0x0] =	vst v6  }
0xaf: {  	s19 =	simm.s32 $0x204;
	s8 =	sadd.s32 s28, s11;
	s11 =	sadd.s32 s18, s11;
	[tilespmem:s9+$0xFFFFFFC0] =	vst v7;
	v6 =	vld [tilespmem:s17+$0x19610]  }
0xb0: {  	s23 =	simm.s32 $0x285;
	s18 =	sand.u32 $0x1FFC, s19;
	v7 =	vld [tilespmem:s1+$0x19650];
	[tilespmem:s11+$0x0] =	vst v9  }
0xb1: {  	s31 =	simm.s32 $0x306;
	s23 =	sand.u32 $0x1FFD, s23;
	[tilespmem:s8+$0x0] =	vst v8;
	v8 =	vld [tilespmem:s18+$0x19610]  }
0xb2: {  	s26 =	sand.u32 $0x1FFE, s31;
	v9 =	vld [tilespmem:s23+$0x19610];
	[tilespmem:s30+$0x10] =	vst v5  }
0xb3: {  	v5 =	vld [tilespmem:s26+$0x19610];
	[tilespmem:s29+$0x60] =	vst v4  }
0xb4: {  	v4 =	vld [tilespmem:s10+$0x19670];
	[tilespmem:s13+$0x10] =	vst v6  }
0xb5: {  	[tilespmem:s6+$0x50] =	vst v7;
	v6 =	vld [tilespmem:s17+$0x19620]  }
0xb6: {  	v7 =	vld [tilespmem:s0+$0x19650];
	[tilespmem:s9+$0xFFFFFFD0] =	vst v8  }
0xb7: {  	v8 =	vld [tilespmem:s18+$0x19620];
	[tilespmem:s8+$0x10] =	vst v9  }
0xb8: {  	v9 =	vld [tilespmem:s23+$0x19620];
	[tilespmem:s11+$0x10] =	vst v5  }
0xb9: {  	v5 =	vld [tilespmem:s26+$0x19620];
	[tilespmem:s29+$0x70] =	vst v4  }
0xba: {  	v4 =	vld [tilespmem:s25+$0x19660];
	[tilespmem:s13+$0x20] =	vst v6  }
0xbb: {  	[tilespmem:s5+$0x50] =	vst v7;
	v6 =	vld [tilespmem:s17+$0x19630]  }
0xbc: {  	v7 =	vld [tilespmem:s1+$0x19660];
	[tilespmem:s9+$0xFFFFFFE0] =	vst v8  }
0xbd: {  	v8 =	vld [tilespmem:s18+$0x19630];
	[tilespmem:s8+$0x20] =	vst v9  }
0xbe: {  	v9 =	vld [tilespmem:s23+$0x19630];
	[tilespmem:s11+$0x20] =	vst v5  }
0xbf: {  	[tilespmem:s30+$0x20] =	vst v4;
	v4 =	vld [tilespmem:s0+$0x19660]  }
0xc0: {  	v5 =	vld [tilespmem:s26+$0x19630];
	[tilespmem:s13+$0x30] =	vst v6  }
0xc1: {  	[tilespmem:s6+$0x60] =	vst v7;
	v10 =	vld [tilespmem:s17+$0x19640]  }
0xc2: {  	v7 =	vld [tilespmem:s25+$0x19670];
	[tilespmem:s9+$0xFFFFFFF0] =	vst v8  }
0xc3: {  	p2 =	por $0x1, $0x1;
	v11 =	vld [tilespmem:s18+$0x19640];
	[tilespmem:s8+$0x30] =	vst v9  }
.Ltmp4:
0xc4: {  	v8 =	vld [tilespmem:s23+$0x19640];
	[tilespmem:s5+$0x60] =	vst v4;
	(pc) =	sbr.rel @!p2 .LBB2_7-.Ltmp4, $4  }
0xc5: {  	v6 =	vld [tilespmem:s1+$0x19670];
	[tilespmem:s11+$0x30] =	vst v5  }
0xc6: {  	v4 =	vld [tilespmem:s26+$0x19640];
	[tilespmem:s13+$0x40] =	vst v10  }
0xc7: {  	p1 =	por $0x1, $0x1;
	[tilespmem:s30+$0x30] =	vst v7;
	v5 =	vld [tilespmem:s17+$0x19650]  }
0xc8: {  	s10 =	simm.s32 $0x19B0A;
	s1 =	simm.s32 $0x4;
	v7 =	vld [tilespmem:s0+$0x19670];
	s0 =	simm.s32 $0x11840;
	[tilespmem:s9+$0x0] =	vst v11  }
.LBB2_8:
0xc9: {  	v9 =	vld [tilespmem:s10+$0x81];
	s1 =	sadd.s32 $0x4, s1;
	[tilespmem:s8+$0x40] =	vst v8;
	s14 =	sadd.s32 $0x200, s14;
	s0 =	sadd.s32 $0x200, s0  }
0xca: {  	v8 =	vld [tilespmem:s10+$0xFFFFFEFE];
	s19 =	sadd.s32 $0xFFFFFE80, s14;
	s25 =	sadd.s32 $0xFFFFFF00, s14;
	p2 =	slt.u32 s1, $0x3C;
	[tilespmem:s6+$0x70] =	vst v6  }
0xcb: {  	s6 =	sand.u32 $0x1C00, s19;
	v6 =	vld [tilespmem:s10+$0xFFFFFF7F];
	s19 =	sand.u32 $0x280, s25;
	s25 =	sadd.s32 $0xFFFFFF80, s14;
	[tilespmem:s11+$0x40] =	vst v4  }
0xcc: {  	s29 =	sand.u32 $0x380, s14;
	s6 =	sadd.s32 $0x11600, s6;
	v4 =	vld [tilespmem:s10+$0x0];
	s25 =	sand.u32 $0x300, s25;
	[tilespmem:s13+$0x50] =	vst v5  }
0xcd: {  	s15 =	sadd.s32 $0x204, s15;
	s30 =	sadd.s32 s19, s6;
	s24 =	sadd.s32 s29, s6;
	v5 =	vld [tilespmem:s17+$0x19660];
	[tilespmem:s5+$0x70] =	vst v7  }
0xce: {  	s31 =	sand.u32 $0x1FFF, s15;
	s5 =	sadd.s32 $0xFFFFFEFE, s15;
	s28 =	sadd.s32 s25, s6;
	[tilespmem:s24+$0x0] =	vst v9;
	v7 =	vld [tilespmem:s18+$0x19650]  }
0xcf: {  	s6 =	sadd.s32 $0xFFFFFE7D, s15;
	s25 =	sand.u32 $0x1FFD, s5;
	s5 =	sadd.s32 $0xFFFFFF7F, s15;
	[tilespmem:s0+$0xFFFFFFC0] =	vst v8;
	v8 =	vld [tilespmem:s31+$0x19610]  }
0xd0: {  	s29 =	sand.u32 $0x1FFC, s6;
	s6 =	smov.u32 s8;
	s19 =	sand.u32 $0x1FFE, s5;
	[tilespmem:s30+$0x0] =	vst v6;
	v6 =	vld [tilespmem:s23+$0x19650]  }
0xd1: {  	s8 =	smov.u32 s30;
	s5 =	smov.u32 s11;
	s11 =	smov.u32 s28;
	v9 =	vld [tilespmem:s29+$0x19610];
	[tilespmem:s28+$0x0] =	vst v4  }
0xd2: {  	v4 =	vld [tilespmem:s25+$0x19610];
	[tilespmem:s13+$0x60] =	vst v5  }
0xd3: {  	[tilespmem:s9+$0x10] =	vst v7;
	v5 =	vld [tilespmem:s17+$0x19670];
	s17 =	smov.u32 s31  }
0xd4: {  	v7 =	vld [tilespmem:s19+$0x19610];
	[tilespmem:s24+$0x10] =	vst v8  }
0xd5: {  	v8 =	vld [tilespmem:s17+$0x19620];
	[tilespmem:s6+$0x50] =	vst v6  }
0xd6: {  	[tilespmem:s0+$0xFFFFFFD0] =	vst v9;
	v6 =	vld [tilespmem:s26+$0x19650]  }
0xd7: {  	v9 =	vld [tilespmem:s29+$0x19620];
	[tilespmem:s8+$0x10] =	vst v4  }
0xd8: {  	v4 =	vld [tilespmem:s25+$0x19620];
	[tilespmem:s13+$0x70] =	vst v5;
	s13 =	smov.u32 s24  }
0xd9: {  	[tilespmem:s11+$0x10] =	vst v7;
	v5 =	vld [tilespmem:s18+$0x19660]  }
0xda: {  	v7 =	vld [tilespmem:s19+$0x19620];
	[tilespmem:s13+$0x20] =	vst v8  }
0xdb: {  	v8 =	vld [tilespmem:s17+$0x19630];
	[tilespmem:s5+$0x50] =	vst v6  }
0xdc: {  	[tilespmem:s0+$0xFFFFFFE0] =	vst v9;
	v6 =	vld [tilespmem:s23+$0x19660]  }
0xdd: {  	v9 =	vld [tilespmem:s29+$0x19630];
	[tilespmem:s8+$0x20] =	vst v4  }
0xde: {  	v4 =	vld [tilespmem:s25+$0x19630];
	[tilespmem:s9+$0x20] =	vst v5  }
0xdf: {  	[tilespmem:s11+$0x20] =	vst v7;
	v5 =	vld [tilespmem:s26+$0x19660]  }
0xe0: {  	v7 =	vld [tilespmem:s19+$0x19630];
	[tilespmem:s13+$0x30] =	vst v8  }
0xe1: {  	v10 =	vld [tilespmem:s17+$0x19640];
	[tilespmem:s6+$0x60] =	vst v6  }
0xe2: {  	[tilespmem:s0+$0xFFFFFFF0] =	vst v9;
	v9 =	vld [tilespmem:s18+$0x19670];
	s18 =	smov.u32 s29  }
0xe3: {  	v11 =	vld [tilespmem:s18+$0x19640];
	[tilespmem:s8+$0x30] =	vst v4  }
.Ltmp5:
0xe4: {  	v8 =	vld [tilespmem:s25+$0x19640];
	[tilespmem:s5+$0x60] =	vst v5;
	(pc) =	sbr.rel @p2 .LBB2_8-.Ltmp5, $4  }
0xe5: {  	[tilespmem:s11+$0x30] =	vst v7;
	v6 =	vld [tilespmem:s23+$0x19670];
	s23 =	smov.u32 s25  }
0xe6: {  	v4 =	vld [tilespmem:s19+$0x19640];
	[tilespmem:s13+$0x40] =	vst v10  }
0xe7: {  	v5 =	vld [tilespmem:s17+$0x19650];
	[tilespmem:s9+$0x30] =	vst v9;
	s9 =	smov.u32 s0  }
0xe8: {  	s10 =	sadd.s32 $0x204, s10;
	[tilespmem:s0+$0x0] =	vst v11;
	v7 =	vld [tilespmem:s26+$0x19670];
	s26 =	smov.u32 s19  }
0xe9: {  	s29 =	smov.u32 s13  }
0xea: {  	s10 =	smov.u32 s17;
	s25 =	smov.u32 s18;
	s1 =	smov.u32 s23  }
0xeb: {  	s30 =	smov.u32 s9;
	s0 =	smov.u32 s26;
	s31 =	rddreg [dreg:$0x1]  }
.LBB2_10:
0xec: {  	[tilespmem:s8+$0x40] =	vst v8;
	v61 =	vld [tilespmem:s25+$0x19650]  }
0xed: {  	[tilespmem:s11+$0x40] =	vst v4;
	v4 =	vld [tilespmem:s1+$0x19650]  }
0xee: {  	v9 =	vld [tilespmem:s0+$0x19650];
	_ =	sdelay $0x1  }
0xef: {  	[tilespmem:s29+$0x50] =	vst v5  }
0xf0: {  	v5 =	vld [tilespmem:s10+$0x19660];
	[tilespmem:s30+$0x10] =	vst v61  }
0xf1: {  	[tilespmem:s8+$0x50] =	vst v4;
	v4 =	vld [tilespmem:s25+$0x19660]  }
0xf2: {  	[tilespmem:s11+$0x50] =	vst v9;
	v62 =	vld [tilespmem:s1+$0x19660]  }
0xf3: {  	v9 =	vld [tilespmem:s0+$0x19660];
	_ =	sdelay $0x1  }
0xf4: {  	[tilespmem:s29+$0x60] =	vst v5  }
0xf5: {  	[tilespmem:s30+$0x20] =	vst v4;
	v4 =	vld [tilespmem:s10+$0x19670]  }
0xf6: {  	[tilespmem:s8+$0x60] =	vst v62;
	v5 =	vld [tilespmem:s25+$0x19670]  }
0xf7: {  	[tilespmem:s11+$0x60] =	vst v9;
	v8 =	vld [tilespmem:s1+$0x19670]  }
0xf8: {  	[tilespmem:s6+$0x70] =	vst @p1 v6;
	v63 =	vld [tilespmem:s0+$0x19670]  }
0xf9: {  	[tilespmem:s5+$0x70] =	vst @p1 v7;
	p1 =	sne.s32 s16, $0x31  }
.Ltmp6:
0xfa: {  	[tilespmem:s29+$0x70] =	vst v4;
	s29 =	sshll.u32 s16, $0x14;
	(pc) =	sbr.rel @p1 .LBB2_12-.Ltmp6, $4  }
0xfb: {  	[tilespmem:s30+$0x30] =	vst v5;
	s0 =	sor.u32 s7, s29  }
0xfc: {  	[tilespmem:s8+$0x70] =	vst v8;
	s0 =	sshrl.u32 s0, $0x3  }
0xfd: {  	s30 =	simm.s32 $0x11600;
	[tilespmem:s11+$0x70] =	vst v63;
	s0 =	sadd.s32 s31, s0  }
0xfe: {  	[hbm4b:s0+s21] =	stream.strided.scatter [tilespmem:s30], [sflag:$0x5], $0x2000, s22, s21, $0x38;
	[tilespmem:$0x1B640] =	vst v63  }
.Ltmp7:
0xff: {  	(pc) =	sbr.rel .LBB2_13-.Ltmp7, $4  }
0x100: {  	s0 =	simm.s32 $0x2  }
0x101: {  	_ =	swait.ge [sflag:s0], $0x2000  }
0x102: {  	[sflag:s0] =	ssyncset.done $0x0  }
0x103: {  	[sflag:s0] =	ssyncadd.s32 $0xFFFFE000  }
.LBB2_12:
0x104: {  	s0 =	sshll.u32 s16, $0x9  }
0x105: {  	s1 =	simm.s32 $0x80;
	s2 =	simm.s32 $0x9600;
	s0 =	sand.u32 $0x3FFFFE00, s0  }
.Ltmp8:
0x106: {  	s30 =	simm.s32 $0x2;
	s0 =	sadd.s32 $0x3400, s0;
	(pc) =	sbr.rel @p0 .LBB2_14-.Ltmp8, $4  }
0x107: {  	[tilespmem:s2], [sflag:$0x1] =	stream.indirect.gather [hbm4b:s4+s1], $0x40, s0, s1, $0xb8;
	[tilespmem:$0x1B640] =	vst v63  }
0x108: {  	_ =	swait.ge [sflag:s30], $0x2000  }
0x109: {  	[sflag:s30] =	ssyncset.done $0x0  }
0x10a: {  	[sflag:s30] =	ssyncadd.s32 $0xFFFFE000  }
.LBB2_13:
0x10b: {  	s0 =	simm.s32 $0x6  }
0x10c: {  	_ =	swait.ge [sflag:s0], $0x2000  }
0x10d: {  	[sflag:s0] =	ssyncset.done $0x0  }
0x10e: {  	[sflag:s0] =	ssyncadd.s32 $0xFFFFE000  }
.LBB2_14:
0x10f: {  	s5 =	sor.u32 $0x1, s12  }
0x110: {  	s29 =	simm.s32 $0xB680;
	s0 =	sshll.u32 s5, $0x6  }
0x111: {  	v8 =	vld [tilespmem:s29+$0x40];
	s1 =	sand.u32 $0x3FFFFFC0, s0  }
0x112: {  	v7 =	vld [tilespmem:s1+$0x0]  }
0x113: {  	s13 =	simm.s32 $0x3  }
0x114: {  	v9 =	vadd.s32 s13, v0;
	v10 =	vld [tilespmem:s29+$0xFFFFFF80]  }
0x115: {  	v11 =	vld [tilespmem:s29+$0xFFFFFFC0]  }
0x116: {  	s15 =	simm.s32 $0x0;
	v12 =	vld [tilespmem:s29+$0x0]  }
0x117: {  	v13 =	vadd.s32 s15, v0;
	v6 =	vld [tilespmem:s1+$0x10];
	v8 =	vadd.f32 v8, v7  }
0x118: {  	s30 =	simm.s32 $0x1;
	v5 =	vld [tilespmem:s1+$0x20]  }
0x119: {  	s10 =	simm.s32 $0x2;
	v14 =	vadd.s32 s30, v0;
	v4 =	vld [tilespmem:s1+$0x30];
	[tilespmem:v9+s20+$0x0] =	vst.idx.msk $0xffff, v8  }
0x11a: {  	v10 =	vadd.f32 v10, v7;
	v8 =	vadd.s32 s10, v0;
	v9 =	vld [tilespmem:s29+$0x50];
	_ =	sdelay $0x1  }
0x11b: {  	v15 =	vadd.s32 s13, v1;
	v11 =	vadd.f32 v11, v7;
	[tilespmem:v13+s20+$0x0] =	vst.idx.msk $0xffff, v10  }
0x11c: {  	v12 =	vadd.f32 v12, v7;
	v10 =	vld [tilespmem:s29+$0xFFFFFF90]  }
0x11d: {  	[tilespmem:v14+s20+$0x0] =	vst.idx.msk $0xffff, v11  }
0x11e: {  	v11 =	vld [tilespmem:s29+$0xFFFFFFD0];
	[tilespmem:v8+s20+$0x0] =	vst.idx.msk $0xffff, v12;
	v12 =	vadd.s32 s15, v1;
	v8 =	vadd.f32 v9, v6  }
0x11f: {  	s6 =	simm.s32 $0xB780;
	v9 =	vld [tilespmem:s29+$0x10]  }
0x120: {  	v13 =	vadd.s32 s30, v1;
	[tilespmem:v15+s20+$0x0] =	vst.idx.msk $0xffff, v8;
	v8 =	vld [tilespmem:s6+$0x40]  }
0x121: {  	s8 =	simm.s32 $0x7;
	v16 =	vld [tilespmem:s6+$0xFFFFFFC0];
	v14 =	vadd.s32 s10, v1;
	v10 =	vadd.f32 v10, v6  }
0x122: {  	s9 =	simm.s32 $0x5;
	v17 =	vadd.s32 s8, v0;
	v15 =	vld [tilespmem:s29+$0x60]  }
0x123: {  	v18 =	vld [tilespmem:s6+$0x0];
	v11 =	vadd.f32 v11, v6;
	[tilespmem:v12+s20+$0x0] =	vst.idx.msk $0xffff, v10;
	v12 =	vadd.s32 s9, v0  }
0x124: {  	v19 =	vadd.s32 s13, v2;
	v10 =	vld [tilespmem:s6+$0xFFFFFF80];
	v9 =	vadd.f32 v9, v6  }
0x125: {  	s11 =	simm.s32 $0x6;
	[tilespmem:v13+s20+$0x0] =	vst.idx.msk $0xffff, v11;
	v13 =	vld [tilespmem:s29+$0xFFFFFFA0];
	v8 =	vadd.f32 v8, v7  }
0x126: {  	s14 =	simm.s32 $0x4;
	v16 =	vadd.f32 v16, v7;
	v11 =	vadd.s32 s11, v0;
	[tilespmem:v14+s20+$0x0] =	vst.idx.msk $0xffff, v9;
	v14 =	vld [tilespmem:s29+$0xFFFFFFE0]  }
0x127: {  	v9 =	vadd.s32 s14, v0;
	v15 =	vadd.f32 v15, v5;
	[tilespmem:v17+s20+$0x0] =	vst.idx.msk $0xffff, v8;
	v17 =	vld [tilespmem:s29+$0x20]  }
0x128: {  	v8 =	vadd.s32 s15, v2;
	[tilespmem:v12+s20+$0x0] =	vst.idx.msk $0xffff, v16;
	v20 =	vld [tilespmem:s6+$0x50]  }
0x129: {  	v21 =	vadd.s32 s30, v2;
	v18 =	vadd.f32 v18, v7;
	[tilespmem:v19+s20+$0x0] =	vst.idx.msk $0xffff, v15;
	v19 =	vld [tilespmem:s6+$0xFFFFFFD0]  }
0x12a: {  	v10 =	vadd.f32 v10, v7;
	v12 =	vadd.s32 s10, v2;
	v15 =	vld [tilespmem:s29+$0x70]  }
0x12b: {  	[tilespmem:v11+s20+$0x0] =	vst.idx.msk $0xffff, v18;
	v11 =	vadd.s32 s8, v1;
	v13 =	vadd.f32 v13, v5  }
0x12c: {  	v23 =	vadd.s32 s9, v1;
	v18 =	vld [tilespmem:s6+$0x10];
	[tilespmem:v9+s20+$0x0] =	vst.idx.msk $0xffff, v10;
	v9 =	vadd.f32 v14, v5  }
0x12d: {  	v14 =	vadd.s32 s13, v3;
	v22 =	vld [tilespmem:s6+$0xFFFFFF90];
	[tilespmem:v8+s20+$0x0] =	vst.idx.msk $0xffff, v13;
	v8 =	vadd.f32 v17, v5  }
0x12e: {  	v16 =	vadd.s32 s11, v1;
	[tilespmem:v21+s20+$0x0] =	vst.idx.msk $0xffff, v9;
	v10 =	vadd.f32 v20, v6;
	v13 =	vld [tilespmem:s29+$0xFFFFFFB0]  }
0x12f: {  	v9 =	vld [tilespmem:s29+$0xFFFFFFF0];
	v20 =	vadd.f32 v19, v6;
	[tilespmem:v12+s20+$0x0] =	vst.idx.msk $0xffff, v8;
	v8 =	vadd.f32 v15, v4;
	v15 =	vadd.s32 s14, v1  }
0x130: {  	s13 =	simm.s32 $0xB880;
	v12 =	vadd.s32 s15, v3;
	[tilespmem:v11+s20+$0x0] =	vst.idx.msk $0xffff, v10;
	v10 =	vld [tilespmem:s29+$0x30]  }
0x131: {  	v17 =	vld [tilespmem:s13+$0x40];
	v19 =	vadd.f32 v18, v6;
	v11 =	vadd.s32 s30, v3;
	[tilespmem:v23+s20+$0x0] =	vst.idx.msk $0xffff, v20  }
0x132: {  	s0 =	simm.s32 $0xB;
	s1 =	simm.s32 $0xC;
	s15 =	simm.s32 $0x8;
	[tilespmem:v14+s20+$0x0] =	vst.idx.msk $0xffff, v8;
	v18 =	vadd.f32 v22, v6;
	v8 =	vld [tilespmem:s6+$0x60];
	v14 =	vadd.s32 s10, v3  }
.LBB2_15:
0x133: {  	p2 =	slt.u32 s1, $0x7C;
	v20 =	vld [tilespmem:s13+$0xFFFFFFC0];
	v21 =	vadd.s32 s0, v0;
	[tilespmem:v16+s20+$0x0] =	vst.idx.msk $0xffff, v19;
	v13 =	vadd.f32 v13, v4;
	s10 =	smov.u32 s11;
	s18 =	smov.u32 s6  }
0x134: {  	s17 =	sadd.s32 $0x1, s15;
	s6 =	smov.u32 s13;
	s19 =	smov.u32 s14;
	v16 =	vld [tilespmem:s13+$0x0];
	[tilespmem:v15+s20+$0x0] =	vst.idx.msk $0xffff, v18;
	v15 =	vadd.s32 s8, v2;
	v9 =	vadd.f32 v9, v4  }
0x135: {  	s11 =	sadd.s32 $0x2, s15;
	s14 =	smov.u32 s15;
	s15 =	smov.u32 s1;
	v19 =	vadd.s32 s17, v0;
	v18 =	vld [tilespmem:s13+$0xFFFFFF80];
	[tilespmem:v12+s20+$0x0] =	vst.idx.msk $0xffff, v13;
	v10 =	vadd.f32 v10, v4  }
0x136: {  	v12 =	vadd.s32 s11, v0;
	v13 =	vadd.f32 v17, v7;
	v17 =	vld [tilespmem:s18+$0xFFFFFFA0];
	[tilespmem:v11+s20+$0x0] =	vst.idx.msk $0xffff, v9  }
0x137: {  	v9 =	vadd.s32 s14, v0;
	v11 =	vld [tilespmem:s18+$0xFFFFFFE0];
	v8 =	vadd.f32 v8, v5;
	[tilespmem:v14+s20+$0x0] =	vst.idx.msk $0xffff, v10  }
0x138: {  	v10 =	vadd.f32 v20, v7;
	[tilespmem:v21+s20+$0x0] =	vst.idx.msk $0xffff, v13;
	v13 =	vadd.s32 s19, v2;
	v14 =	vld [tilespmem:s18+$0x20]  }
0x139: {  	v21 =	vadd.s32 s9, v2;
	v16 =	vadd.f32 v16, v7;
	v20 =	vld [tilespmem:s13+$0x50];
	[tilespmem:v15+s20+$0x0] =	vst.idx.msk $0xffff, v8  }
0x13a: {  	v8 =	vadd.f32 v18, v7;
	[tilespmem:v19+s20+$0x0] =	vst.idx.msk $0xffff, v10;
	v10 =	vadd.s32 s10, v2;
	v18 =	vld [tilespmem:s18+$0x70]  }
0x13b: {  	v19 =	vld [tilespmem:s13+$0xFFFFFFD0];
	[tilespmem:v12+s20+$0x0] =	vst.idx.msk $0xffff, v16;
	v12 =	vadd.s32 s0, v1;
	v15 =	vadd.f32 v17, v5  }
0x13c: {  	v22 =	vadd.s32 s8, v3;
	s8 =	smov.u32 s0;
	[tilespmem:v9+s20+$0x0] =	vst.idx.msk $0xffff, v8;
	v8 =	vld [tilespmem:s13+$0x10];
	v9 =	vadd.f32 v11, v5  }
0x13d: {  	v24 =	vadd.s32 s17, v1;
	v23 =	vld [tilespmem:s13+$0xFFFFFF90];
	[tilespmem:v13+s20+$0x0] =	vst.idx.msk $0xffff, v15;
	v11 =	vadd.f32 v14, v5  }
.Ltmp9:
0x13e: {  	v16 =	vadd.s32 s11, v1;
	v14 =	vadd.f32 v20, v6;
	v13 =	vld [tilespmem:s18+$0xFFFFFFB0];
	[tilespmem:v21+s20+$0x0] =	vst.idx.msk $0xffff, v9;
	(pc) =	sbr.rel @p2 .LBB2_15-.Ltmp9, $4  }
0x13f: {  	v15 =	vadd.s32 s14, v1;
	v9 =	vld [tilespmem:s18+$0xFFFFFFF0];
	[tilespmem:v10+s20+$0x0] =	vst.idx.msk $0xffff, v11;
	v18 =	vadd.f32 v18, v4  }
0x140: {  	s13 =	sadd.s32 $0x100, s13;
	v20 =	vadd.f32 v19, v6;
	[tilespmem:v12+s20+$0x0] =	vst.idx.msk $0xffff, v14;
	v12 =	vadd.s32 s19, v3;
	v10 =	vld [tilespmem:s18+$0x30]  }
0x141: {  	v11 =	vadd.s32 s9, v3;
	v17 =	vld [tilespmem:s13+$0x40];
	v19 =	vadd.f32 v8, v6;
	[tilespmem:v22+s20+$0x0] =	vst.idx.msk $0xffff, v18  }
0x142: {  	s1 =	sadd.s32 $0x4, s1;
	s0 =	sadd.s32 $0x3, s15;
	s9 =	smov.u32 s17;
	v14 =	vadd.s32 s10, v3;
	v18 =	vadd.f32 v23, v6;
	[tilespmem:v24+s20+$0x0] =	vst.idx.msk $0xffff, v20;
	v8 =	vld [tilespmem:s6+$0x60]  }
0x143: {  	v20 =	vld [tilespmem:s13+$0xFFFFFF80]  }
0x144: {  	v21 =	vld [tilespmem:s13+$0xFFFFFFC0];
	v22 =	vadd.s32 s0, v0  }
0x145: {  	s1 =	sadd.s32 $0x1, s15;
	v23 =	vld [tilespmem:s13+$0x0];
	v24 =	vadd.s32 s15, v0  }
0x146: {  	s10 =	sadd.s32 $0x2, s15;
	v25 =	vadd.s32 s1, v0  }
0x147: {  	v26 =	vadd.s32 s10, v0;
	v17 =	vadd.f32 v17, v7  }
0x148: {  	[tilespmem:v16+s20+$0x0] =	vst.idx.msk $0xffff, v19;
	v38 =	vadd.f32 v20, v7  }
0x149: {  	[tilespmem:v22+s20+$0x0] =	vst.idx.msk $0xffff, v17;
	v39 =	vadd.f32 v21, v7  }
0x14a: {  	v7 =	vadd.f32 v23, v7;
	v40 =	vld [tilespmem:s13+$0x50];
	[tilespmem:v24+s20+$0x0] =	vst.idx.msk $0xffff, v38  }
0x14b: {  	[tilespmem:v25+s20+$0x0] =	vst.idx.msk $0xffff, v39;
	v41 =	vld [tilespmem:s13+$0xFFFFFF90]  }
0x14c: {  	v13 =	vadd.f32 v13, v4;
	[tilespmem:v26+s20+$0x0] =	vst.idx.msk $0xffff, v7;
	v7 =	vadd.s32 s0, v1;
	v42 =	vld [tilespmem:s13+$0xFFFFFFD0]  }
0x14d: {  	v44 =	vadd.s32 s15, v1;
	[tilespmem:v15+s20+$0x0] =	vst.idx.msk $0xffff, v18;
	v9 =	vadd.f32 v9, v4;
	v43 =	vld [tilespmem:s13+$0x10]  }
0x14e: {  	v45 =	vadd.s32 s1, v1;
	[tilespmem:v12+s20+$0x0] =	vst.idx.msk $0xffff, v13;
	v10 =	vadd.f32 v10, v4  }
0x14f: {  	v46 =	vld [tilespmem:s6+$0xFFFFFFA0];
	[tilespmem:v11+s20+$0x0] =	vst.idx.msk $0xffff, v9;
	v9 =	vadd.s32 s10, v1;
	v11 =	vadd.f32 v40, v6  }
0x150: {  	v47 =	vadd.s32 s8, v2;
	v48 =	vld [tilespmem:s6+$0xFFFFFFE0];
	[tilespmem:v14+s20+$0x0] =	vst.idx.msk $0xffff, v10;
	v10 =	vadd.f32 v41, v6  }
0x151: {  	v49 =	vadd.s32 s14, v2;
	v50 =	vld [tilespmem:s6+$0x20];
	v19 =	vadd.f32 v42, v6;
	[tilespmem:v7+s20+$0x0] =	vst.idx.msk $0xffff, v11  }
0x152: {  	v7 =	vadd.s32 s9, v2;
	v6 =	vadd.f32 v43, v6;
	v11 =	vld [tilespmem:s13+$0x60];
	[tilespmem:v44+s20+$0x0] =	vst.idx.msk $0xffff, v10  }
0x153: {  	v8 =	vadd.f32 v8, v5;
	v10 =	vadd.s32 s11, v2;
	[tilespmem:v45+s20+$0x0] =	vst.idx.msk $0xffff, v19;
	v51 =	vld [tilespmem:s13+$0xFFFFFFA0]  }
0x154: {  	v13 =	vadd.f32 v46, v5;
	[tilespmem:v9+s20+$0x0] =	vst.idx.msk $0xffff, v6;
	v6 =	vadd.s32 s0, v2;
	v9 =	vld [tilespmem:s13+$0xFFFFFFE0]  }
0x155: {  	v52 =	vadd.s32 s15, v2;
	[tilespmem:v47+s20+$0x0] =	vst.idx.msk $0xffff, v8;
	v8 =	vadd.f32 v48, v5;
	v53 =	vld [tilespmem:s13+$0x20]  }
0x156: {  	v56 =	vadd.s32 s1, v2;
	v55 =	vadd.f32 v50, v5;
	v54 =	vld [tilespmem:s6+$0x70];
	[tilespmem:v49+s20+$0x0] =	vst.idx.msk $0xffff, v13  }
0x157: {  	v57 =	vld [tilespmem:s6+$0xFFFFFFB0];
	[tilespmem:v7+s20+$0x0] =	vst.idx.msk $0xffff, v8;
	v8 =	vadd.s32 s10, v2;
	v7 =	vadd.f32 v11, v5  }
0x158: {  	v11 =	vadd.s32 s8, v3;
	v58 =	vld [tilespmem:s6+$0xFFFFFFF0];
	[tilespmem:v10+s20+$0x0] =	vst.idx.msk $0xffff, v55;
	v10 =	vadd.f32 v51, v5  }
0x159: {  	v59 =	vadd.s32 s14, v3;
	v13 =	vld [tilespmem:s6+$0x30];
	[tilespmem:v6+s20+$0x0] =	vst.idx.msk $0xffff, v7;
	v6 =	vadd.f32 v9, v5  }
0x15a: {  	v7 =	vadd.s32 s9, v3;
	v5 =	vadd.f32 v53, v5;
	v9 =	vld [tilespmem:s13+$0x70];
	[tilespmem:v52+s20+$0x0] =	vst.idx.msk $0xffff, v10  }
0x15b: {  	v60 =	vadd.s32 s11, v3;
	v10 =	vadd.f32 v54, v4;
	[tilespmem:v56+s20+$0x0] =	vst.idx.msk $0xffff, v6;
	v61 =	vld [tilespmem:s13+$0xFFFFFFB0]  }
0x15c: {  	v62 =	vadd.s32 s0, v3;
	v6 =	vadd.f32 v57, v4;
	[tilespmem:v8+s20+$0x0] =	vst.idx.msk $0xffff, v5;
	v63 =	vld [tilespmem:s13+$0xFFFFFFF0]  }
0x15d: {  	v8 =	vadd.s32 s15, v3;
	v5 =	vadd.f32 v58, v4;
	[tilespmem:v11+s20+$0x0] =	vst.idx.msk $0xffff, v10;
	v10 =	vld [tilespmem:s13+$0x30]  }
0x15e: {  	[tilespmem:v59+s20+$0x0] =	vst.idx.msk $0xffff, v6;
	v11 =	vadd.s32 s1, v3;
	v6 =	vadd.f32 v13, v4  }
0x15f: {  	[tilespmem:v7+s20+$0x0] =	vst.idx.msk $0xffff, v5;
	v7 =	vadd.s32 s10, v3;
	v5 =	vadd.f32 v9, v4  }
0x160: {  	[tilespmem:v60+s20+$0x0] =	vst.idx.msk $0xffff, v6;
	v6 =	vadd.f32 v61, v4  }
0x161: {  	[tilespmem:v62+s20+$0x0] =	vst.idx.msk $0xffff, v5;
	v5 =	vadd.f32 v63, v4  }
0x162: {  	v4 =	vadd.f32 v10, v4;
	[tilespmem:v8+s20+$0x0] =	vst.idx.msk $0xffff, v6  }
0x163: {  	[tilespmem:v11+s20+$0x0] =	vst.idx.msk $0xffff, v5  }
0x164: {  	s13 =	simm.s32 $0x19702;
	[tilespmem:v7+s20+$0x0] =	vst.idx.msk $0xffff, v4  }
0x165: {  	v4 =	vld [tilespmem:s13+$0x81]  }
0x166: {  	s14 =	simm.s32 $0x0;
	v5 =	vld [tilespmem:s13+$0xFFFFFEFE]  }
0x167: {  	s0 =	sand.u32 $0x1C00, s14;
	s15 =	simm.s32 $0x180  }
0x168: {  	s17 =	sadd.s32 $0x13600, s0;
	s18 =	sand.u32 $0x380, s15  }
0x169: {  	s19 =	simm.s32 $0x183;
	s1 =	sadd.s32 s18, s17;
	v6 =	vld [tilespmem:s13+$0xFFFFFF7F]  }
0x16a: {  	s23 =	simm.s32 $0x0;
	s19 =	sand.u32 $0x1FFF, s19;
	s0 =	simm.s32 $0x13640;
	v7 =	vld [tilespmem:s13+$0x0];
	[tilespmem:s1+$0x0] =	vst v4  }
0x16b: {  	s24 =	simm.s32 $0x80;
	s29 =	sand.u32 $0x1FFC, s23;
	[tilespmem:s0+$0xFFFFFFC0] =	vst v5;
	v4 =	vld [tilespmem:s19+$0x19610]  }
0x16c: {  	s26 =	simm.s32 $0x100;
	s25 =	sand.u32 $0x280, s24;
	v5 =	vld [tilespmem:s29+$0x19610]  }
0x16d: {  	s28 =	simm.s32 $0x81;
	s11 =	sadd.s32 s25, s17;
	s9 =	sand.u32 $0x300, s26  }
0x16e: {  	s30 =	simm.s32 $0x102;
	s9 =	sadd.s32 s9, s17;
	s10 =	sand.u32 $0x1FFD, s28;
	[tilespmem:s11+$0x0] =	vst v6  }
0x16f: {  	s25 =	sand.u32 $0x1FFE, s30;
	[tilespmem:s9+$0x0] =	vst v7;
	v6 =	vld [tilespmem:s10+$0x19610]  }
0x170: {  	v7 =	vld [tilespmem:s25+$0x19610];
	[tilespmem:s1+$0x10] =	vst v4  }
0x171: {  	[tilespmem:s0+$0xFFFFFFD0] =	vst v5;
	v4 =	vld [tilespmem:s19+$0x19620]  }
0x172: {  	v5 =	vld [tilespmem:s29+$0x19620];
	_ =	sdelay $0x1  }
0x173: {  	[tilespmem:s11+$0x10] =	vst v6  }
0x174: {  	[tilespmem:s9+$0x10] =	vst v7;
	v6 =	vld [tilespmem:s10+$0x19620]  }
0x175: {  	v7 =	vld [tilespmem:s25+$0x19620];
	[tilespmem:s1+$0x20] =	vst v4  }
0x176: {  	[tilespmem:s0+$0xFFFFFFE0] =	vst v5;
	v4 =	vld [tilespmem:s19+$0x19630]  }
0x177: {  	v5 =	vld [tilespmem:s29+$0x19630];
	_ =	sdelay $0x1  }
0x178: {  	[tilespmem:s11+$0x20] =	vst v6  }
0x179: {  	[tilespmem:s9+$0x20] =	vst v7;
	v6 =	vld [tilespmem:s10+$0x19630]  }
0x17a: {  	v7 =	vld [tilespmem:s25+$0x19630];
	[tilespmem:s1+$0x30] =	vst v4  }
0x17b: {  	[tilespmem:s0+$0xFFFFFFF0] =	vst v5;
	v9 =	vld [tilespmem:s19+$0x19640]  }
0x17c: {  	p3 =	por $0x1, $0x1;
	v10 =	vld [tilespmem:s29+$0x19640]  }
.Ltmp10:
0x17d: {  	_ = 	snop;
	(pc) =	sbr.rel @!p3 .LBB2_17-.Ltmp10, $4  }
0x17e: {  	[tilespmem:s11+$0x30] =	vst v6  }
0x17f: {  	[tilespmem:s9+$0x30] =	vst v7;
	v8 =	vld [tilespmem:s10+$0x19640]  }
0x180: {  	v4 =	vld [tilespmem:s25+$0x19640];
	[tilespmem:s1+$0x40] =	vst v9  }
0x181: {  	p2 =	por $0x0, $0x0;
	s6 =	simm.s32 $0x19906;
	[tilespmem:s0+$0x0] =	vst v10;
	v5 =	vld [tilespmem:s19+$0x19650]  }
0x182: {  	v6 =	vld [tilespmem:s6+$0x81]  }
0x183: {  	v7 =	vld [tilespmem:s6+$0xFFFFFEFE];
	s8 =	simm.s32 $0x200  }
0x184: {  	s13 =	simm.s32 $0x380;
	s14 =	simm.s32 $0x13840;
	v9 =	vld [tilespmem:s6+$0x0];
	s8 =	sand.u32 $0x1C00, s8;
	[tilespmem:s11+$0x40] =	vst v8  }
0x185: {  	s24 =	simm.s32 $0x280;
	s18 =	sand.u32 $0x380, s13;
	v8 =	vld [tilespmem:s6+$0xFFFFFF7F];
	s23 =	sadd.s32 $0x13600, s8;
	[tilespmem:s9+$0x40] =	vst v4  }
0x186: {  	s17 =	simm.s32 $0x387;
	s28 =	simm.s32 $0x300;
	s15 =	sadd.s32 s18, s23;
	[tilespmem:s1+$0x50] =	vst v5;
	v5 =	vld [tilespmem:s29+$0x19650]  }
0x187: {  	s26 =	sand.u32 $0x280, s24;
	s24 =	sand.u32 $0x300, s28;
	s18 =	sand.u32 $0x1FFF, s17;
	v4 =	vld [tilespmem:s19+$0x19660];
	[tilespmem:s15+$0x0] =	vst v6  }
0x188: {  	s8 =	sadd.s32 s26, s23;
	s26 =	simm.s32 $0x204;
	s6 =	sadd.s32 s24, s23;
	[tilespmem:s14+$0xFFFFFFC0] =	vst v7;
	v6 =	vld [tilespmem:s18+$0x19610]  }
0x189: {  	s28 =	simm.s32 $0x285;
	s23 =	sand.u32 $0x1FFC, s26;
	v7 =	vld [tilespmem:s10+$0x19650];
	[tilespmem:s6+$0x0] =	vst v9  }
0x18a: {  	s31 =	simm.s32 $0x306;
	s26 =	sand.u32 $0x1FFD, s28;
	[tilespmem:s8+$0x0] =	vst v8;
	v8 =	vld [tilespmem:s23+$0x19610]  }
0x18b: {  	s30 =	sand.u32 $0x1FFE, s31;
	v9 =	vld [tilespmem:s26+$0x19610];
	[tilespmem:s0+$0x10] =	vst v5  }
0x18c: {  	v5 =	vld [tilespmem:s30+$0x19610];
	[tilespmem:s1+$0x60] =	vst v4  }
0x18d: {  	v4 =	vld [tilespmem:s19+$0x19670];
	[tilespmem:s15+$0x10] =	vst v6  }
0x18e: {  	[tilespmem:s11+$0x50] =	vst v7;
	v6 =	vld [tilespmem:s18+$0x19620]  }
0x18f: {  	v7 =	vld [tilespmem:s25+$0x19650];
	[tilespmem:s14+$0xFFFFFFD0] =	vst v8  }
0x190: {  	v8 =	vld [tilespmem:s23+$0x19620];
	[tilespmem:s8+$0x10] =	vst v9  }
0x191: {  	v9 =	vld [tilespmem:s26+$0x19620];
	[tilespmem:s6+$0x10] =	vst v5  }
0x192: {  	v5 =	vld [tilespmem:s30+$0x19620];
	[tilespmem:s1+$0x70] =	vst v4  }
0x193: {  	v4 =	vld [tilespmem:s29+$0x19660];
	[tilespmem:s15+$0x20] =	vst v6  }
0x194: {  	[tilespmem:s9+$0x50] =	vst v7;
	v6 =	vld [tilespmem:s18+$0x19630]  }
0x195: {  	v7 =	vld [tilespmem:s10+$0x19660];
	[tilespmem:s14+$0xFFFFFFE0] =	vst v8  }
0x196: {  	v8 =	vld [tilespmem:s23+$0x19630];
	[tilespmem:s8+$0x20] =	vst v9  }
0x197: {  	v9 =	vld [tilespmem:s26+$0x19630];
	[tilespmem:s6+$0x20] =	vst v5  }
0x198: {  	[tilespmem:s0+$0x20] =	vst v4;
	v4 =	vld [tilespmem:s25+$0x19660]  }
0x199: {  	v5 =	vld [tilespmem:s30+$0x19630];
	[tilespmem:s15+$0x30] =	vst v6  }
0x19a: {  	[tilespmem:s11+$0x60] =	vst v7;
	v10 =	vld [tilespmem:s18+$0x19640]  }
0x19b: {  	v7 =	vld [tilespmem:s29+$0x19670];
	[tilespmem:s14+$0xFFFFFFF0] =	vst v8  }
0x19c: {  	p3 =	por $0x1, $0x1;
	v11 =	vld [tilespmem:s23+$0x19640];
	[tilespmem:s8+$0x30] =	vst v9  }
.Ltmp11:
0x19d: {  	v8 =	vld [tilespmem:s26+$0x19640];
	[tilespmem:s9+$0x60] =	vst v4;
	(pc) =	sbr.rel @!p3 .LBB2_19-.Ltmp11, $4  }
0x19e: {  	v6 =	vld [tilespmem:s10+$0x19670];
	[tilespmem:s6+$0x30] =	vst v5  }
0x19f: {  	v4 =	vld [tilespmem:s30+$0x19640];
	[tilespmem:s15+$0x40] =	vst v10  }
0x1a0: {  	p2 =	por $0x1, $0x1;
	[tilespmem:s0+$0x30] =	vst v7;
	v5 =	vld [tilespmem:s18+$0x19650]  }
0x1a1: {  	s1 =	simm.s32 $0x4;
	s10 =	simm.s32 $0x13840;
	s0 =	simm.s32 $0x19B0A;
	v7 =	vld [tilespmem:s25+$0x19670];
	[tilespmem:s14+$0x0] =	vst v11  }
.LBB2_20:
0x1a2: {  	v9 =	vld [tilespmem:s0+$0x81];
	s1 =	sadd.s32 $0x4, s1;
	[tilespmem:s8+$0x40] =	vst v8;
	s13 =	sadd.s32 $0x200, s13;
	s10 =	sadd.s32 $0x200, s10  }
0x1a3: {  	v8 =	vld [tilespmem:s0+$0xFFFFFEFE];
	s19 =	sadd.s32 $0xFFFFFE80, s13;
	s24 =	sadd.s32 $0xFFFFFF00, s13;
	p3 =	slt.u32 s1, $0x3C;
	[tilespmem:s11+$0x70] =	vst v6  }
0x1a4: {  	s11 =	sand.u32 $0x1C00, s19;
	v6 =	vld [tilespmem:s0+$0xFFFFFF7F];
	s19 =	sand.u32 $0x280, s24;
	s24 =	sadd.s32 $0xFFFFFF80, s13;
	[tilespmem:s6+$0x40] =	vst v4  }
0x1a5: {  	s25 =	sand.u32 $0x380, s13;
	s11 =	sadd.s32 $0x13600, s11;
	v4 =	vld [tilespmem:s0+$0x0];
	s24 =	sand.u32 $0x300, s24;
	[tilespmem:s15+$0x50] =	vst v5  }
0x1a6: {  	s17 =	sadd.s32 $0x204, s17;
	s28 =	sadd.s32 s19, s11;
	s31 =	sadd.s32 s25, s11;
	v5 =	vld [tilespmem:s18+$0x19660];
	[tilespmem:s9+$0x70] =	vst v7  }
0x1a7: {  	s2 =	sand.u32 $0x1FFF, s17;
	s9 =	sadd.s32 $0xFFFFFEFE, s17;
	s24 =	sadd.s32 s24, s11;
	[tilespmem:s31+$0x0] =	vst v9;
	v7 =	vld [tilespmem:s23+$0x19650]  }
0x1a8: {  	s11 =	sadd.s32 $0xFFFFFE7D, s17;
	s25 =	sand.u32 $0x1FFD, s9;
	s9 =	sadd.s32 $0xFFFFFF7F, s17;
	[tilespmem:s10+$0xFFFFFFC0] =	vst v8;
	v8 =	vld [tilespmem:s2+$0x19610]  }
0x1a9: {  	s29 =	sand.u32 $0x1FFC, s11;
	s11 =	smov.u32 s8;
	s19 =	sand.u32 $0x1FFE, s9;
	[tilespmem:s28+$0x0] =	vst v6;
	v6 =	vld [tilespmem:s26+$0x19650]  }
0x1aa: {  	s8 =	smov.u32 s28;
	s9 =	smov.u32 s6;
	s6 =	smov.u32 s24;
	v9 =	vld [tilespmem:s29+$0x19610];
	[tilespmem:s24+$0x0] =	vst v4  }
0x1ab: {  	v4 =	vld [tilespmem:s25+$0x19610];
	[tilespmem:s15+$0x60] =	vst v5  }
0x1ac: {  	[tilespmem:s14+$0x10] =	vst v7;
	v5 =	vld [tilespmem:s18+$0x19670];
	s18 =	smov.u32 s2  }
0x1ad: {  	v7 =	vld [tilespmem:s19+$0x19610];
	[tilespmem:s31+$0x10] =	vst v8  }
0x1ae: {  	v8 =	vld [tilespmem:s18+$0x19620];
	[tilespmem:s11+$0x50] =	vst v6  }
0x1af: {  	[tilespmem:s10+$0xFFFFFFD0] =	vst v9;
	v6 =	vld [tilespmem:s30+$0x19650]  }
0x1b0: {  	v9 =	vld [tilespmem:s29+$0x19620];
	[tilespmem:s8+$0x10] =	vst v4  }
0x1b1: {  	v4 =	vld [tilespmem:s25+$0x19620];
	[tilespmem:s15+$0x70] =	vst v5;
	s15 =	smov.u32 s31  }
0x1b2: {  	[tilespmem:s6+$0x10] =	vst v7;
	v5 =	vld [tilespmem:s23+$0x19660]  }
0x1b3: {  	v7 =	vld [tilespmem:s19+$0x19620];
	[tilespmem:s15+$0x20] =	vst v8  }
0x1b4: {  	v8 =	vld [tilespmem:s18+$0x19630];
	[tilespmem:s9+$0x50] =	vst v6  }
0x1b5: {  	[tilespmem:s10+$0xFFFFFFE0] =	vst v9;
	v6 =	vld [tilespmem:s26+$0x19660]  }
0x1b6: {  	v9 =	vld [tilespmem:s29+$0x19630];
	[tilespmem:s8+$0x20] =	vst v4  }
0x1b7: {  	v4 =	vld [tilespmem:s25+$0x19630];
	[tilespmem:s14+$0x20] =	vst v5  }
0x1b8: {  	[tilespmem:s6+$0x20] =	vst v7;
	v5 =	vld [tilespmem:s30+$0x19660]  }
0x1b9: {  	v7 =	vld [tilespmem:s19+$0x19630];
	[tilespmem:s15+$0x30] =	vst v8  }
0x1ba: {  	v10 =	vld [tilespmem:s18+$0x19640];
	[tilespmem:s11+$0x60] =	vst v6  }
0x1bb: {  	[tilespmem:s10+$0xFFFFFFF0] =	vst v9;
	v9 =	vld [tilespmem:s23+$0x19670];
	s23 =	smov.u32 s29  }
0x1bc: {  	v11 =	vld [tilespmem:s23+$0x19640];
	[tilespmem:s8+$0x30] =	vst v4  }
.Ltmp12:
0x1bd: {  	v8 =	vld [tilespmem:s25+$0x19640];
	[tilespmem:s9+$0x60] =	vst v5;
	(pc) =	sbr.rel @p3 .LBB2_20-.Ltmp12, $4  }
0x1be: {  	[tilespmem:s6+$0x30] =	vst v7;
	v6 =	vld [tilespmem:s26+$0x19670];
	s26 =	smov.u32 s25  }
0x1bf: {  	v4 =	vld [tilespmem:s19+$0x19640];
	[tilespmem:s15+$0x40] =	vst v10  }
0x1c0: {  	v5 =	vld [tilespmem:s18+$0x19650];
	[tilespmem:s14+$0x30] =	vst v9;
	s14 =	smov.u32 s10  }
0x1c1: {  	s0 =	sadd.s32 $0x204, s0;
	[tilespmem:s10+$0x0] =	vst v11;
	v7 =	vld [tilespmem:s30+$0x19670];
	s30 =	smov.u32 s19  }
0x1c2: {  	s1 =	smov.u32 s15  }
0x1c3: {  	s19 =	smov.u32 s18;
	s29 =	smov.u32 s23;
	s10 =	smov.u32 s26  }
0x1c4: {  	s0 =	smov.u32 s14;
	s25 =	smov.u32 s30;
	s31 =	rddreg [dreg:$0x1]  }
.LBB2_22:
0x1c5: {  	[tilespmem:s8+$0x40] =	vst v8;
	v61 =	vld [tilespmem:s29+$0x19650]  }
0x1c6: {  	[tilespmem:s6+$0x40] =	vst v4;
	v4 =	vld [tilespmem:s10+$0x19650]  }
0x1c7: {  	v9 =	vld [tilespmem:s25+$0x19650];
	_ =	sdelay $0x1  }
0x1c8: {  	[tilespmem:s1+$0x50] =	vst v5  }
0x1c9: {  	v5 =	vld [tilespmem:s19+$0x19660];
	[tilespmem:s0+$0x10] =	vst v61  }
0x1ca: {  	[tilespmem:s8+$0x50] =	vst v4;
	v4 =	vld [tilespmem:s29+$0x19660]  }
0x1cb: {  	[tilespmem:s6+$0x50] =	vst v9;
	v62 =	vld [tilespmem:s10+$0x19660]  }
0x1cc: {  	v9 =	vld [tilespmem:s25+$0x19660];
	_ =	sdelay $0x1  }
0x1cd: {  	[tilespmem:s1+$0x60] =	vst v5  }
0x1ce: {  	[tilespmem:s0+$0x20] =	vst v4;
	v4 =	vld [tilespmem:s19+$0x19670]  }
0x1cf: {  	[tilespmem:s8+$0x60] =	vst v62;
	v5 =	vld [tilespmem:s29+$0x19670]  }
0x1d0: {  	[tilespmem:s6+$0x60] =	vst v9;
	v8 =	vld [tilespmem:s10+$0x19670]  }
0x1d1: {  	[tilespmem:s11+$0x70] =	vst @p2 v6;
	v63 =	vld [tilespmem:s25+$0x19670]  }
0x1d2: {  	[tilespmem:s9+$0x70] =	vst @p2 v7  }
.Ltmp13:
0x1d3: {  	s28 =	sshll.u32 s5, $0x12;
	[tilespmem:s1+$0x70] =	vst v4;
	(pc) =	sbr.rel @p1 .LBB2_24-.Ltmp13, $4  }
0x1d4: {  	s29 =	sor.u32 s7, s28;
	[tilespmem:s0+$0x30] =	vst v5  }
0x1d5: {  	s0 =	sshrl.u32 s29, $0x3;
	[tilespmem:s8+$0x70] =	vst v8  }
0x1d6: {  	s30 =	simm.s32 $0x13600;
	[tilespmem:s6+$0x70] =	vst v63;
	s0 =	sadd.s32 s31, s0  }
0x1d7: {  	[hbm4b:s0+s21] =	stream.strided.scatter [tilespmem:s30], [sflag:$0x6], $0x2000, s22, s21, $0x38;
	[tilespmem:$0x1B640] =	vst v63  }
.Ltmp14:
0x1d8: {  	(pc) =	sbr.rel .LBB2_25-.Ltmp14, $4  }
0x1d9: {  	s0 =	simm.s32 $0x3  }
0x1da: {  	_ =	swait.ge [sflag:s0], $0x2000  }
0x1db: {  	[sflag:s0] =	ssyncset.done $0x0  }
0x1dc: {  	[sflag:s0] =	ssyncadd.s32 $0xFFFFE000  }
.LBB2_24:
0x1dd: {  	s0 =	sshll.u32 s16, $0x9  }
0x1de: {  	s1 =	simm.s32 $0x80;
	s2 =	simm.s32 $0xB600;
	s0 =	sand.u32 $0x3FFFFE00, s0  }
.Ltmp15:
0x1df: {  	s30 =	simm.s32 $0x3;
	s0 =	sadd.s32 $0x3480, s0;
	(pc) =	sbr.rel @p0 .LBB2_26-.Ltmp15, $4  }
0x1e0: {  	[tilespmem:s2], [sflag:$0x2] =	stream.indirect.gather [hbm4b:s4+s1], $0x40, s0, s1, $0xb8;
	[tilespmem:$0x1B640] =	vst v63  }
0x1e1: {  	_ =	swait.ge [sflag:s30], $0x2000  }
0x1e2: {  	[sflag:s30] =	ssyncset.done $0x0  }
0x1e3: {  	[sflag:s30] =	ssyncadd.s32 $0xFFFFE000  }
.LBB2_25:
0x1e4: {  	s0 =	simm.s32 $0x7  }
0x1e5: {  	_ =	swait.ge [sflag:s0], $0x2000  }
0x1e6: {  	[sflag:s0] =	ssyncset.done $0x0  }
0x1e7: {  	[sflag:s0] =	ssyncadd.s32 $0xFFFFE000  }
.LBB2_26:
0x1e8: {  	s5 =	sor.u32 $0x2, s12  }
0x1e9: {  	s29 =	simm.s32 $0xD680;
	s0 =	sshll.u32 s5, $0x6  }
0x1ea: {  	v8 =	vld [tilespmem:s29+$0x40];
	s1 =	sand.u32 $0x3FFFFFC0, s0  }
0x1eb: {  	v7 =	vld [tilespmem:s1+$0x0]  }
0x1ec: {  	s13 =	simm.s32 $0x3  }
0x1ed: {  	v9 =	vadd.s32 s13, v0;
	v10 =	vld [tilespmem:s29+$0xFFFFFF80]  }
0x1ee: {  	v11 =	vld [tilespmem:s29+$0xFFFFFFC0]  }
0x1ef: {  	s14 =	simm.s32 $0x0;
	v12 =	vld [tilespmem:s29+$0x0]  }
0x1f0: {  	v13 =	vadd.s32 s14, v0;
	v6 =	vld [tilespmem:s1+$0x10];
	v8 =	vadd.f32 v8, v7  }
0x1f1: {  	s30 =	simm.s32 $0x1;
	v5 =	vld [tilespmem:s1+$0x20]  }
0x1f2: {  	s10 =	simm.s32 $0x2;
	v14 =	vadd.s32 s30, v0;
	v4 =	vld [tilespmem:s1+$0x30];
	[tilespmem:v9+s20+$0x0] =	vst.idx.msk $0xffff, v8  }
0x1f3: {  	v10 =	vadd.f32 v10, v7;
	v8 =	vadd.s32 s10, v0;
	v9 =	vld [tilespmem:s29+$0x50];
	_ =	sdelay $0x1  }
0x1f4: {  	v15 =	vadd.s32 s13, v1;
	v11 =	vadd.f32 v11, v7;
	[tilespmem:v13+s20+$0x0] =	vst.idx.msk $0xffff, v10  }
0x1f5: {  	v12 =	vadd.f32 v12, v7;
	v10 =	vld [tilespmem:s29+$0xFFFFFF90]  }
0x1f6: {  	[tilespmem:v14+s20+$0x0] =	vst.idx.msk $0xffff, v11  }
0x1f7: {  	v11 =	vld [tilespmem:s29+$0xFFFFFFD0];
	[tilespmem:v8+s20+$0x0] =	vst.idx.msk $0xffff, v12;
	v12 =	vadd.s32 s14, v1;
	v8 =	vadd.f32 v9, v6  }
0x1f8: {  	s6 =	simm.s32 $0xD780;
	v9 =	vld [tilespmem:s29+$0x10]  }
0x1f9: {  	v13 =	vadd.s32 s30, v1;
	[tilespmem:v15+s20+$0x0] =	vst.idx.msk $0xffff, v8;
	v8 =	vld [tilespmem:s6+$0x40]  }
0x1fa: {  	s8 =	simm.s32 $0x7;
	v16 =	vld [tilespmem:s6+$0xFFFFFFC0];
	v14 =	vadd.s32 s10, v1;
	v10 =	vadd.f32 v10, v6  }
0x1fb: {  	s9 =	simm.s32 $0x5;
	v17 =	vadd.s32 s8, v0;
	v15 =	vld [tilespmem:s29+$0x60]  }
0x1fc: {  	v18 =	vld [tilespmem:s6+$0x0];
	v11 =	vadd.f32 v11, v6;
	[tilespmem:v12+s20+$0x0] =	vst.idx.msk $0xffff, v10;
	v12 =	vadd.s32 s9, v0  }
0x1fd: {  	v19 =	vadd.s32 s13, v2;
	v10 =	vld [tilespmem:s6+$0xFFFFFF80];
	v9 =	vadd.f32 v9, v6  }
0x1fe: {  	s11 =	simm.s32 $0x6;
	[tilespmem:v13+s20+$0x0] =	vst.idx.msk $0xffff, v11;
	v13 =	vld [tilespmem:s29+$0xFFFFFFA0];
	v8 =	vadd.f32 v8, v7  }
0x1ff: {  	s12 =	simm.s32 $0x4;
	v16 =	vadd.f32 v16, v7;
	v11 =	vadd.s32 s11, v0;
	[tilespmem:v14+s20+$0x0] =	vst.idx.msk $0xffff, v9;
	v14 =	vld [tilespmem:s29+$0xFFFFFFE0]  }
0x200: {  	v9 =	vadd.s32 s12, v0;
	v15 =	vadd.f32 v15, v5;
	[tilespmem:v17+s20+$0x0] =	vst.idx.msk $0xffff, v8;
	v17 =	vld [tilespmem:s29+$0x20]  }
0x201: {  	v8 =	vadd.s32 s14, v2;
	[tilespmem:v12+s20+$0x0] =	vst.idx.msk $0xffff, v16;
	v20 =	vld [tilespmem:s6+$0x50]  }
0x202: {  	v21 =	vadd.s32 s30, v2;
	v18 =	vadd.f32 v18, v7;
	[tilespmem:v19+s20+$0x0] =	vst.idx.msk $0xffff, v15;
	v19 =	vld [tilespmem:s6+$0xFFFFFFD0]  }
0x203: {  	v10 =	vadd.f32 v10, v7;
	v12 =	vadd.s32 s10, v2;
	v15 =	vld [tilespmem:s29+$0x70]  }
0x204: {  	[tilespmem:v11+s20+$0x0] =	vst.idx.msk $0xffff, v18;
	v11 =	vadd.s32 s8, v1;
	v13 =	vadd.f32 v13, v5  }
0x205: {  	v23 =	vadd.s32 s9, v1;
	v18 =	vld [tilespmem:s6+$0x10];
	[tilespmem:v9+s20+$0x0] =	vst.idx.msk $0xffff, v10;
	v9 =	vadd.f32 v14, v5  }
0x206: {  	v14 =	vadd.s32 s13, v3;
	v22 =	vld [tilespmem:s6+$0xFFFFFF90];
	[tilespmem:v8+s20+$0x0] =	vst.idx.msk $0xffff, v13;
	v8 =	vadd.f32 v17, v5  }
0x207: {  	v16 =	vadd.s32 s11, v1;
	[tilespmem:v21+s20+$0x0] =	vst.idx.msk $0xffff, v9;
	v10 =	vadd.f32 v20, v6;
	v13 =	vld [tilespmem:s29+$0xFFFFFFB0]  }
0x208: {  	v9 =	vld [tilespmem:s29+$0xFFFFFFF0];
	v20 =	vadd.f32 v19, v6;
	[tilespmem:v12+s20+$0x0] =	vst.idx.msk $0xffff, v8;
	v8 =	vadd.f32 v15, v4;
	v15 =	vadd.s32 s12, v1  }
0x209: {  	s13 =	simm.s32 $0xD880;
	v12 =	vadd.s32 s14, v3;
	[tilespmem:v11+s20+$0x0] =	vst.idx.msk $0xffff, v10;
	v10 =	vld [tilespmem:s29+$0x30]  }
0x20a: {  	v17 =	vld [tilespmem:s13+$0x40];
	v19 =	vadd.f32 v18, v6;
	v11 =	vadd.s32 s30, v3;
	[tilespmem:v23+s20+$0x0] =	vst.idx.msk $0xffff, v20  }
0x20b: {  	s0 =	simm.s32 $0xB;
	s1 =	simm.s32 $0xC;
	s14 =	simm.s32 $0x8;
	[tilespmem:v14+s20+$0x0] =	vst.idx.msk $0xffff, v8;
	v18 =	vadd.f32 v22, v6;
	v8 =	vld [tilespmem:s6+$0x60];
	v14 =	vadd.s32 s10, v3  }
.LBB2_27:
0x20c: {  	p2 =	slt.u32 s1, $0x7C;
	v20 =	vld [tilespmem:s13+$0xFFFFFFC0];
	v21 =	vadd.s32 s0, v0;
	[tilespmem:v16+s20+$0x0] =	vst.idx.msk $0xffff, v19;
	v13 =	vadd.f32 v13, v4;
	s10 =	smov.u32 s11;
	s17 =	smov.u32 s6  }
0x20d: {  	s15 =	sadd.s32 $0x1, s14;
	s6 =	smov.u32 s13;
	s18 =	smov.u32 s12;
	v16 =	vld [tilespmem:s13+$0x0];
	[tilespmem:v15+s20+$0x0] =	vst.idx.msk $0xffff, v18;
	v15 =	vadd.s32 s8, v2;
	v9 =	vadd.f32 v9, v4  }
0x20e: {  	s11 =	sadd.s32 $0x2, s14;
	s12 =	smov.u32 s14;
	s14 =	smov.u32 s1;
	v19 =	vadd.s32 s15, v0;
	v18 =	vld [tilespmem:s13+$0xFFFFFF80];
	[tilespmem:v12+s20+$0x0] =	vst.idx.msk $0xffff, v13;
	v10 =	vadd.f32 v10, v4  }
0x20f: {  	v12 =	vadd.s32 s11, v0;
	v13 =	vadd.f32 v17, v7;
	v17 =	vld [tilespmem:s17+$0xFFFFFFA0];
	[tilespmem:v11+s20+$0x0] =	vst.idx.msk $0xffff, v9  }
0x210: {  	v9 =	vadd.s32 s12, v0;
	v11 =	vld [tilespmem:s17+$0xFFFFFFE0];
	v8 =	vadd.f32 v8, v5;
	[tilespmem:v14+s20+$0x0] =	vst.idx.msk $0xffff, v10  }
0x211: {  	v10 =	vadd.f32 v20, v7;
	[tilespmem:v21+s20+$0x0] =	vst.idx.msk $0xffff, v13;
	v13 =	vadd.s32 s18, v2;
	v14 =	vld [tilespmem:s17+$0x20]  }
0x212: {  	v21 =	vadd.s32 s9, v2;
	v16 =	vadd.f32 v16, v7;
	v20 =	vld [tilespmem:s13+$0x50];
	[tilespmem:v15+s20+$0x0] =	vst.idx.msk $0xffff, v8  }
0x213: {  	v8 =	vadd.f32 v18, v7;
	[tilespmem:v19+s20+$0x0] =	vst.idx.msk $0xffff, v10;
	v10 =	vadd.s32 s10, v2;
	v18 =	vld [tilespmem:s17+$0x70]  }
0x214: {  	v19 =	vld [tilespmem:s13+$0xFFFFFFD0];
	[tilespmem:v12+s20+$0x0] =	vst.idx.msk $0xffff, v16;
	v12 =	vadd.s32 s0, v1;
	v15 =	vadd.f32 v17, v5  }
0x215: {  	v22 =	vadd.s32 s8, v3;
	s8 =	smov.u32 s0;
	[tilespmem:v9+s20+$0x0] =	vst.idx.msk $0xffff, v8;
	v8 =	vld [tilespmem:s13+$0x10];
	v9 =	vadd.f32 v11, v5  }
0x216: {  	v24 =	vadd.s32 s15, v1;
	v23 =	vld [tilespmem:s13+$0xFFFFFF90];
	[tilespmem:v13+s20+$0x0] =	vst.idx.msk $0xffff, v15;
	v11 =	vadd.f32 v14, v5  }
.Ltmp16:
0x217: {  	v16 =	vadd.s32 s11, v1;
	v14 =	vadd.f32 v20, v6;
	v13 =	vld [tilespmem:s17+$0xFFFFFFB0];
	[tilespmem:v21+s20+$0x0] =	vst.idx.msk $0xffff, v9;
	(pc) =	sbr.rel @p2 .LBB2_27-.Ltmp16, $4  }
0x218: {  	v15 =	vadd.s32 s12, v1;
	v9 =	vld [tilespmem:s17+$0xFFFFFFF0];
	[tilespmem:v10+s20+$0x0] =	vst.idx.msk $0xffff, v11;
	v18 =	vadd.f32 v18, v4  }
0x219: {  	s13 =	sadd.s32 $0x100, s13;
	v20 =	vadd.f32 v19, v6;
	[tilespmem:v12+s20+$0x0] =	vst.idx.msk $0xffff, v14;
	v12 =	vadd.s32 s18, v3;
	v10 =	vld [tilespmem:s17+$0x30]  }
0x21a: {  	v11 =	vadd.s32 s9, v3;
	v17 =	vld [tilespmem:s13+$0x40];
	v19 =	vadd.f32 v8, v6;
	[tilespmem:v22+s20+$0x0] =	vst.idx.msk $0xffff, v18  }
0x21b: {  	s1 =	sadd.s32 $0x4, s1;
	s0 =	sadd.s32 $0x3, s14;
	s9 =	smov.u32 s15;
	v14 =	vadd.s32 s10, v3;
	v18 =	vadd.f32 v23, v6;
	[tilespmem:v24+s20+$0x0] =	vst.idx.msk $0xffff, v20;
	v8 =	vld [tilespmem:s6+$0x60]  }
0x21c: {  	v20 =	vld [tilespmem:s13+$0xFFFFFF80]  }
0x21d: {  	v21 =	vld [tilespmem:s13+$0xFFFFFFC0];
	v22 =	vadd.s32 s0, v0  }
0x21e: {  	s1 =	sadd.s32 $0x1, s14;
	v23 =	vld [tilespmem:s13+$0x0];
	v24 =	vadd.s32 s14, v0  }
0x21f: {  	s10 =	sadd.s32 $0x2, s14;
	v25 =	vadd.s32 s1, v0  }
0x220: {  	v26 =	vadd.s32 s10, v0;
	v17 =	vadd.f32 v17, v7  }
0x221: {  	[tilespmem:v16+s20+$0x0] =	vst.idx.msk $0xffff, v19;
	v38 =	vadd.f32 v20, v7  }
0x222: {  	[tilespmem:v22+s20+$0x0] =	vst.idx.msk $0xffff, v17;
	v39 =	vadd.f32 v21, v7  }
0x223: {  	v7 =	vadd.f32 v23, v7;
	v40 =	vld [tilespmem:s13+$0x50];
	[tilespmem:v24+s20+$0x0] =	vst.idx.msk $0xffff, v38  }
0x224: {  	[tilespmem:v25+s20+$0x0] =	vst.idx.msk $0xffff, v39;
	v41 =	vld [tilespmem:s13+$0xFFFFFF90]  }
0x225: {  	v13 =	vadd.f32 v13, v4;
	[tilespmem:v26+s20+$0x0] =	vst.idx.msk $0xffff, v7;
	v7 =	vadd.s32 s0, v1;
	v42 =	vld [tilespmem:s13+$0xFFFFFFD0]  }
0x226: {  	v44 =	vadd.s32 s14, v1;
	[tilespmem:v15+s20+$0x0] =	vst.idx.msk $0xffff, v18;
	v9 =	vadd.f32 v9, v4;
	v43 =	vld [tilespmem:s13+$0x10]  }
0x227: {  	v45 =	vadd.s32 s1, v1;
	[tilespmem:v12+s20+$0x0] =	vst.idx.msk $0xffff, v13;
	v10 =	vadd.f32 v10, v4  }
0x228: {  	v46 =	vld [tilespmem:s6+$0xFFFFFFA0];
	[tilespmem:v11+s20+$0x0] =	vst.idx.msk $0xffff, v9;
	v9 =	vadd.s32 s10, v1;
	v11 =	vadd.f32 v40, v6  }
0x229: {  	v47 =	vadd.s32 s8, v2;
	v48 =	vld [tilespmem:s6+$0xFFFFFFE0];
	[tilespmem:v14+s20+$0x0] =	vst.idx.msk $0xffff, v10;
	v10 =	vadd.f32 v41, v6  }
0x22a: {  	v49 =	vadd.s32 s12, v2;
	v50 =	vld [tilespmem:s6+$0x20];
	v19 =	vadd.f32 v42, v6;
	[tilespmem:v7+s20+$0x0] =	vst.idx.msk $0xffff, v11  }
0x22b: {  	v7 =	vadd.s32 s9, v2;
	v6 =	vadd.f32 v43, v6;
	v11 =	vld [tilespmem:s13+$0x60];
	[tilespmem:v44+s20+$0x0] =	vst.idx.msk $0xffff, v10  }
0x22c: {  	v8 =	vadd.f32 v8, v5;
	v10 =	vadd.s32 s11, v2;
	[tilespmem:v45+s20+$0x0] =	vst.idx.msk $0xffff, v19;
	v51 =	vld [tilespmem:s13+$0xFFFFFFA0]  }
0x22d: {  	v13 =	vadd.f32 v46, v5;
	[tilespmem:v9+s20+$0x0] =	vst.idx.msk $0xffff, v6;
	v6 =	vadd.s32 s0, v2;
	v9 =	vld [tilespmem:s13+$0xFFFFFFE0]  }
0x22e: {  	v52 =	vadd.s32 s14, v2;
	[tilespmem:v47+s20+$0x0] =	vst.idx.msk $0xffff, v8;
	v8 =	vadd.f32 v48, v5;
	v53 =	vld [tilespmem:s13+$0x20]  }
0x22f: {  	v56 =	vadd.s32 s1, v2;
	v55 =	vadd.f32 v50, v5;
	v54 =	vld [tilespmem:s6+$0x70];
	[tilespmem:v49+s20+$0x0] =	vst.idx.msk $0xffff, v13  }
0x230: {  	v57 =	vld [tilespmem:s6+$0xFFFFFFB0];
	[tilespmem:v7+s20+$0x0] =	vst.idx.msk $0xffff, v8;
	v8 =	vadd.s32 s10, v2;
	v7 =	vadd.f32 v11, v5  }
0x231: {  	v11 =	vadd.s32 s8, v3;
	v58 =	vld [tilespmem:s6+$0xFFFFFFF0];
	[tilespmem:v10+s20+$0x0] =	vst.idx.msk $0xffff, v55;
	v10 =	vadd.f32 v51, v5  }
0x232: {  	v59 =	vadd.s32 s12, v3;
	v13 =	vld [tilespmem:s6+$0x30];
	[tilespmem:v6+s20+$0x0] =	vst.idx.msk $0xffff, v7;
	v6 =	vadd.f32 v9, v5  }
0x233: {  	v7 =	vadd.s32 s9, v3;
	v5 =	vadd.f32 v53, v5;
	v9 =	vld [tilespmem:s13+$0x70];
	[tilespmem:v52+s20+$0x0] =	vst.idx.msk $0xffff, v10  }
0x234: {  	v60 =	vadd.s32 s11, v3;
	v10 =	vadd.f32 v54, v4;
	[tilespmem:v56+s20+$0x0] =	vst.idx.msk $0xffff, v6;
	v61 =	vld [tilespmem:s13+$0xFFFFFFB0]  }
0x235: {  	v62 =	vadd.s32 s0, v3;
	v6 =	vadd.f32 v57, v4;
	[tilespmem:v8+s20+$0x0] =	vst.idx.msk $0xffff, v5;
	v63 =	vld [tilespmem:s13+$0xFFFFFFF0]  }
0x236: {  	v8 =	vadd.s32 s14, v3;
	v5 =	vadd.f32 v58, v4;
	[tilespmem:v11+s20+$0x0] =	vst.idx.msk $0xffff, v10;
	v10 =	vld [tilespmem:s13+$0x30]  }
0x237: {  	[tilespmem:v59+s20+$0x0] =	vst.idx.msk $0xffff, v6;
	v11 =	vadd.s32 s1, v3;
	v6 =	vadd.f32 v13, v4  }
0x238: {  	[tilespmem:v7+s20+$0x0] =	vst.idx.msk $0xffff, v5;
	v7 =	vadd.s32 s10, v3;
	v5 =	vadd.f32 v9, v4  }
0x239: {  	[tilespmem:v60+s20+$0x0] =	vst.idx.msk $0xffff, v6;
	v6 =	vadd.f32 v61, v4  }
0x23a: {  	[tilespmem:v62+s20+$0x0] =	vst.idx.msk $0xffff, v5;
	v5 =	vadd.f32 v63, v4  }
0x23b: {  	v4 =	vadd.f32 v10, v4;
	[tilespmem:v8+s20+$0x0] =	vst.idx.msk $0xffff, v6  }
0x23c: {  	[tilespmem:v11+s20+$0x0] =	vst.idx.msk $0xffff, v5  }
0x23d: {  	s2 =	simm.s32 $0x19702;
	[tilespmem:v7+s20+$0x0] =	vst.idx.msk $0xffff, v4  }
0x23e: {  	v4 =	vld [tilespmem:s2+$0x81]  }
0x23f: {  	s12 =	simm.s32 $0x0;
	v5 =	vld [tilespmem:s2+$0xFFFFFEFE]  }
0x240: {  	s0 =	sand.u32 $0x1C00, s12;
	s13 =	simm.s32 $0x180  }
0x241: {  	s14 =	sadd.s32 $0x15600, s0;
	s15 =	sand.u32 $0x380, s13  }
0x242: {  	s17 =	simm.s32 $0x183;
	s1 =	sadd.s32 s15, s14;
	v6 =	vld [tilespmem:s2+$0xFFFFFF7F]  }
0x243: {  	s18 =	simm.s32 $0x0;
	s19 =	sand.u32 $0x1FFF, s17;
	s0 =	simm.s32 $0x15640;
	v7 =	vld [tilespmem:s2+$0x0];
	[tilespmem:s1+$0x0] =	vst v4  }
0x244: {  	s23 =	simm.s32 $0x80;
	s29 =	sand.u32 $0x1FFC, s18;
	[tilespmem:s0+$0xFFFFFFC0] =	vst v5;
	v4 =	vld [tilespmem:s19+$0x19610]  }
0x245: {  	s25 =	simm.s32 $0x100;
	s24 =	sand.u32 $0x280, s23;
	v5 =	vld [tilespmem:s29+$0x19610]  }
0x246: {  	s28 =	simm.s32 $0x81;
	s26 =	sand.u32 $0x300, s25;
	s8 =	sadd.s32 s24, s14  }
0x247: {  	s30 =	simm.s32 $0x102;
	s6 =	sadd.s32 s26, s14;
	s10 =	sand.u32 $0x1FFD, s28;
	[tilespmem:s8+$0x0] =	vst v6  }
0x248: {  	s25 =	sand.u32 $0x1FFE, s30;
	[tilespmem:s6+$0x0] =	vst v7;
	v6 =	vld [tilespmem:s10+$0x19610]  }
0x249: {  	v7 =	vld [tilespmem:s25+$0x19610];
	[tilespmem:s1+$0x10] =	vst v4  }
0x24a: {  	[tilespmem:s0+$0xFFFFFFD0] =	vst v5;
	v4 =	vld [tilespmem:s19+$0x19620]  }
0x24b: {  	v5 =	vld [tilespmem:s29+$0x19620];
	_ =	sdelay $0x1  }
0x24c: {  	[tilespmem:s8+$0x10] =	vst v6  }
0x24d: {  	[tilespmem:s6+$0x10] =	vst v7;
	v6 =	vld [tilespmem:s10+$0x19620]  }
0x24e: {  	v7 =	vld [tilespmem:s25+$0x19620];
	[tilespmem:s1+$0x20] =	vst v4  }
0x24f: {  	[tilespmem:s0+$0xFFFFFFE0] =	vst v5;
	v4 =	vld [tilespmem:s19+$0x19630]  }
0x250: {  	v5 =	vld [tilespmem:s29+$0x19630];
	_ =	sdelay $0x1  }
0x251: {  	[tilespmem:s8+$0x20] =	vst v6  }
0x252: {  	[tilespmem:s6+$0x20] =	vst v7;
	v6 =	vld [tilespmem:s10+$0x19630]  }
0x253: {  	v7 =	vld [tilespmem:s25+$0x19630];
	[tilespmem:s1+$0x30] =	vst v4  }
0x254: {  	[tilespmem:s0+$0xFFFFFFF0] =	vst v5;
	v9 =	vld [tilespmem:s19+$0x19640]  }
0x255: {  	p3 =	por $0x1, $0x1;
	v10 =	vld [tilespmem:s29+$0x19640]  }
.Ltmp17:
0x256: {  	_ = 	snop;
	(pc) =	sbr.rel @!p3 .LBB2_29-.Ltmp17, $4  }
0x257: {  	[tilespmem:s8+$0x30] =	vst v6  }
0x258: {  	[tilespmem:s6+$0x30] =	vst v7;
	v8 =	vld [tilespmem:s10+$0x19640]  }
0x259: {  	v4 =	vld [tilespmem:s25+$0x19640];
	[tilespmem:s1+$0x40] =	vst v9  }
0x25a: {  	p2 =	por $0x0, $0x0;
	s9 =	simm.s32 $0x19906;
	[tilespmem:s0+$0x0] =	vst v10;
	v5 =	vld [tilespmem:s19+$0x19650]  }
0x25b: {  	v6 =	vld [tilespmem:s9+$0x81]  }
0x25c: {  	v7 =	vld [tilespmem:s9+$0xFFFFFEFE];
	s2 =	simm.s32 $0x200  }
0x25d: {  	s13 =	simm.s32 $0x380;
	v9 =	vld [tilespmem:s9+$0x0];
	s2 =	sand.u32 $0x1C00, s2;
	[tilespmem:s8+$0x40] =	vst v8  }
0x25e: {  	s12 =	simm.s32 $0x15840;
	s24 =	sand.u32 $0x380, s13;
	v8 =	vld [tilespmem:s9+$0xFFFFFF7F];
	s2 =	sadd.s32 $0x15600, s2;
	[tilespmem:s6+$0x40] =	vst v4  }
0x25f: {  	s15 =	simm.s32 $0x387;
	s28 =	simm.s32 $0x300;
	s14 =	sadd.s32 s24, s2;
	[tilespmem:s1+$0x50] =	vst v5;
	v5 =	vld [tilespmem:s29+$0x19650]  }
0x260: {  	s11 =	simm.s32 $0x280;
	s17 =	sand.u32 $0x1FFF, s15;
	s18 =	sand.u32 $0x300, s28;
	v4 =	vld [tilespmem:s19+$0x19660];
	[tilespmem:s14+$0x0] =	vst v6  }
0x261: {  	s23 =	simm.s32 $0x204;
	s26 =	sand.u32 $0x280, s11;
	s9 =	sadd.s32 s18, s2;
	[tilespmem:s12+$0xFFFFFFC0] =	vst v7;
	v6 =	vld [tilespmem:s17+$0x19610]  }
0x262: {  	s11 =	sadd.s32 s26, s2;
	s24 =	simm.s32 $0x285;
	s18 =	sand.u32 $0x1FFC, s23;
	v7 =	vld [tilespmem:s10+$0x19650];
	[tilespmem:s9+$0x0] =	vst v9  }
0x263: {  	s30 =	simm.s32 $0x306;
	s23 =	sand.u32 $0x1FFD, s24;
	[tilespmem:s11+$0x0] =	vst v8;
	v8 =	vld [tilespmem:s18+$0x19610]  }
0x264: {  	s26 =	sand.u32 $0x1FFE, s30;
	v9 =	vld [tilespmem:s23+$0x19610];
	[tilespmem:s0+$0x10] =	vst v5  }
0x265: {  	v5 =	vld [tilespmem:s26+$0x19610];
	[tilespmem:s1+$0x60] =	vst v4  }
0x266: {  	v4 =	vld [tilespmem:s19+$0x19670];
	[tilespmem:s14+$0x10] =	vst v6  }
0x267: {  	[tilespmem:s8+$0x50] =	vst v7;
	v6 =	vld [tilespmem:s17+$0x19620]  }
0x268: {  	v7 =	vld [tilespmem:s25+$0x19650];
	[tilespmem:s12+$0xFFFFFFD0] =	vst v8  }
0x269: {  	v8 =	vld [tilespmem:s18+$0x19620];
	[tilespmem:s11+$0x10] =	vst v9  }
0x26a: {  	v9 =	vld [tilespmem:s23+$0x19620];
	[tilespmem:s9+$0x10] =	vst v5  }
0x26b: {  	v5 =	vld [tilespmem:s26+$0x19620];
	[tilespmem:s1+$0x70] =	vst v4  }
0x26c: {  	v4 =	vld [tilespmem:s29+$0x19660];
	[tilespmem:s14+$0x20] =	vst v6  }
0x26d: {  	[tilespmem:s6+$0x50] =	vst v7;
	v6 =	vld [tilespmem:s17+$0x19630]  }
0x26e: {  	v7 =	vld [tilespmem:s10+$0x19660];
	[tilespmem:s12+$0xFFFFFFE0] =	vst v8  }
0x26f: {  	v8 =	vld [tilespmem:s18+$0x19630];
	[tilespmem:s11+$0x20] =	vst v9  }
0x270: {  	v9 =	vld [tilespmem:s23+$0x19630];
	[tilespmem:s9+$0x20] =	vst v5  }
0x271: {  	[tilespmem:s0+$0x20] =	vst v4;
	v4 =	vld [tilespmem:s25+$0x19660]  }
0x272: {  	v5 =	vld [tilespmem:s26+$0x19630];
	[tilespmem:s14+$0x30] =	vst v6  }
0x273: {  	[tilespmem:s8+$0x60] =	vst v7;
	v10 =	vld [tilespmem:s17+$0x19640]  }
0x274: {  	v7 =	vld [tilespmem:s29+$0x19670];
	[tilespmem:s12+$0xFFFFFFF0] =	vst v8  }
0x275: {  	p3 =	por $0x1, $0x1;
	v11 =	vld [tilespmem:s18+$0x19640];
	[tilespmem:s11+$0x30] =	vst v9  }
.Ltmp18:
0x276: {  	v8 =	vld [tilespmem:s23+$0x19640];
	[tilespmem:s6+$0x60] =	vst v4;
	(pc) =	sbr.rel @!p3 .LBB2_31-.Ltmp18, $4  }
0x277: {  	v6 =	vld [tilespmem:s10+$0x19670];
	[tilespmem:s9+$0x30] =	vst v5  }
0x278: {  	v4 =	vld [tilespmem:s26+$0x19640];
	[tilespmem:s14+$0x40] =	vst v10  }
0x279: {  	p2 =	por $0x1, $0x1;
	[tilespmem:s0+$0x30] =	vst v7;
	v5 =	vld [tilespmem:s17+$0x19650]  }
0x27a: {  	s1 =	simm.s32 $0x4;
	s10 =	simm.s32 $0x15840;
	s0 =	simm.s32 $0x19B0A;
	v7 =	vld [tilespmem:s25+$0x19670];
	[tilespmem:s12+$0x0] =	vst v11  }
.LBB2_32:
0x27b: {  	v9 =	vld [tilespmem:s0+$0x81];
	s1 =	sadd.s32 $0x4, s1;
	[tilespmem:s11+$0x40] =	vst v8;
	s13 =	sadd.s32 $0x200, s13;
	s10 =	sadd.s32 $0x200, s10  }
0x27c: {  	v8 =	vld [tilespmem:s0+$0xFFFFFEFE];
	s2 =	sadd.s32 $0xFFFFFE80, s13;
	s19 =	sadd.s32 $0xFFFFFF00, s13;
	p3 =	slt.u32 s1, $0x3C;
	[tilespmem:s8+$0x70] =	vst v6  }
0x27d: {  	s2 =	sand.u32 $0x1C00, s2;
	v6 =	vld [tilespmem:s0+$0xFFFFFF7F];
	s8 =	sand.u32 $0x280, s19;
	s19 =	sadd.s32 $0xFFFFFF80, s13;
	[tilespmem:s9+$0x40] =	vst v4  }
0x27e: {  	s24 =	sand.u32 $0x380, s13;
	s2 =	sadd.s32 $0x15600, s2;
	v4 =	vld [tilespmem:s0+$0x0];
	s19 =	sand.u32 $0x300, s19;
	[tilespmem:s14+$0x50] =	vst v5  }
0x27f: {  	s15 =	sadd.s32 $0x204, s15;
	s28 =	sadd.s32 s8, s2;
	s24 =	sadd.s32 s24, s2;
	v5 =	vld [tilespmem:s17+$0x19660];
	[tilespmem:s6+$0x70] =	vst v7  }
0x280: {  	s30 =	sand.u32 $0x1FFF, s15;
	s6 =	sadd.s32 $0xFFFFFEFE, s15;
	s2 =	sadd.s32 s19, s2;
	[tilespmem:s24+$0x0] =	vst v9;
	v7 =	vld [tilespmem:s18+$0x19650]  }
0x281: {  	s8 =	sadd.s32 $0xFFFFFE7D, s15;
	s25 =	sand.u32 $0x1FFD, s6;
	s6 =	sadd.s32 $0xFFFFFF7F, s15;
	[tilespmem:s10+$0xFFFFFFC0] =	vst v8;
	v8 =	vld [tilespmem:s30+$0x19610]  }
0x282: {  	s29 =	sand.u32 $0x1FFC, s8;
	s8 =	smov.u32 s11;
	s19 =	sand.u32 $0x1FFE, s6;
	[tilespmem:s28+$0x0] =	vst v6;
	v6 =	vld [tilespmem:s23+$0x19650]  }
0x283: {  	s11 =	smov.u32 s28;
	s6 =	smov.u32 s9;
	s9 =	smov.u32 s2;
	v9 =	vld [tilespmem:s29+$0x19610];
	[tilespmem:s2+$0x0] =	vst v4  }
0x284: {  	v4 =	vld [tilespmem:s25+$0x19610];
	[tilespmem:s14+$0x60] =	vst v5  }
0x285: {  	[tilespmem:s12+$0x10] =	vst v7;
	v5 =	vld [tilespmem:s17+$0x19670];
	s17 =	smov.u32 s30  }
0x286: {  	v7 =	vld [tilespmem:s19+$0x19610];
	[tilespmem:s24+$0x10] =	vst v8  }
0x287: {  	v8 =	vld [tilespmem:s17+$0x19620];
	[tilespmem:s8+$0x50] =	vst v6  }
0x288: {  	[tilespmem:s10+$0xFFFFFFD0] =	vst v9;
	v6 =	vld [tilespmem:s26+$0x19650]  }
0x289: {  	v9 =	vld [tilespmem:s29+$0x19620];
	[tilespmem:s11+$0x10] =	vst v4  }
0x28a: {  	v4 =	vld [tilespmem:s25+$0x19620];
	[tilespmem:s14+$0x70] =	vst v5;
	s14 =	smov.u32 s24  }
0x28b: {  	[tilespmem:s9+$0x10] =	vst v7;
	v5 =	vld [tilespmem:s18+$0x19660]  }
0x28c: {  	v7 =	vld [tilespmem:s19+$0x19620];
	[tilespmem:s14+$0x20] =	vst v8  }
0x28d: {  	v8 =	vld [tilespmem:s17+$0x19630];
	[tilespmem:s6+$0x50] =	vst v6  }
0x28e: {  	[tilespmem:s10+$0xFFFFFFE0] =	vst v9;
	v6 =	vld [tilespmem:s23+$0x19660]  }
0x28f: {  	v9 =	vld [tilespmem:s29+$0x19630];
	[tilespmem:s11+$0x20] =	vst v4  }
0x290: {  	v4 =	vld [tilespmem:s25+$0x19630];
	[tilespmem:s12+$0x20] =	vst v5  }
0x291: {  	[tilespmem:s9+$0x20] =	vst v7;
	v5 =	vld [tilespmem:s26+$0x19660]  }
0x292: {  	v7 =	vld [tilespmem:s19+$0x19630];
	[tilespmem:s14+$0x30] =	vst v8  }
0x293: {  	v10 =	vld [tilespmem:s17+$0x19640];
	[tilespmem:s8+$0x60] =	vst v6  }
0x294: {  	[tilespmem:s10+$0xFFFFFFF0] =	vst v9;
	v9 =	vld [tilespmem:s18+$0x19670];
	s18 =	smov.u32 s29  }
0x295: {  	v11 =	vld [tilespmem:s18+$0x19640];
	[tilespmem:s11+$0x30] =	vst v4  }
.Ltmp19:
0x296: {  	v8 =	vld [tilespmem:s25+$0x19640];
	[tilespmem:s6+$0x60] =	vst v5;
	(pc) =	sbr.rel @p3 .LBB2_32-.Ltmp19, $4  }
0x297: {  	[tilespmem:s9+$0x30] =	vst v7;
	v6 =	vld [tilespmem:s23+$0x19670];
	s23 =	smov.u32 s25  }
0x298: {  	v4 =	vld [tilespmem:s19+$0x19640];
	[tilespmem:s14+$0x40] =	vst v10  }
0x299: {  	v5 =	vld [tilespmem:s17+$0x19650];
	[tilespmem:s12+$0x30] =	vst v9;
	s12 =	smov.u32 s10  }
0x29a: {  	s0 =	sadd.s32 $0x204, s0;
	[tilespmem:s10+$0x0] =	vst v11;
	v7 =	vld [tilespmem:s26+$0x19670];
	s26 =	smov.u32 s19  }
0x29b: {  	s1 =	smov.u32 s14;
	s19 =	smov.u32 s17;
	s29 =	smov.u32 s18  }
0x29c: {  	s10 =	smov.u32 s23;
	s0 =	smov.u32 s12;
	s25 =	smov.u32 s26  }
.LBB2_34:
0x29d: {  	[tilespmem:s11+$0x40] =	vst v8;
	v61 =	vld [tilespmem:s29+$0x19650]  }
0x29e: {  	[tilespmem:s9+$0x40] =	vst v4;
	v4 =	vld [tilespmem:s10+$0x19650]  }
0x29f: {  	v9 =	vld [tilespmem:s25+$0x19650];
	_ =	sdelay $0x1  }
0x2a0: {  	[tilespmem:s1+$0x50] =	vst v5  }
0x2a1: {  	v5 =	vld [tilespmem:s19+$0x19660];
	[tilespmem:s0+$0x10] =	vst v61  }
0x2a2: {  	[tilespmem:s11+$0x50] =	vst v4;
	v4 =	vld [tilespmem:s29+$0x19660]  }
0x2a3: {  	[tilespmem:s9+$0x50] =	vst v9;
	v62 =	vld [tilespmem:s10+$0x19660]  }
0x2a4: {  	v9 =	vld [tilespmem:s25+$0x19660];
	_ =	sdelay $0x1  }
0x2a5: {  	[tilespmem:s1+$0x60] =	vst v5  }
0x2a6: {  	[tilespmem:s0+$0x20] =	vst v4;
	v4 =	vld [tilespmem:s19+$0x19670]  }
0x2a7: {  	[tilespmem:s11+$0x60] =	vst v62;
	v5 =	vld [tilespmem:s29+$0x19670]  }
0x2a8: {  	[tilespmem:s9+$0x60] =	vst v9;
	v8 =	vld [tilespmem:s10+$0x19670]  }
0x2a9: {  	[tilespmem:s8+$0x70] =	vst @p2 v6;
	v63 =	vld [tilespmem:s25+$0x19670]  }
0x2aa: {  	[tilespmem:s6+$0x70] =	vst @p2 v7  }
.Ltmp20:
0x2ab: {  	s28 =	sshll.u32 s5, $0x12;
	[tilespmem:s1+$0x70] =	vst v4;
	(pc) =	sbr.rel @p1 .LBB2_36-.Ltmp20, $4  }
0x2ac: {  	s29 =	sor.u32 s7, s28;
	[tilespmem:s0+$0x30] =	vst v5  }
0x2ad: {  	s0 =	sshrl.u32 s29, $0x3;
	[tilespmem:s11+$0x70] =	vst v8  }
0x2ae: {  	s30 =	simm.s32 $0x15600;
	[tilespmem:s9+$0x70] =	vst v63;
	s0 =	sadd.s32 s31, s0  }
0x2af: {  	[hbm4b:s0+s21] =	stream.strided.scatter [tilespmem:s30], [sflag:$0x7], $0x2000, s22, s21, $0x38;
	[tilespmem:$0x1B640] =	vst v63  }
.Ltmp21:
0x2b0: {  	(pc) =	sbr.rel .LBB2_37-.Ltmp21, $4  }
0x2b1: {  	s0 =	simm.s32 $0x4  }
0x2b2: {  	_ =	swait.ge [sflag:s0], $0x2000  }
0x2b3: {  	[sflag:s0] =	ssyncset.done $0x0  }
0x2b4: {  	[sflag:s0] =	ssyncadd.s32 $0xFFFFE000  }
.LBB2_36:
0x2b5: {  	s0 =	sshll.u32 s16, $0x9  }
0x2b6: {  	s1 =	simm.s32 $0x80;
	s2 =	simm.s32 $0xD600;
	s0 =	sand.u32 $0x3FFFFE00, s0  }
.Ltmp22:
0x2b7: {  	s30 =	simm.s32 $0x4;
	s0 =	sadd.s32 $0x3500, s0;
	(pc) =	sbr.rel @p0 .LBB2_38-.Ltmp22, $4  }
0x2b8: {  	[tilespmem:s2], [sflag:$0x3] =	stream.indirect.gather [hbm4b:s4+s1], $0x40, s0, s1, $0xb8;
	[tilespmem:$0x1B640] =	vst v63  }
0x2b9: {  	_ =	swait.ge [sflag:s30], $0x2000  }
0x2ba: {  	[sflag:s30] =	ssyncset.done $0x0  }
0x2bb: {  	[sflag:s30] =	ssyncadd.s32 $0xFFFFE000  }
.LBB2_37:
0x2bc: {  	s0 =	simm.s32 $0x8  }
0x2bd: {  	_ =	swait.ge [sflag:s0], $0x2000  }
0x2be: {  	[sflag:s0] =	ssyncset.done $0x0  }
0x2bf: {  	[sflag:s0] =	ssyncadd.s32 $0xFFFFE000  }
.LBB2_38:
0x2c0: {  	s0 =	sshll.u32 s3, $0x6;
	s29 =	simm.s32 $0xF680  }
0x2c1: {  	s1 =	sand.u32 $0x3FFFFFC0, s0;
	v8 =	vld [tilespmem:s29+$0x40]  }
0x2c2: {  	v7 =	vld [tilespmem:s1+$0x0]  }
0x2c3: {  	s12 =	simm.s32 $0x3  }
0x2c4: {  	v9 =	vadd.s32 s12, v0;
	v10 =	vld [tilespmem:s29+$0xFFFFFF80]  }
0x2c5: {  	v11 =	vld [tilespmem:s29+$0xFFFFFFC0]  }
0x2c6: {  	s13 =	simm.s32 $0x0;
	v12 =	vld [tilespmem:s29+$0x0]  }
0x2c7: {  	v13 =	vadd.s32 s13, v0;
	v6 =	vld [tilespmem:s1+$0x10];
	v8 =	vadd.f32 v8, v7  }
0x2c8: {  	s30 =	simm.s32 $0x1;
	v5 =	vld [tilespmem:s1+$0x20]  }
0x2c9: {  	s10 =	simm.s32 $0x2;
	v14 =	vadd.s32 s30, v0;
	v4 =	vld [tilespmem:s1+$0x30];
	[tilespmem:v9+s20+$0x0] =	vst.idx.msk $0xffff, v8  }
0x2ca: {  	v10 =	vadd.f32 v10, v7;
	v8 =	vadd.s32 s10, v0;
	v9 =	vld [tilespmem:s29+$0x50];
	_ =	sdelay $0x1  }
0x2cb: {  	v15 =	vadd.s32 s12, v1;
	v11 =	vadd.f32 v11, v7;
	[tilespmem:v13+s20+$0x0] =	vst.idx.msk $0xffff, v10  }
0x2cc: {  	v12 =	vadd.f32 v12, v7;
	v10 =	vld [tilespmem:s29+$0xFFFFFF90]  }
0x2cd: {  	[tilespmem:v14+s20+$0x0] =	vst.idx.msk $0xffff, v11  }
0x2ce: {  	v11 =	vld [tilespmem:s29+$0xFFFFFFD0];
	[tilespmem:v8+s20+$0x0] =	vst.idx.msk $0xffff, v12;
	v12 =	vadd.s32 s13, v1;
	v8 =	vadd.f32 v9, v6  }
0x2cf: {  	s5 =	simm.s32 $0xF780;
	v9 =	vld [tilespmem:s29+$0x10]  }
0x2d0: {  	v13 =	vadd.s32 s30, v1;
	[tilespmem:v15+s20+$0x0] =	vst.idx.msk $0xffff, v8;
	v8 =	vld [tilespmem:s5+$0x40]  }
0x2d1: {  	s6 =	simm.s32 $0x7;
	v16 =	vld [tilespmem:s5+$0xFFFFFFC0];
	v14 =	vadd.s32 s10, v1;
	v10 =	vadd.f32 v10, v6  }
0x2d2: {  	s8 =	simm.s32 $0x5;
	v17 =	vadd.s32 s6, v0;
	v15 =	vld [tilespmem:s29+$0x60]  }
0x2d3: {  	v18 =	vld [tilespmem:s5+$0x0];
	v11 =	vadd.f32 v11, v6;
	[tilespmem:v12+s20+$0x0] =	vst.idx.msk $0xffff, v10;
	v12 =	vadd.s32 s8, v0  }
0x2d4: {  	v19 =	vadd.s32 s12, v2;
	v10 =	vld [tilespmem:s5+$0xFFFFFF80];
	v9 =	vadd.f32 v9, v6  }
0x2d5: {  	s9 =	simm.s32 $0x6;
	[tilespmem:v13+s20+$0x0] =	vst.idx.msk $0xffff, v11;
	v13 =	vld [tilespmem:s29+$0xFFFFFFA0];
	v8 =	vadd.f32 v8, v7  }
0x2d6: {  	s11 =	simm.s32 $0x4;
	v16 =	vadd.f32 v16, v7;
	v11 =	vadd.s32 s9, v0;
	[tilespmem:v14+s20+$0x0] =	vst.idx.msk $0xffff, v9;
	v14 =	vld [tilespmem:s29+$0xFFFFFFE0]  }
0x2d7: {  	v9 =	vadd.s32 s11, v0;
	v15 =	vadd.f32 v15, v5;
	[tilespmem:v17+s20+$0x0] =	vst.idx.msk $0xffff, v8;
	v17 =	vld [tilespmem:s29+$0x20]  }
0x2d8: {  	v8 =	vadd.s32 s13, v2;
	[tilespmem:v12+s20+$0x0] =	vst.idx.msk $0xffff, v16;
	v20 =	vld [tilespmem:s5+$0x50]  }
0x2d9: {  	v21 =	vadd.s32 s30, v2;
	v18 =	vadd.f32 v18, v7;
	[tilespmem:v19+s20+$0x0] =	vst.idx.msk $0xffff, v15;
	v19 =	vld [tilespmem:s5+$0xFFFFFFD0]  }
0x2da: {  	v10 =	vadd.f32 v10, v7;
	v12 =	vadd.s32 s10, v2;
	v15 =	vld [tilespmem:s29+$0x70]  }
0x2db: {  	[tilespmem:v11+s20+$0x0] =	vst.idx.msk $0xffff, v18;
	v11 =	vadd.s32 s6, v1;
	v13 =	vadd.f32 v13, v5  }
0x2dc: {  	v23 =	vadd.s32 s8, v1;
	v18 =	vld [tilespmem:s5+$0x10];
	[tilespmem:v9+s20+$0x0] =	vst.idx.msk $0xffff, v10;
	v9 =	vadd.f32 v14, v5  }
0x2dd: {  	v14 =	vadd.s32 s12, v3;
	v22 =	vld [tilespmem:s5+$0xFFFFFF90];
	[tilespmem:v8+s20+$0x0] =	vst.idx.msk $0xffff, v13;
	v8 =	vadd.f32 v17, v5  }
0x2de: {  	v16 =	vadd.s32 s9, v1;
	[tilespmem:v21+s20+$0x0] =	vst.idx.msk $0xffff, v9;
	v10 =	vadd.f32 v20, v6;
	v13 =	vld [tilespmem:s29+$0xFFFFFFB0]  }
0x2df: {  	v9 =	vld [tilespmem:s29+$0xFFFFFFF0];
	v20 =	vadd.f32 v19, v6;
	[tilespmem:v12+s20+$0x0] =	vst.idx.msk $0xffff, v8;
	v8 =	vadd.f32 v15, v4;
	v15 =	vadd.s32 s11, v1  }
0x2e0: {  	s12 =	simm.s32 $0xF880;
	v12 =	vadd.s32 s13, v3;
	[tilespmem:v11+s20+$0x0] =	vst.idx.msk $0xffff, v10;
	v10 =	vld [tilespmem:s29+$0x30]  }
0x2e1: {  	v17 =	vld [tilespmem:s12+$0x40];
	v19 =	vadd.f32 v18, v6;
	v11 =	vadd.s32 s30, v3;
	[tilespmem:v23+s20+$0x0] =	vst.idx.msk $0xffff, v20  }
0x2e2: {  	s0 =	simm.s32 $0xB;
	s1 =	simm.s32 $0xC;
	s13 =	simm.s32 $0x8;
	[tilespmem:v14+s20+$0x0] =	vst.idx.msk $0xffff, v8;
	v18 =	vadd.f32 v22, v6;
	v8 =	vld [tilespmem:s5+$0x60];
	v14 =	vadd.s32 s10, v3  }
.LBB2_39:
0x2e3: {  	p0 =	slt.u32 s1, $0x7C;
	v20 =	vld [tilespmem:s12+$0xFFFFFFC0];
	v21 =	vadd.s32 s0, v0;
	[tilespmem:v16+s20+$0x0] =	vst.idx.msk $0xffff, v19;
	v13 =	vadd.f32 v13, v4;
	s10 =	smov.u32 s9;
	s15 =	smov.u32 s5  }
0x2e4: {  	s14 =	sadd.s32 $0x1, s13;
	s5 =	smov.u32 s12;
	s17 =	smov.u32 s11;
	v16 =	vld [tilespmem:s12+$0x0];
	[tilespmem:v15+s20+$0x0] =	vst.idx.msk $0xffff, v18;
	v15 =	vadd.s32 s6, v2;
	v9 =	vadd.f32 v9, v4  }
0x2e5: {  	s9 =	sadd.s32 $0x2, s13;
	s11 =	smov.u32 s13;
	s13 =	smov.u32 s1;
	v19 =	vadd.s32 s14, v0;
	v18 =	vld [tilespmem:s12+$0xFFFFFF80];
	[tilespmem:v12+s20+$0x0] =	vst.idx.msk $0xffff, v13;
	v10 =	vadd.f32 v10, v4  }
0x2e6: {  	v12 =	vadd.s32 s9, v0;
	v13 =	vadd.f32 v17, v7;
	v17 =	vld [tilespmem:s15+$0xFFFFFFA0];
	[tilespmem:v11+s20+$0x0] =	vst.idx.msk $0xffff, v9  }
0x2e7: {  	v9 =	vadd.s32 s11, v0;
	v11 =	vld [tilespmem:s15+$0xFFFFFFE0];
	v8 =	vadd.f32 v8, v5;
	[tilespmem:v14+s20+$0x0] =	vst.idx.msk $0xffff, v10  }
0x2e8: {  	v10 =	vadd.f32 v20, v7;
	[tilespmem:v21+s20+$0x0] =	vst.idx.msk $0xffff, v13;
	v13 =	vadd.s32 s17, v2;
	v14 =	vld [tilespmem:s15+$0x20]  }
0x2e9: {  	v21 =	vadd.s32 s8, v2;
	v16 =	vadd.f32 v16, v7;
	v20 =	vld [tilespmem:s12+$0x50];
	[tilespmem:v15+s20+$0x0] =	vst.idx.msk $0xffff, v8  }
0x2ea: {  	v8 =	vadd.f32 v18, v7;
	[tilespmem:v19+s20+$0x0] =	vst.idx.msk $0xffff, v10;
	v10 =	vadd.s32 s10, v2;
	v18 =	vld [tilespmem:s15+$0x70]  }
0x2eb: {  	v19 =	vld [tilespmem:s12+$0xFFFFFFD0];
	[tilespmem:v12+s20+$0x0] =	vst.idx.msk $0xffff, v16;
	v12 =	vadd.s32 s0, v1;
	v15 =	vadd.f32 v17, v5  }
0x2ec: {  	v22 =	vadd.s32 s6, v3;
	s6 =	smov.u32 s0;
	[tilespmem:v9+s20+$0x0] =	vst.idx.msk $0xffff, v8;
	v8 =	vld [tilespmem:s12+$0x10];
	v9 =	vadd.f32 v11, v5  }
0x2ed: {  	v24 =	vadd.s32 s14, v1;
	v23 =	vld [tilespmem:s12+$0xFFFFFF90];
	[tilespmem:v13+s20+$0x0] =	vst.idx.msk $0xffff, v15;
	v11 =	vadd.f32 v14, v5  }
.Ltmp23:
0x2ee: {  	v16 =	vadd.s32 s9, v1;
	v14 =	vadd.f32 v20, v6;
	v13 =	vld [tilespmem:s15+$0xFFFFFFB0];
	[tilespmem:v21+s20+$0x0] =	vst.idx.msk $0xffff, v9;
	(pc) =	sbr.rel @p0 .LBB2_39-.Ltmp23, $4  }
0x2ef: {  	v15 =	vadd.s32 s11, v1;
	v9 =	vld [tilespmem:s15+$0xFFFFFFF0];
	[tilespmem:v10+s20+$0x0] =	vst.idx.msk $0xffff, v11;
	v18 =	vadd.f32 v18, v4  }
0x2f0: {  	s12 =	sadd.s32 $0x100, s12;
	v20 =	vadd.f32 v19, v6;
	[tilespmem:v12+s20+$0x0] =	vst.idx.msk $0xffff, v14;
	v12 =	vadd.s32 s17, v3;
	v10 =	vld [tilespmem:s15+$0x30]  }
0x2f1: {  	v11 =	vadd.s32 s8, v3;
	v17 =	vld [tilespmem:s12+$0x40];
	v19 =	vadd.f32 v8, v6;
	[tilespmem:v22+s20+$0x0] =	vst.idx.msk $0xffff, v18  }
0x2f2: {  	s1 =	sadd.s32 $0x4, s1;
	s0 =	sadd.s32 $0x3, s13;
	s8 =	smov.u32 s14;
	v14 =	vadd.s32 s10, v3;
	v18 =	vadd.f32 v23, v6;
	[tilespmem:v24+s20+$0x0] =	vst.idx.msk $0xffff, v20;
	v8 =	vld [tilespmem:s5+$0x60]  }
0x2f3: {  	v20 =	vld [tilespmem:s12+$0xFFFFFF80]  }
0x2f4: {  	v21 =	vld [tilespmem:s12+$0xFFFFFFC0];
	v22 =	vadd.s32 s0, v0  }
0x2f5: {  	s1 =	sadd.s32 $0x1, s13;
	v23 =	vld [tilespmem:s12+$0x0];
	v24 =	vadd.s32 s13, v0  }
0x2f6: {  	s10 =	sadd.s32 $0x2, s13;
	v25 =	vadd.s32 s1, v0  }
0x2f7: {  	v26 =	vadd.s32 s10, v0;
	v17 =	vadd.f32 v17, v7  }
0x2f8: {  	[tilespmem:v16+s20+$0x0] =	vst.idx.msk $0xffff, v19;
	v38 =	vadd.f32 v20, v7  }
0x2f9: {  	[tilespmem:v22+s20+$0x0] =	vst.idx.msk $0xffff, v17;
	v39 =	vadd.f32 v21, v7  }
0x2fa: {  	v7 =	vadd.f32 v23, v7;
	v40 =	vld [tilespmem:s12+$0x50];
	[tilespmem:v24+s20+$0x0] =	vst.idx.msk $0xffff, v38  }
0x2fb: {  	[tilespmem:v25+s20+$0x0] =	vst.idx.msk $0xffff, v39;
	v41 =	vld [tilespmem:s12+$0xFFFFFF90]  }
0x2fc: {  	v13 =	vadd.f32 v13, v4;
	[tilespmem:v26+s20+$0x0] =	vst.idx.msk $0xffff, v7;
	v7 =	vadd.s32 s0, v1;
	v42 =	vld [tilespmem:s12+$0xFFFFFFD0]  }
0x2fd: {  	v44 =	vadd.s32 s13, v1;
	[tilespmem:v15+s20+$0x0] =	vst.idx.msk $0xffff, v18;
	v9 =	vadd.f32 v9, v4;
	v43 =	vld [tilespmem:s12+$0x10]  }
0x2fe: {  	v45 =	vadd.s32 s1, v1;
	[tilespmem:v12+s20+$0x0] =	vst.idx.msk $0xffff, v13;
	v10 =	vadd.f32 v10, v4  }
0x2ff: {  	v46 =	vld [tilespmem:s5+$0xFFFFFFA0];
	[tilespmem:v11+s20+$0x0] =	vst.idx.msk $0xffff, v9;
	v9 =	vadd.s32 s10, v1;
	v11 =	vadd.f32 v40, v6  }
0x300: {  	v47 =	vadd.s32 s6, v2;
	v48 =	vld [tilespmem:s5+$0xFFFFFFE0];
	[tilespmem:v14+s20+$0x0] =	vst.idx.msk $0xffff, v10;
	v10 =	vadd.f32 v41, v6  }
0x301: {  	v49 =	vadd.s32 s11, v2;
	v50 =	vld [tilespmem:s5+$0x20];
	v19 =	vadd.f32 v42, v6;
	[tilespmem:v7+s20+$0x0] =	vst.idx.msk $0xffff, v11  }
0x302: {  	v7 =	vadd.s32 s8, v2;
	v6 =	vadd.f32 v43, v6;
	v11 =	vld [tilespmem:s12+$0x60];
	[tilespmem:v44+s20+$0x0] =	vst.idx.msk $0xffff, v10  }
0x303: {  	v8 =	vadd.f32 v8, v5;
	v10 =	vadd.s32 s9, v2;
	[tilespmem:v45+s20+$0x0] =	vst.idx.msk $0xffff, v19;
	v51 =	vld [tilespmem:s12+$0xFFFFFFA0]  }
0x304: {  	v13 =	vadd.f32 v46, v5;
	[tilespmem:v9+s20+$0x0] =	vst.idx.msk $0xffff, v6;
	v6 =	vadd.s32 s0, v2;
	v9 =	vld [tilespmem:s12+$0xFFFFFFE0]  }
0x305: {  	v52 =	vadd.s32 s13, v2;
	[tilespmem:v47+s20+$0x0] =	vst.idx.msk $0xffff, v8;
	v8 =	vadd.f32 v48, v5;
	v53 =	vld [tilespmem:s12+$0x20]  }
0x306: {  	v56 =	vadd.s32 s1, v2;
	v55 =	vadd.f32 v50, v5;
	v54 =	vld [tilespmem:s5+$0x70];
	[tilespmem:v49+s20+$0x0] =	vst.idx.msk $0xffff, v13  }
0x307: {  	v57 =	vld [tilespmem:s5+$0xFFFFFFB0];
	[tilespmem:v7+s20+$0x0] =	vst.idx.msk $0xffff, v8;
	v8 =	vadd.s32 s10, v2;
	v7 =	vadd.f32 v11, v5  }
0x308: {  	v11 =	vadd.s32 s6, v3;
	v58 =	vld [tilespmem:s5+$0xFFFFFFF0];
	[tilespmem:v10+s20+$0x0] =	vst.idx.msk $0xffff, v55;
	v10 =	vadd.f32 v51, v5  }
0x309: {  	v59 =	vadd.s32 s11, v3;
	v13 =	vld [tilespmem:s5+$0x30];
	[tilespmem:v6+s20+$0x0] =	vst.idx.msk $0xffff, v7;
	v6 =	vadd.f32 v9, v5  }
0x30a: {  	v7 =	vadd.s32 s8, v3;
	v5 =	vadd.f32 v53, v5;
	v9 =	vld [tilespmem:s12+$0x70];
	[tilespmem:v52+s20+$0x0] =	vst.idx.msk $0xffff, v10  }
0x30b: {  	v60 =	vadd.s32 s9, v3;
	v10 =	vadd.f32 v54, v4;
	[tilespmem:v56+s20+$0x0] =	vst.idx.msk $0xffff, v6;
	v61 =	vld [tilespmem:s12+$0xFFFFFFB0]  }
0x30c: {  	v62 =	vadd.s32 s0, v3;
	v6 =	vadd.f32 v57, v4;
	[tilespmem:v8+s20+$0x0] =	vst.idx.msk $0xffff, v5;
	v63 =	vld [tilespmem:s12+$0xFFFFFFF0]  }
0x30d: {  	v8 =	vadd.s32 s13, v3;
	v5 =	vadd.f32 v58, v4;
	[tilespmem:v11+s20+$0x0] =	vst.idx.msk $0xffff, v10;
	v10 =	vld [tilespmem:s12+$0x30]  }
0x30e: {  	[tilespmem:v59+s20+$0x0] =	vst.idx.msk $0xffff, v6;
	v11 =	vadd.s32 s1, v3;
	v6 =	vadd.f32 v13, v4  }
0x30f: {  	[tilespmem:v7+s20+$0x0] =	vst.idx.msk $0xffff, v5;
	v7 =	vadd.s32 s10, v3;
	v5 =	vadd.f32 v9, v4  }
0x310: {  	[tilespmem:v60+s20+$0x0] =	vst.idx.msk $0xffff, v6;
	v6 =	vadd.f32 v61, v4  }
0x311: {  	[tilespmem:v62+s20+$0x0] =	vst.idx.msk $0xffff, v5;
	v5 =	vadd.f32 v63, v4  }
0x312: {  	v4 =	vadd.f32 v10, v4;
	[tilespmem:v8+s20+$0x0] =	vst.idx.msk $0xffff, v6  }
0x313: {  	[tilespmem:v11+s20+$0x0] =	vst.idx.msk $0xffff, v5  }
0x314: {  	s2 =	simm.s32 $0x19702;
	[tilespmem:v7+s20+$0x0] =	vst.idx.msk $0xffff, v4  }
0x315: {  	v4 =	vld [tilespmem:s2+$0x81]  }
0x316: {  	s12 =	simm.s32 $0x0;
	v5 =	vld [tilespmem:s2+$0xFFFFFEFE]  }
0x317: {  	s13 =	simm.s32 $0x180;
	s0 =	sand.u32 $0x1C00, s12  }
0x318: {  	s15 =	sand.u32 $0x380, s13;
	s14 =	sadd.s32 $0x17600, s0  }
0x319: {  	s17 =	simm.s32 $0x183;
	s1 =	sadd.s32 s15, s14;
	v6 =	vld [tilespmem:s2+$0xFFFFFF7F]  }
0x31a: {  	s18 =	simm.s32 $0x0;
	s19 =	sand.u32 $0x1FFF, s17;
	s0 =	simm.s32 $0x17640;
	v7 =	vld [tilespmem:s2+$0x0];
	[tilespmem:s1+$0x0] =	vst v4  }
0x31b: {  	s23 =	simm.s32 $0x80;
	s26 =	sand.u32 $0x1FFC, s18;
	[tilespmem:s0+$0xFFFFFFC0] =	vst v5;
	v4 =	vld [tilespmem:s19+$0x19610]  }
0x31c: {  	s25 =	simm.s32 $0x100;
	s24 =	sand.u32 $0x280, s23;
	v5 =	vld [tilespmem:s26+$0x19610]  }
0x31d: {  	s29 =	simm.s32 $0x81;
	s28 =	sand.u32 $0x300, s25;
	s6 =	sadd.s32 s24, s14  }
0x31e: {  	s30 =	simm.s32 $0x102;
	s10 =	sand.u32 $0x1FFD, s29;
	s5 =	sadd.s32 s28, s14;
	[tilespmem:s6+$0x0] =	vst v6  }
0x31f: {  	s25 =	sand.u32 $0x1FFE, s30;
	[tilespmem:s5+$0x0] =	vst v7;
	v6 =	vld [tilespmem:s10+$0x19610]  }
0x320: {  	v7 =	vld [tilespmem:s25+$0x19610];
	[tilespmem:s1+$0x10] =	vst v4  }
0x321: {  	[tilespmem:s0+$0xFFFFFFD0] =	vst v5;
	v4 =	vld [tilespmem:s19+$0x19620]  }
0x322: {  	v5 =	vld [tilespmem:s26+$0x19620];
	_ =	sdelay $0x1  }
0x323: {  	[tilespmem:s6+$0x10] =	vst v6  }
0x324: {  	[tilespmem:s5+$0x10] =	vst v7;
	v6 =	vld [tilespmem:s10+$0x19620]  }
0x325: {  	v7 =	vld [tilespmem:s25+$0x19620];
	[tilespmem:s1+$0x20] =	vst v4  }
0x326: {  	[tilespmem:s0+$0xFFFFFFE0] =	vst v5;
	v4 =	vld [tilespmem:s19+$0x19630]  }
0x327: {  	v5 =	vld [tilespmem:s26+$0x19630];
	_ =	sdelay $0x1  }
0x328: {  	[tilespmem:s6+$0x20] =	vst v6  }
0x329: {  	[tilespmem:s5+$0x20] =	vst v7;
	v6 =	vld [tilespmem:s10+$0x19630]  }
0x32a: {  	v7 =	vld [tilespmem:s25+$0x19630];
	[tilespmem:s1+$0x30] =	vst v4  }
0x32b: {  	[tilespmem:s0+$0xFFFFFFF0] =	vst v5;
	v9 =	vld [tilespmem:s19+$0x19640]  }
0x32c: {  	p1 =	por $0x1, $0x1;
	v10 =	vld [tilespmem:s26+$0x19640]  }
.Ltmp24:
0x32d: {  	_ = 	snop;
	(pc) =	sbr.rel @!p1 .LBB2_41-.Ltmp24, $4  }
0x32e: {  	[tilespmem:s6+$0x30] =	vst v6  }
0x32f: {  	[tilespmem:s5+$0x30] =	vst v7;
	v8 =	vld [tilespmem:s10+$0x19640]  }
0x330: {  	v4 =	vld [tilespmem:s25+$0x19640];
	[tilespmem:s1+$0x40] =	vst v9  }
0x331: {  	p0 =	por $0x0, $0x0;
	s8 =	simm.s32 $0x19906;
	[tilespmem:s0+$0x0] =	vst v10;
	v5 =	vld [tilespmem:s19+$0x19650]  }
0x332: {  	v6 =	vld [tilespmem:s8+$0x81]  }
0x333: {  	v7 =	vld [tilespmem:s8+$0xFFFFFEFE];
	s2 =	simm.s32 $0x200  }
0x334: {  	s12 =	simm.s32 $0x380;
	s11 =	simm.s32 $0x17840;
	v9 =	vld [tilespmem:s8+$0x0];
	s2 =	sand.u32 $0x1C00, s2;
	[tilespmem:s6+$0x40] =	vst v8  }
0x335: {  	s9 =	simm.s32 $0x280;
	s24 =	sand.u32 $0x380, s12;
	v8 =	vld [tilespmem:s8+$0xFFFFFF7F];
	s2 =	sadd.s32 $0x17600, s2;
	[tilespmem:s5+$0x40] =	vst v4  }
0x336: {  	s14 =	simm.s32 $0x387;
	s29 =	simm.s32 $0x300;
	s13 =	sadd.s32 s24, s2;
	[tilespmem:s1+$0x50] =	vst v5;
	v5 =	vld [tilespmem:s26+$0x19650]  }
0x337: {  	s28 =	sand.u32 $0x280, s9;
	s15 =	sand.u32 $0x1FFF, s14;
	s9 =	sand.u32 $0x300, s29;
	v4 =	vld [tilespmem:s19+$0x19660];
	[tilespmem:s13+$0x0] =	vst v6  }
0x338: {  	s17 =	simm.s32 $0x204;
	s9 =	sadd.s32 s9, s2;
	[tilespmem:s11+$0xFFFFFFC0] =	vst v7;
	v6 =	vld [tilespmem:s15+$0x19610]  }
0x339: {  	s18 =	simm.s32 $0x285;
	s17 =	sand.u32 $0x1FFC, s17;
	s8 =	sadd.s32 s28, s2;
	v7 =	vld [tilespmem:s10+$0x19650];
	[tilespmem:s9+$0x0] =	vst v9  }
0x33a: {  	s30 =	simm.s32 $0x306;
	s18 =	sand.u32 $0x1FFD, s18;
	[tilespmem:s8+$0x0] =	vst v8;
	v8 =	vld [tilespmem:s17+$0x19610]  }
0x33b: {  	s23 =	sand.u32 $0x1FFE, s30;
	v9 =	vld [tilespmem:s18+$0x19610];
	[tilespmem:s0+$0x10] =	vst v5  }
0x33c: {  	v5 =	vld [tilespmem:s23+$0x19610];
	[tilespmem:s1+$0x60] =	vst v4  }
0x33d: {  	v4 =	vld [tilespmem:s19+$0x19670];
	[tilespmem:s13+$0x10] =	vst v6  }
0x33e: {  	[tilespmem:s6+$0x50] =	vst v7;
	v6 =	vld [tilespmem:s15+$0x19620]  }
0x33f: {  	v7 =	vld [tilespmem:s25+$0x19650];
	[tilespmem:s11+$0xFFFFFFD0] =	vst v8  }
0x340: {  	v8 =	vld [tilespmem:s17+$0x19620];
	[tilespmem:s8+$0x10] =	vst v9  }
0x341: {  	v9 =	vld [tilespmem:s18+$0x19620];
	[tilespmem:s9+$0x10] =	vst v5  }
0x342: {  	v5 =	vld [tilespmem:s23+$0x19620];
	[tilespmem:s1+$0x70] =	vst v4  }
0x343: {  	v4 =	vld [tilespmem:s26+$0x19660];
	[tilespmem:s13+$0x20] =	vst v6  }
0x344: {  	[tilespmem:s5+$0x50] =	vst v7;
	v6 =	vld [tilespmem:s15+$0x19630]  }
0x345: {  	v7 =	vld [tilespmem:s10+$0x19660];
	[tilespmem:s11+$0xFFFFFFE0] =	vst v8  }
0x346: {  	v8 =	vld [tilespmem:s17+$0x19630];
	[tilespmem:s8+$0x20] =	vst v9  }
0x347: {  	v9 =	vld [tilespmem:s18+$0x19630];
	[tilespmem:s9+$0x20] =	vst v5  }
0x348: {  	[tilespmem:s0+$0x20] =	vst v4;
	v4 =	vld [tilespmem:s25+$0x19660]  }
0x349: {  	v5 =	vld [tilespmem:s23+$0x19630];
	[tilespmem:s13+$0x30] =	vst v6  }
0x34a: {  	[tilespmem:s6+$0x60] =	vst v7;
	v10 =	vld [tilespmem:s15+$0x19640]  }
0x34b: {  	v7 =	vld [tilespmem:s26+$0x19670];
	[tilespmem:s11+$0xFFFFFFF0] =	vst v8  }
0x34c: {  	p1 =	por $0x1, $0x1;
	v11 =	vld [tilespmem:s17+$0x19640];
	[tilespmem:s8+$0x30] =	vst v9  }
.Ltmp25:
0x34d: {  	v8 =	vld [tilespmem:s18+$0x19640];
	[tilespmem:s5+$0x60] =	vst v4;
	(pc) =	sbr.rel @!p1 .LBB2_43-.Ltmp25, $4  }
0x34e: {  	v6 =	vld [tilespmem:s10+$0x19670];
	[tilespmem:s9+$0x30] =	vst v5  }
0x34f: {  	v4 =	vld [tilespmem:s23+$0x19640];
	[tilespmem:s13+$0x40] =	vst v10  }
0x350: {  	p0 =	por $0x1, $0x1;
	[tilespmem:s0+$0x30] =	vst v7;
	v5 =	vld [tilespmem:s15+$0x19650]  }
0x351: {  	s1 =	simm.s32 $0x4;
	s10 =	simm.s32 $0x17840;
	s0 =	simm.s32 $0x19B0A;
	v7 =	vld [tilespmem:s25+$0x19670];
	[tilespmem:s11+$0x0] =	vst v11  }
.LBB2_44:
0x352: {  	v9 =	vld [tilespmem:s0+$0x81];
	s1 =	sadd.s32 $0x4, s1;
	[tilespmem:s8+$0x40] =	vst v8;
	s12 =	sadd.s32 $0x200, s12;
	s10 =	sadd.s32 $0x200, s10  }
0x353: {  	v8 =	vld [tilespmem:s0+$0xFFFFFEFE];
	s2 =	sadd.s32 $0xFFFFFE80, s12;
	s19 =	sadd.s32 $0xFFFFFF00, s12;
	p1 =	slt.u32 s1, $0x3C;
	[tilespmem:s6+$0x70] =	vst v6  }
0x354: {  	s2 =	sand.u32 $0x1C00, s2;
	v6 =	vld [tilespmem:s0+$0xFFFFFF7F];
	s6 =	sand.u32 $0x280, s19;
	s19 =	sadd.s32 $0xFFFFFF80, s12;
	[tilespmem:s9+$0x40] =	vst v4  }
0x355: {  	s24 =	sand.u32 $0x380, s12;
	s2 =	sadd.s32 $0x17600, s2;
	v4 =	vld [tilespmem:s0+$0x0];
	s19 =	sand.u32 $0x300, s19;
	[tilespmem:s13+$0x50] =	vst v5  }
0x356: {  	s14 =	sadd.s32 $0x204, s14;
	s28 =	sadd.s32 s6, s2;
	s24 =	sadd.s32 s24, s2;
	v5 =	vld [tilespmem:s15+$0x19660];
	[tilespmem:s5+$0x70] =	vst v7  }
0x357: {  	s29 =	sand.u32 $0x1FFF, s14;
	s5 =	sadd.s32 $0xFFFFFEFE, s14;
	s2 =	sadd.s32 s19, s2;
	[tilespmem:s24+$0x0] =	vst v9;
	v7 =	vld [tilespmem:s17+$0x19650]  }
0x358: {  	s6 =	sadd.s32 $0xFFFFFE7D, s14;
	s25 =	sand.u32 $0x1FFD, s5;
	s5 =	sadd.s32 $0xFFFFFF7F, s14;
	[tilespmem:s10+$0xFFFFFFC0] =	vst v8;
	v8 =	vld [tilespmem:s29+$0x19610]  }
0x359: {  	s26 =	sand.u32 $0x1FFC, s6;
	s6 =	smov.u32 s8;
	s19 =	sand.u32 $0x1FFE, s5;
	[tilespmem:s28+$0x0] =	vst v6;
	v6 =	vld [tilespmem:s18+$0x19650]  }
0x35a: {  	s8 =	smov.u32 s28;
	s5 =	smov.u32 s9;
	s9 =	smov.u32 s2;
	v9 =	vld [tilespmem:s26+$0x19610];
	[tilespmem:s2+$0x0] =	vst v4  }
0x35b: {  	v4 =	vld [tilespmem:s25+$0x19610];
	[tilespmem:s13+$0x60] =	vst v5  }
0x35c: {  	[tilespmem:s11+$0x10] =	vst v7;
	v5 =	vld [tilespmem:s15+$0x19670];
	s15 =	smov.u32 s29  }
0x35d: {  	v7 =	vld [tilespmem:s19+$0x19610];
	[tilespmem:s24+$0x10] =	vst v8  }
0x35e: {  	v8 =	vld [tilespmem:s15+$0x19620];
	[tilespmem:s6+$0x50] =	vst v6  }
0x35f: {  	[tilespmem:s10+$0xFFFFFFD0] =	vst v9;
	v6 =	vld [tilespmem:s23+$0x19650]  }
0x360: {  	v9 =	vld [tilespmem:s26+$0x19620];
	[tilespmem:s8+$0x10] =	vst v4  }
0x361: {  	v4 =	vld [tilespmem:s25+$0x19620];
	[tilespmem:s13+$0x70] =	vst v5;
	s13 =	smov.u32 s24  }
0x362: {  	[tilespmem:s9+$0x10] =	vst v7;
	v5 =	vld [tilespmem:s17+$0x19660]  }
0x363: {  	v7 =	vld [tilespmem:s19+$0x19620];
	[tilespmem:s13+$0x20] =	vst v8  }
0x364: {  	v8 =	vld [tilespmem:s15+$0x19630];
	[tilespmem:s5+$0x50] =	vst v6  }
0x365: {  	[tilespmem:s10+$0xFFFFFFE0] =	vst v9;
	v6 =	vld [tilespmem:s18+$0x19660]  }
0x366: {  	v9 =	vld [tilespmem:s26+$0x19630];
	[tilespmem:s8+$0x20] =	vst v4  }
0x367: {  	v4 =	vld [tilespmem:s25+$0x19630];
	[tilespmem:s11+$0x20] =	vst v5  }
0x368: {  	[tilespmem:s9+$0x20] =	vst v7;
	v5 =	vld [tilespmem:s23+$0x19660]  }
0x369: {  	v7 =	vld [tilespmem:s19+$0x19630];
	[tilespmem:s13+$0x30] =	vst v8  }
0x36a: {  	v10 =	vld [tilespmem:s15+$0x19640];
	[tilespmem:s6+$0x60] =	vst v6  }
0x36b: {  	[tilespmem:s10+$0xFFFFFFF0] =	vst v9;
	v9 =	vld [tilespmem:s17+$0x19670];
	s17 =	smov.u32 s26  }
0x36c: {  	v11 =	vld [tilespmem:s17+$0x19640];
	[tilespmem:s8+$0x30] =	vst v4  }
.Ltmp26:
0x36d: {  	v8 =	vld [tilespmem:s25+$0x19640];
	[tilespmem:s5+$0x60] =	vst v5;
	(pc) =	sbr.rel @p1 .LBB2_44-.Ltmp26, $4  }
0x36e: {  	[tilespmem:s9+$0x30] =	vst v7;
	v6 =	vld [tilespmem:s18+$0x19670];
	s18 =	smov.u32 s25  }
0x36f: {  	v4 =	vld [tilespmem:s19+$0x19640];
	[tilespmem:s13+$0x40] =	vst v10  }
0x370: {  	v5 =	vld [tilespmem:s15+$0x19650];
	[tilespmem:s11+$0x30] =	vst v9;
	s11 =	smov.u32 s10  }
0x371: {  	s0 =	sadd.s32 $0x204, s0;
	[tilespmem:s10+$0x0] =	vst v11;
	v7 =	vld [tilespmem:s23+$0x19670];
	s23 =	smov.u32 s19  }
0x372: {  	s1 =	smov.u32 s13;
	s19 =	smov.u32 s15;
	s26 =	smov.u32 s17  }
0x373: {  	s10 =	smov.u32 s18;
	s0 =	smov.u32 s11;
	s25 =	smov.u32 s23  }
.LBB2_46:
0x374: {  	[tilespmem:s8+$0x40] =	vst v8;
	v61 =	vld [tilespmem:s26+$0x19650]  }
0x375: {  	[tilespmem:s9+$0x40] =	vst v4;
	v4 =	vld [tilespmem:s10+$0x19650]  }
0x376: {  	v9 =	vld [tilespmem:s25+$0x19650];
	_ =	sdelay $0x1  }
0x377: {  	[tilespmem:s1+$0x50] =	vst v5  }
0x378: {  	v5 =	vld [tilespmem:s19+$0x19660];
	[tilespmem:s0+$0x10] =	vst v61  }
0x379: {  	[tilespmem:s8+$0x50] =	vst v4;
	v4 =	vld [tilespmem:s26+$0x19660]  }
0x37a: {  	[tilespmem:s9+$0x50] =	vst v9;
	v62 =	vld [tilespmem:s10+$0x19660]  }
0x37b: {  	v9 =	vld [tilespmem:s25+$0x19660];
	_ =	sdelay $0x1  }
0x37c: {  	[tilespmem:s1+$0x60] =	vst v5  }
0x37d: {  	[tilespmem:s0+$0x20] =	vst v4;
	v4 =	vld [tilespmem:s19+$0x19670]  }
0x37e: {  	[tilespmem:s8+$0x60] =	vst v62;
	v5 =	vld [tilespmem:s26+$0x19670]  }
0x37f: {  	[tilespmem:s9+$0x60] =	vst v9;
	v8 =	vld [tilespmem:s10+$0x19670]  }
0x380: {  	[tilespmem:s6+$0x70] =	vst @p0 v6;
	s16 =	sadd.s32 $0x1, s16;
	v63 =	vld [tilespmem:s25+$0x19670]  }
0x381: {  	[tilespmem:s5+$0x70] =	vst @p0 v7;
	p0 =	sne.s32 s16, $0x32  }
.Ltmp27:
0x382: {  	s28 =	sshll.u32 s3, $0x12;
	[tilespmem:s1+$0x70] =	vst v4;
	(pc) =	sbr.rel @p0 .LBB2_2-.Ltmp27, $4  }
.Ltmp28:
0x383: {  	s29 =	sor.u32 s7, s28;
	[tilespmem:s0+$0x30] =	vst v5;
	(pc) =	sbr.rel @!p0 .LBB2_47-.Ltmp28, $4  }
0x384: {  	s0 =	sshrl.u32 s29, $0x3;
	[tilespmem:s8+$0x70] =	vst v8  }
0x385: {  	s30 =	simm.s32 $0x17600;
	[tilespmem:s9+$0x70] =	vst v63;
	s0 =	sadd.s32 s31, s0  }
0x386: {  	[hbm4b:s0+s21] =	stream.strided.scatter [tilespmem:s30], [sflag:$0x8], $0x2000, s22, s21, $0x38;
	[tilespmem:$0x1B640] =	vst v63  }
0x387: {  	_ = 	snop  }
.LBB2_5:
.Ltmp29:
0x388: {  	(pc) =	sbr.rel .LBB2_10-.Ltmp29, $2  }
0x389: {  	_ =	sdelay $0x2  }
0x38a: {  	s8 =	smov.u32 s6;
	s11 =	smov.u32 s5  }
.LBB2_17:
.Ltmp30:
0x38b: {  	(pc) =	sbr.rel .LBB2_22-.Ltmp30, $2  }
0x38c: {  	_ =	sdelay $0x2  }
0x38d: {  	s8 =	smov.u32 s11;
	s6 =	smov.u32 s9  }
.LBB2_29:
.Ltmp31:
0x38e: {  	(pc) =	sbr.rel .LBB2_34-.Ltmp31, $2  }
0x38f: {  	_ =	sdelay $0x2  }
0x390: {  	s11 =	smov.u32 s8;
	s9 =	smov.u32 s6  }
.LBB2_41:
.Ltmp32:
0x391: {  	(pc) =	sbr.rel .LBB2_46-.Ltmp32, $2  }
0x392: {  	_ =	sdelay $0x2  }
0x393: {  	s8 =	smov.u32 s6;
	s9 =	smov.u32 s5  }
.LBB2_7:
.Ltmp33:
0x394: {  	(pc) =	sbr.rel .LBB2_10-.Ltmp33, $4  }
0x395: {  	_ = 	snop  }
0x396: {  	s29 =	smov.u32 s13  }
0x397: {  	s10 =	smov.u32 s17;
	s25 =	smov.u32 s18;
	s1 =	smov.u32 s23  }
0x398: {  	s30 =	simm.s32 $0x11840;
	s0 =	smov.u32 s26;
	s31 =	rddreg [dreg:$0x1]  }
.LBB2_19:
.Ltmp34:
0x399: {  	(pc) =	sbr.rel .LBB2_22-.Ltmp34, $4  }
0x39a: {  	_ = 	snop  }
0x39b: {  	s1 =	smov.u32 s15  }
0x39c: {  	s19 =	smov.u32 s18;
	s29 =	smov.u32 s23;
	s10 =	smov.u32 s26  }
0x39d: {  	s0 =	simm.s32 $0x13840;
	s25 =	smov.u32 s30;
	s31 =	rddreg [dreg:$0x1]  }
.LBB2_31:
.Ltmp35:
0x39e: {  	(pc) =	sbr.rel .LBB2_34-.Ltmp35, $3  }
0x39f: {  	_ =	sdelay $0x1  }
0x3a0: {  	s1 =	smov.u32 s14;
	s19 =	smov.u32 s17;
	s29 =	smov.u32 s18  }
0x3a1: {  	s10 =	smov.u32 s23;
	s0 =	simm.s32 $0x15840;
	s25 =	smov.u32 s26  }
.LBB2_43:
.Ltmp36:
0x3a2: {  	(pc) =	sbr.rel .LBB2_46-.Ltmp36, $3  }
0x3a3: {  	_ =	sdelay $0x1  }
0x3a4: {  	s1 =	smov.u32 s13;
	s19 =	smov.u32 s15;
	s26 =	smov.u32 s17  }
0x3a5: {  	s10 =	smov.u32 s18;
	s0 =	simm.s32 $0x17840;
	s25 =	smov.u32 s23  }
.LBB2_48:
0x3a6: {  	_ =	sfence.sel $0x180000  }
0x3a7: {  	[bflag:$0x0] =	sbarrier.arrive $0xFFFF  }
0x3a8: {  	_ =	strace $0x90000047  }
0x3a9: {  	s0 =	stileid.u32;
	[bflag:$0x2] =	sbarrier.arrive $0xFFFF  }
0x3aa: {  	p0 =	sne.s32 s0, $0x0;
	s0 =	rddreg [dreg:$0x2]  }
0x3ab: {  	s0 =	sadd.s32 @!p0 $0x100000, s0  }
0x3ac: {  	[sflag:s0] =	ssyncadd.tile.s32 @!p0 $0x1;
	_ =	shalt  }
.Lfunc_end2:
_tile_overlayer_lowered:
.L_overlay_start_2:
0x3ad: {  	(tag) =	ssettag $0x2  }
0x3ae: {  	s0 =	rddreg [dreg:$0x0];
	s2 =	stileid.u32  }
0x3af: {  	s1 =	rddreg [dreg:$0x1];
	p0 =	sne.s32 s2, $0x0  }
0x3b0: {  	s3 =	rddreg [dreg:$0x2];
	[bflag:$0x3] =	sbarrier.arrive $0xFFFF;
	s2 =	simm.s32 @!p0 $0x1C09  }
0x3b1: {  	[timem:s3], [sflag:s2] =	dma.local @!p0 [hbm:s0], s1  }
0x3b2: {  	s0 =	simm.s32 @!p0 $0x9  }
0x3b3: {  	_ =	swait.ge @!p0 [sflag:s0], s1  }
0x3b4: {  	s1 =	ssub.s32 @!p0 $0x0, s1;
	[sflag:s0] =	ssyncset.done @!p0 $0x0  }
0x3b5: {  	[sflag:s0] =	ssyncadd.s32 @!p0 s1  }
0x3b6: {  	[bflag:$0x3] =	sbarrier.arrive $0xFFFF  }
0x3b7: {  	_ =	shalt  }

</sc_bundles>
